<compile_context>
chip_gen: v7x
topology: tpu7x:2x2x1
jax: 0.10.2.dev20260603
libtpu: 0.0.44.dev20260713+nightly
codegen_flags: <defaults>
</compile_context>

<pallas_src>
import functools

import jax
import jax.numpy as jnp
from jax import lax
from jax.experimental import pallas as pl
from jax.experimental.pallas import tpu as pltpu
from jax.experimental.pallas import tpu_sc as plsc

N = 10000
E = 320000
FEAT = 128
HID = 128
CLS = 64

NC, NS = 2, 16
NT = NC * NS
CH = 128
ROWS = E // CH
RPW = 80
LROWS = ROWS - (NT - 1) * RPW
IH = 40
ARP = 624
REM_BASE = NS * ARP
REM = N - REM_BASE
ZCH = 104
RB = 2000

_mesh = plsc.VectorSubcoreMesh(core_axis_name="c", subcore_axis_name="s")
_sc_params = pltpu.CompilerParams(use_tc_tiling_on_sc=False)



DW = 16

DLAG = 8

@functools.partial(
    pl.kernel,
    out_type=jax.ShapeDtypeStruct((2 * N, DW), jnp.float32),
    mesh=_mesh,
    compiler_params=_sc_params,
    scratch_types=[
        pltpu.VMEM_SHARED((N, DW), jnp.float32),
        pltpu.VMEM((RPW, CH), jnp.int32),
        pltpu.VMEM((CH, DW), jnp.float32),
        pltpu.VMEM((ZCH, DW), jnp.float32),
        pltpu.SemaphoreType.DMA,
    ],
)
def _deg_kernel(dst2_hbm, out_hbm, acc_sh, didx, ones_v, zeros_v, sem):
    c = lax.axis_index("c")
    s = lax.axis_index("s")
    wid = c * NS + s
    rbase = s * ARP
    ones16 = jnp.ones((DW,), jnp.float32)
    zeros16 = jnp.zeros((DW,), jnp.float32)

    rowbase = wid * RPW
    nrows = jnp.where(wid == NT - 1, LROWS, RPW)

    @pl.when(wid < NT - 1)
    def _():
        pltpu.sync_copy(dst2_hbm.at[pl.ds(rowbase, RPW)], didx)

    @pl.when(wid == NT - 1)
    def _():
        pltpu.sync_copy(dst2_hbm.at[pl.ds(rowbase, LROWS)],
                        didx.at[pl.ds(0, LROWS)])

    def ob(i, carry):
        ones_v[i] = ones16
        return carry

    lax.fori_loop(0, CH, ob, 0)

    def zb(i, carry):
        zeros_v[i] = zeros16
        return carry

    lax.fori_loop(0, ZCH, zb, 0)
    for k in range(ARP // ZCH):
        pltpu.sync_copy(zeros_v, acc_sh.at[pl.ds(rbase + k * ZCH, ZCH)])

    @pl.when(s == NS - 1)
    def _():
        pltpu.sync_copy(zeros_v.at[pl.ds(0, REM)],
                        acc_sh.at[pl.ds(REM_BASE, REM)])

    plsc.subcore_barrier()

    def body(j, carry):
        pltpu.sync_copy(ones_v, acc_sh.at[didx.at[j]], add=True)
        return carry

    lax.fori_loop(0, nrows, body, 0)

    plsc.subcore_barrier()
    pltpu.sync_copy(acc_sh.at[pl.ds(rbase, ARP)],
                    out_hbm.at[pl.ds(c * N + rbase, ARP)])

    @pl.when(s == NS - 1)
    def _():
        pltpu.sync_copy(acc_sh.at[pl.ds(REM_BASE, REM)],
                        out_hbm.at[pl.ds(c * N + REM_BASE, REM)])



def _make_agg(F):
    @functools.partial(
        pl.kernel,
        out_type=jax.ShapeDtypeStruct((2 * N, F), jnp.float32),
        mesh=_mesh,
        compiler_params=_sc_params,
        scratch_types=[
            pltpu.VMEM_SHARED((N, F), jnp.float32),
            pltpu.VMEM((CH,), jnp.int32),
            pltpu.VMEM((CH,), jnp.int32),
            pltpu.VMEM((RPW, CH), jnp.int32),
            pltpu.VMEM((CH, F), jnp.float32),
            pltpu.VMEM((CH, F), jnp.float32),
            pltpu.SemaphoreType.DMA,
            pltpu.SemaphoreType.DMA,
            pltpu.SemaphoreType.DMA,
        ],
    )
    def agg(g_hbm, src_hbm, dst2_hbm, out_hbm,
            acc_sh, sidxa, sidxb, didx, buf0, buf1, sem, sem2, sem3):
        c = lax.axis_index("c")
        s = lax.axis_index("s")
        wid = c * NS + s
        rbase = s * ARP
        rowbase = wid * RPW
        nrows = jnp.where(wid == NT - 1, LROWS, RPW)

        @pl.when(c == 0)
        def _():
            pltpu.sync_copy(g_hbm.at[pl.ds(rbase, ARP)],
                            acc_sh.at[pl.ds(rbase, ARP)])

            @pl.when(s == NS - 1)
            def _():
                pltpu.sync_copy(g_hbm.at[pl.ds(REM_BASE, REM)],
                                acc_sh.at[pl.ds(REM_BASE, REM)])

        @pl.when(c != 0)
        def _():
            zeros16 = jnp.zeros((16,), jnp.float32)

            def zb(i, carry):
                r = i // (F // 16)
                k = i % (F // 16)
                buf0[r, pl.ds(k * 16, 16)] = zeros16
                return carry

            lax.fori_loop(0, CH * F // 16, zb, 0)
            for k in range(ARP // CH):
                pltpu.sync_copy(buf0, acc_sh.at[pl.ds(rbase + k * CH, CH)])
            pltpu.sync_copy(buf0.at[pl.ds(0, ARP - (ARP // CH) * CH)],
                            acc_sh.at[pl.ds(rbase + (ARP // CH) * CH,
                                            ARP - (ARP // CH) * CH)])

            @pl.when(s == NS - 1)
            def _():
                pltpu.sync_copy(buf0.at[pl.ds(0, REM)],
                                acc_sh.at[pl.ds(REM_BASE, REM)])

        plsc.subcore_barrier()

        @pl.when(wid == NT - 1)
        def _():
            pltpu.sync_copy(dst2_hbm.at[pl.ds(rowbase, LROWS)],
                            didx.at[pl.ds(0, LROWS)])

        @pl.when(wid < NT - 1)
        def _():
            pltpu.sync_copy(dst2_hbm.at[pl.ds(rowbase, RPW)], didx)

        ebase = rowbase * CH
        pltpu.sync_copy(src_hbm.at[pl.ds(ebase, CH)], sidxa)
        pltpu.sync_copy(src_hbm.at[pl.ds(ebase + CH, CH)], sidxb)
        pltpu.async_copy(g_hbm.at[sidxa], buf0, sem).wait()

        def body(k, carry):
            j0 = 2 * k
            hb = pltpu.async_copy(g_hbm.at[sidxb], buf1, sem)
            s0 = pltpu.async_copy(buf0, acc_sh.at[didx.at[j0]], sem3,
                                  add=True)

            @pl.when(j0 + 2 < nrows)
            def _():
                ra = pltpu.async_copy(
                    src_hbm.at[pl.ds(ebase + (j0 + 2) * CH, CH)],
                    sidxa, sem2)
                hb.wait()
                ra.wait()
                s0.wait()
                ha = pltpu.async_copy(g_hbm.at[sidxa], buf0, sem)
                s1 = pltpu.async_copy(buf1, acc_sh.at[didx.at[j0 + 1]],
                                      sem3, add=True)

                @pl.when(j0 + 3 < nrows)
                def _():
                    pltpu.async_copy(
                        src_hbm.at[pl.ds(ebase + (j0 + 3) * CH, CH)],
                        sidxb, sem2).wait()

                ha.wait()
                s1.wait()

            @pl.when(j0 + 2 >= nrows)
            def _():
                hb.wait()
                s0.wait()
                pltpu.sync_copy(buf1, acc_sh.at[didx.at[j0 + 1]], add=True)

            return carry

        lax.fori_loop(0, nrows // 2, body, 0)

        plsc.subcore_barrier()
        pltpu.sync_copy(acc_sh.at[pl.ds(rbase, ARP)],
                        out_hbm.at[pl.ds(c * N + rbase, ARP)])

        @pl.when(s == NS - 1)
        def _():
            pltpu.sync_copy(acc_sh.at[pl.ds(REM_BASE, REM)],
                            out_hbm.at[pl.ds(c * N + REM_BASE, REM)])

    return agg


_agg128 = _make_agg(HID)
_agg64 = _make_agg(CLS)



RPW2 = 160
LROWS2 = ROWS - (NS - 1) * RPW2

def _make_agg_cs(F):
    FH = F // 2

    @functools.partial(
        pl.kernel,
        out_type=jax.ShapeDtypeStruct((N, F), jnp.float32),
        mesh=_mesh,
        compiler_params=_sc_params,
        scratch_types=[
            pltpu.VMEM_SHARED((N, FH), jnp.float32),
            pltpu.VMEM_SHARED((N, FH), jnp.float32),
            pltpu.VMEM((CH,), jnp.int32),
            pltpu.VMEM((CH,), jnp.int32),
            pltpu.VMEM((RPW2, CH), jnp.int32),
            pltpu.VMEM((CH, FH), jnp.float32),
            pltpu.VMEM((CH, FH), jnp.float32),
            pltpu.SemaphoreType.DMA,
            pltpu.SemaphoreType.DMA,
            pltpu.SemaphoreType.DMA,
        ],
    )
    def agg(g_hbm, src_hbm, dst2_hbm, out_hbm,
            gtab_sh, acc_sh, sidxa, sidxb, didx, buf0, buf1,
            sem, sem2, sem3):
        c = lax.axis_index("c")
        s = lax.axis_index("s")
        rbase = s * ARP
        colbase = c * FH

        pltpu.sync_copy(g_hbm.at[pl.ds(rbase, ARP), pl.ds(colbase, FH)],
                        gtab_sh.at[pl.ds(rbase, ARP)])
        pltpu.sync_copy(g_hbm.at[pl.ds(rbase, ARP), pl.ds(colbase, FH)],
                        acc_sh.at[pl.ds(rbase, ARP)])

        @pl.when(s == NS - 1)
        def _():
            pltpu.sync_copy(
                g_hbm.at[pl.ds(REM_BASE, REM), pl.ds(colbase, FH)],
                gtab_sh.at[pl.ds(REM_BASE, REM)])
            pltpu.sync_copy(
                g_hbm.at[pl.ds(REM_BASE, REM), pl.ds(colbase, FH)],
                acc_sh.at[pl.ds(REM_BASE, REM)])

        rowbase = s * RPW2
        nrows = jnp.where(s == NS - 1, LROWS2, RPW2)

        @pl.when(s == NS - 1)
        def _():
            pltpu.sync_copy(dst2_hbm.at[pl.ds(rowbase, LROWS2)],
                            didx.at[pl.ds(0, LROWS2)])

        @pl.when(s < NS - 1)
        def _():
            pltpu.sync_copy(dst2_hbm.at[pl.ds(rowbase, RPW2)], didx)

        plsc.subcore_barrier()

        ebase = rowbase * CH
        pltpu.sync_copy(src_hbm.at[pl.ds(ebase, CH)], sidxa)
        pltpu.sync_copy(src_hbm.at[pl.ds(ebase + CH, CH)], sidxb)
        pltpu.async_copy(gtab_sh.at[sidxa], buf0, sem).wait()

        def body(k, carry):
            j0 = 2 * k
            hb = pltpu.async_copy(gtab_sh.at[sidxb], buf1, sem)
            s0 = pltpu.async_copy(buf0, acc_sh.at[didx.at[j0]], sem3,
                                  add=True)

            @pl.when(j0 + 2 < nrows)
            def _():
                ra = pltpu.async_copy(
                    src_hbm.at[pl.ds(ebase + (j0 + 2) * CH, CH)],
                    sidxa, sem2)
                hb.wait()
                ra.wait()
                s0.wait()
                ha = pltpu.async_copy(gtab_sh.at[sidxa], buf0, sem)
                s1 = pltpu.async_copy(buf1, acc_sh.at[didx.at[j0 + 1]],
                                      sem3, add=True)

                @pl.when(j0 + 3 < nrows)
                def _():
                    pltpu.async_copy(
                        src_hbm.at[pl.ds(ebase + (j0 + 3) * CH, CH)],
                        sidxb, sem2).wait()

                ha.wait()
                s1.wait()

            @pl.when(j0 + 2 >= nrows)
            def _():
                hb.wait()
                s0.wait()
                pltpu.sync_copy(buf1, acc_sh.at[didx.at[j0 + 1]], add=True)

            return carry

        lax.fori_loop(0, nrows // 2, body, 0)

        plsc.subcore_barrier()
        pltpu.sync_copy(acc_sh.at[pl.ds(rbase, ARP)],
                        out_hbm.at[pl.ds(rbase, ARP), pl.ds(colbase, FH)])

        @pl.when(s == NS - 1)
        def _():
            pltpu.sync_copy(
                acc_sh.at[pl.ds(REM_BASE, REM)],
                out_hbm.at[pl.ds(REM_BASE, REM), pl.ds(colbase, FH)])

    return agg


_aggcs128 = _make_agg_cs(HID)
_aggcs64 = _make_agg_cs(CLS)



def _g1_body(d0_ref, d1_ref, x_ref, w_ref, g_ref, dinv_ref):
    deg = (d0_ref[...] + d1_ref[...])[:, 0:1] + 1.0
    dinv = lax.rsqrt(deg)
    h = jnp.dot(jnp.maximum(x_ref[...], 0.0), w_ref[...],
                preferred_element_type=jnp.float32)
    g_ref[...] = dinv * h
    dinv_ref[...] = dinv


def _tc_g1(d0, d1, x, w1):
    return pl.pallas_call(
        _g1_body,
        grid=(N // RB,),
        in_specs=[
            pl.BlockSpec((RB, DW), lambda i: (i, 0)),
            pl.BlockSpec((RB, DW), lambda i: (i, 0)),
            pl.BlockSpec((RB, FEAT), lambda i: (i, 0)),
            pl.BlockSpec((FEAT, HID), lambda i: (0, 0)),
        ],
        out_specs=[
            pl.BlockSpec((RB, HID), lambda i: (i, 0)),
            pl.BlockSpec((RB, 1), lambda i: (i, 0)),
        ],
        out_shape=[
            jax.ShapeDtypeStruct((N, HID), jnp.float32),
            jax.ShapeDtypeStruct((N, 1), jnp.float32),
        ],
    )(d0, d1, x, w1)


def _g2_body(a0_ref, a1_ref, dinv_ref, b1_ref, w_ref, g_ref):
    dinv = dinv_ref[...]
    t = dinv * (a0_ref[...] + a1_ref[...]) + b1_ref[...]
    h = jnp.maximum(t, 0.0)
    g_ref[...] = dinv * jnp.dot(h, w_ref[...],
                                preferred_element_type=jnp.float32)


def _tc_g2(a0, a1, dinv, b1, w2):
    return pl.pallas_call(
        _g2_body,
        grid=(N // RB,),
        in_specs=[
            pl.BlockSpec((RB, HID), lambda i: (i, 0)),
            pl.BlockSpec((RB, HID), lambda i: (i, 0)),
            pl.BlockSpec((RB, 1), lambda i: (i, 0)),
            pl.BlockSpec((1, HID), lambda i: (0, 0)),
            pl.BlockSpec((HID, CLS), lambda i: (0, 0)),
        ],
        out_specs=pl.BlockSpec((RB, CLS), lambda i: (i, 0)),
        out_shape=jax.ShapeDtypeStruct((N, CLS), jnp.float32),
    )(a0, a1, dinv, b1, w2)


def _g2s_body(a_ref, dinv_ref, b1_ref, w_ref, g_ref):
    dinv = dinv_ref[...]
    t = dinv * a_ref[...] + b1_ref[...]
    h = jnp.maximum(t, 0.0)
    g_ref[...] = dinv * jnp.dot(h, w_ref[...],
                                preferred_element_type=jnp.float32)


def _tc_g2s(a, dinv, b1, w2):
    return pl.pallas_call(
        _g2s_body,
        grid=(N // RB,),
        in_specs=[
            pl.BlockSpec((RB, HID), lambda i: (i, 0)),
            pl.BlockSpec((RB, 1), lambda i: (i, 0)),
            pl.BlockSpec((1, HID), lambda i: (0, 0)),
            pl.BlockSpec((HID, CLS), lambda i: (0, 0)),
        ],
        out_specs=pl.BlockSpec((RB, CLS), lambda i: (i, 0)),
        out_shape=jax.ShapeDtypeStruct((N, CLS), jnp.float32),
    )(a, dinv, b1, w2)


def _outs_body(a_ref, dinv_ref, b2_ref, o_ref):
    o_ref[...] = dinv_ref[...] * a_ref[...] + b2_ref[...]


def _tc_outs(a, dinv, b2):
    return pl.pallas_call(
        _outs_body,
        grid=(N // RB,),
        in_specs=[
            pl.BlockSpec((RB, CLS), lambda i: (i, 0)),
            pl.BlockSpec((RB, 1), lambda i: (i, 0)),
            pl.BlockSpec((1, CLS), lambda i: (0, 0)),
        ],
        out_specs=pl.BlockSpec((RB, CLS), lambda i: (i, 0)),
        out_shape=jax.ShapeDtypeStruct((N, CLS), jnp.float32),
    )(a, dinv, b2)


def _out_body(a0_ref, a1_ref, dinv_ref, b2_ref, o_ref):
    o_ref[...] = (dinv_ref[...] * (a0_ref[...] + a1_ref[...])
                  + b2_ref[...])


def _tc_out(a0, a1, dinv, b2):
    return pl.pallas_call(
        _out_body,
        grid=(N // RB,),
        in_specs=[
            pl.BlockSpec((RB, CLS), lambda i: (i, 0)),
            pl.BlockSpec((RB, CLS), lambda i: (i, 0)),
            pl.BlockSpec((RB, 1), lambda i: (i, 0)),
            pl.BlockSpec((1, CLS), lambda i: (0, 0)),
        ],
        out_specs=pl.BlockSpec((RB, CLS), lambda i: (i, 0)),
        out_shape=jax.ShapeDtypeStruct((N, CLS), jnp.float32),
    )(a0, a1, dinv, b2)



def kernel(x, edge_index, W1, b1, W2, b2):
    src1 = edge_index[0]
    dst2 = edge_index[1].reshape(ROWS, CH)

    degp = _deg_kernel(dst2)
    g1, dinv = _tc_g1(degp[:N], degp[N:], x, W1)

    agg1 = _aggcs128(g1, src1, dst2)
    g2 = _tc_g2s(agg1, dinv, b1.reshape(1, HID), W2)

    agg2 = _aggcs64(g2, src1, dst2)
    return _tc_outs(agg2, dinv, b2.reshape(1, CLS))

# --- scband reference (transcript-rebuilt; emitter-appended) ---
"""Pipeline reference for scband-gcn-12584254177620 (READ-ONLY COPY).

The authoritative reference and input builder live on the scoring server;
editing this copy changes nothing except your own understanding.
"""

import jax, jax.numpy as jnp
import numpy as np

N = 10000
E = 320000
FEAT = 128
HID = 128
CLS = 64


def setup_inputs(seed: int = 0) -> dict:
    key = jax.random.key(seed)
    k1, k2, k3, k4 = jax.random.split(key, 4)
    x = jax.random.normal(k1, (N, FEAT), dtype=jnp.float32)
    edge_index = jax.random.randint(k2, (2, E), 0, N, dtype=jnp.int32)
    W1 = jax.random.normal(k3, (FEAT, HID), dtype=jnp.float32) * (1.0 / np.sqrt(FEAT))
    b1 = jnp.zeros((HID,), dtype=jnp.float32)
    W2 = jax.random.normal(k4, (HID, CLS), dtype=jnp.float32) * (1.0 / np.sqrt(HID))
    b2 = jnp.zeros((CLS,), dtype=jnp.float32)
    return {"x": x, "edge_index": edge_index, "W1": W1, "b1": b1, "W2": W2, "b2": b2}


def gcn_conv(x, edge_index, W, b):
    # x' = D^{-1/2} (A + I) D^{-1/2} X W + b  (PyG GCNConv with add_self_loops=True)
    h = x @ W
    loop = jnp.arange(N, dtype=edge_index.dtype)
    src = jnp.concatenate([edge_index[0], loop])
    dst = jnp.concatenate([edge_index[1], loop])
    deg = jnp.zeros((N,), dtype=h.dtype).at[dst].add(1.0)
    dinv = jnp.where(deg > 0, 1.0 / jnp.sqrt(deg), 0.0)
    norm = dinv[src] * dinv[dst]
    msg = h[src] * norm[:, None]
    out = jnp.zeros((N, h.shape[1]), dtype=h.dtype).at[dst].add(msg)
    return out + b


def reference(x, edge_index, W1, b1, W2, b2):
    # dropout omitted for determinism (inference semantics); relu applied before each conv
    h = jax.nn.relu(x)
    h = gcn_conv(h, edge_index, W1, b1)
    h = jax.nn.relu(h)
    h = gcn_conv(h, edge_index, W2, b2)
    return h

if __name__ == "__main__":
    import jax
    _d = setup_inputs()
    print(jax.jit(kernel)(*tuple(_d.values())))

</pallas_src>

<mosaic_0001>
#map = affine_map<(d0, d1) -> (0, 0)>
module attributes {stable_mosaic.version = 14 : i64} {
  func.func @_deg_kernel(%arg0: i32, %arg1: i32, %arg2: memref<2500x128xi32, #tpu.memory_space<hbm>>, %arg3: memref<20000x16xf32, #tpu.memory_space<hbm>>, %arg4: memref<10000x16xf32, #tpu.memory_space<vmem_shared>>, %arg5: memref<80x128xi32, #tpu.memory_space<vmem>>, %arg6: memref<128x16xf32, #tpu.memory_space<vmem>>, %arg7: memref<104x16xf32, #tpu.memory_space<vmem>>, %arg8: memref<!tpu.dma_semaphore, #tpu.memory_space<semaphore_mem>>) attributes {dimension_semantics = [#tpu.dimension_semantics<core_parallel>, #tpu.dimension_semantics<subcore_parallel>], iteration_bounds = array<i64: 2, 16>, scalar_prefetch = 0 : i64, scratch_operands = 5 : i64, tpu.core_type = #tpu.core_type<sc_vector_subcore>, window_params = [{transform_indices = #map}, {transform_indices = #map}]} {
    %mul3A = arith.constant 16 : i32
    %mul3A_0 = arith.muli %arg0, %mul3A : i32
    %add3A = arith.addi %mul3A_0, %arg1 : i32
    %mul3A_1 = arith.constant 624 : i32
    %mul3A_2 = arith.muli %arg1, %mul3A_1 : i32
    %broadcast_in_dim3A = arith.constant 1.000000e+00 : f32
    %broadcast_in_dim3A_3 = vector.broadcast %broadcast_in_dim3A : f32 to vector<16xf32>
    %broadcast_in_dim3A_4 = arith.constant 0.000000e+00 : f32
    %broadcast_in_dim3A_5 = vector.broadcast %broadcast_in_dim3A_4 : f32 to vector<16xf32>
    %mul3A_6 = arith.constant 80 : i32
    %mul3A_7 = arith.muli %add3A, %mul3A_6 : i32
    %eq3A = arith.constant 31 : i32
    %eq3A_8 = arith.cmpi eq, %add3A, %eq3A : i32
    %jit3A = arith.constant 20 : i32
    %jit3A_9 = arith.constant 80 : i32
    %select_n3A = arith.select %eq3A_8, %jit3A, %jit3A_9 : i32
    %lt3A = arith.constant 31 : i32
    %lt3A_10 = arith.cmpi slt, %add3A, %lt3A : i32
    %convert_element_type3A = arith.extui %lt3A_10 : i1 to i32
    %cond3A = arith.constant 0 : i32
    %cond3A_11 = arith.cmpi ne, %convert_element_type3A, %cond3A : i32
    scf.if %cond3A_11 {
      "tpu.region"() ({
        %run_scoped3A = tpu.sem_alloc : memref<!tpu.dma_semaphore, #tpu.memory_space<semaphore_mem>>
        %dma_start3A = arith.constant 0 : i32
        %dma_start3A_63 = tpu.memref_slice %arg2[%mul3A_7, %dma_start3A] : memref<2500x128xi32, #tpu.memory_space<hbm>> -> memref<80x128xi32, #tpu.memory_space<hbm>>
        %dma_start3A_64 = arith.constant 0 : i32
        %dma_start3A_65 = tpu.memref_slice %arg2[%mul3A_7, %dma_start3A_64] : memref<2500x128xi32, #tpu.memory_space<hbm>> -> memref<80x128xi32, #tpu.memory_space<hbm>>
        tpu.enqueue_dma source(%dma_start3A_65 : memref<80x128xi32, #tpu.memory_space<hbm>>) target(%arg5 : memref<80x128xi32, #tpu.memory_space<vmem>>) target_semaphore(%run_scoped3A : memref<!tpu.dma_semaphore, #tpu.memory_space<semaphore_mem>>)
        %dma_wait3A = arith.constant 0 : i32
        %dma_wait3A_66 = tpu.memref_slice %arg2[%mul3A_7, %dma_wait3A] : memref<2500x128xi32, #tpu.memory_space<hbm>> -> memref<80x128xi32, #tpu.memory_space<hbm>>
        %dma_wait3A_67 = arith.constant 0 : i32
        %dma_wait3A_68 = tpu.memref_slice %arg2[%mul3A_7, %dma_wait3A_67] : memref<2500x128xi32, #tpu.memory_space<hbm>> -> memref<80x128xi32, #tpu.memory_space<hbm>>
        tpu.wait_dma2 semaphore(%run_scoped3A : memref<!tpu.dma_semaphore, #tpu.memory_space<semaphore_mem>>) src(%dma_wait3A_68 : memref<80x128xi32, #tpu.memory_space<hbm>>) dst(%arg5 : memref<80x128xi32, #tpu.memory_space<vmem>>)
        tpu.yield
      }) : () -> ()
    } else {
    }
    %eq3A_12 = arith.constant 31 : i32
    %eq3A_13 = arith.cmpi eq, %add3A, %eq3A_12 : i32
    %convert_element_type3A_14 = arith.extui %eq3A_13 : i1 to i32
    %cond3A_15 = arith.constant 0 : i32
    %cond3A_16 = arith.cmpi ne, %convert_element_type3A_14, %cond3A_15 : i32
    scf.if %cond3A_16 {
      "tpu.region"() ({
        %run_scoped3A = tpu.sem_alloc : memref<!tpu.dma_semaphore, #tpu.memory_space<semaphore_mem>>
        %dma_start3A = arith.constant 0 : i32
        %dma_start3A_63 = arith.constant 0 : i32
        %dma_start3A_64 = tpu.memref_slice %arg5[%dma_start3A, %dma_start3A_63] : memref<80x128xi32, #tpu.memory_space<vmem>> -> memref<20x128xi32, #tpu.memory_space<vmem>>
        %dma_start3A_65 = arith.constant 0 : i32
        %dma_start3A_66 = tpu.memref_slice %arg2[%mul3A_7, %dma_start3A_65] : memref<2500x128xi32, #tpu.memory_space<hbm>> -> memref<20x128xi32, #tpu.memory_space<hbm>>
        %dma_start3A_67 = arith.constant 0 : i32
        %dma_start3A_68 = arith.constant 0 : i32
        %dma_start3A_69 = tpu.memref_slice %arg5[%dma_start3A_67, %dma_start3A_68] : memref<80x128xi32, #tpu.memory_space<vmem>> -> memref<20x128xi32, #tpu.memory_space<vmem>>
        %dma_start3A_70 = arith.constant 0 : i32
        %dma_start3A_71 = tpu.memref_slice %arg2[%mul3A_7, %dma_start3A_70] : memref<2500x128xi32, #tpu.memory_space<hbm>> -> memref<20x128xi32, #tpu.memory_space<hbm>>
        tpu.enqueue_dma source(%dma_start3A_71 : memref<20x128xi32, #tpu.memory_space<hbm>>) target(%dma_start3A_69 : memref<20x128xi32, #tpu.memory_space<vmem>>) target_semaphore(%run_scoped3A : memref<!tpu.dma_semaphore, #tpu.memory_space<semaphore_mem>>)
        %dma_wait3A = arith.constant 0 : i32
        %dma_wait3A_72 = arith.constant 0 : i32
        %dma_wait3A_73 = tpu.memref_slice %arg5[%dma_wait3A, %dma_wait3A_72] : memref<80x128xi32, #tpu.memory_space<vmem>> -> memref<20x128xi32, #tpu.memory_space<vmem>>
        %dma_wait3A_74 = arith.constant 0 : i32
        %dma_wait3A_75 = tpu.memref_slice %arg2[%mul3A_7, %dma_wait3A_74] : memref<2500x128xi32, #tpu.memory_space<hbm>> -> memref<20x128xi32, #tpu.memory_space<hbm>>
        %dma_wait3A_76 = arith.constant 0 : i32
        %dma_wait3A_77 = arith.constant 0 : i32
        %dma_wait3A_78 = tpu.memref_slice %arg5[%dma_wait3A_76, %dma_wait3A_77] : memref<80x128xi32, #tpu.memory_space<vmem>> -> memref<20x128xi32, #tpu.memory_space<vmem>>
        %dma_wait3A_79 = arith.constant 0 : i32
        %dma_wait3A_80 = tpu.memref_slice %arg2[%mul3A_7, %dma_wait3A_79] : memref<2500x128xi32, #tpu.memory_space<hbm>> -> memref<20x128xi32, #tpu.memory_space<hbm>>
        tpu.wait_dma2 semaphore(%run_scoped3A : memref<!tpu.dma_semaphore, #tpu.memory_space<semaphore_mem>>) src(%dma_wait3A_80 : memref<20x128xi32, #tpu.memory_space<hbm>>) dst(%dma_wait3A_78 : memref<20x128xi32, #tpu.memory_space<vmem>>)
        tpu.yield
      }) : () -> ()
    } else {
    }
    %scan3A = arith.constant 0 : i32
    %scan3A_17 = arith.constant 0 : i32
    %scan3A_18 = arith.constant 128 : i32
    %scan3A_19 = arith.addi %scan3A_17, %scan3A_18 : i32
    %scan3A_20 = arith.constant 1 : i32
    scf.for %scan3A_63 = %scan3A_17 to %scan3A_19 step %scan3A_20  : i32 {
      %swap3A = arith.index_cast %scan3A_63 : i32 to index
      %swap3A_64 = arith.constant 0 : index
      %swap3A_65 = tpu.vector_load %arg6[%swap3A, %swap3A_64] {strides = array<i32>} : memref<128x16xf32, #tpu.memory_space<vmem>>, vector<1x16xf32>,
      %swap3A_66 = vector.shape_cast %swap3A_65 : vector<1x16xf32> to vector<16xf32>
      %swap3A_67 = vector.shape_cast %broadcast_in_dim3A_3 : vector<16xf32> to vector<1x16xf32>
      tpu.vector_store %arg6[%swap3A, %swap3A_64], %swap3A_67 {strides = array<i32>} : memref<128x16xf32, #tpu.memory_space<vmem>>, vector<1x16xf32>,
    }
    %scan3A_21 = arith.constant 128 : i32
    %scan3A_22 = arith.constant 0 : i32
    %scan3A_23 = arith.constant 0 : i32
    %scan3A_24 = arith.constant 104 : i32
    %scan3A_25 = arith.addi %scan3A_23, %scan3A_24 : i32
    %scan3A_26 = arith.constant 1 : i32
    scf.for %scan3A_63 = %scan3A_23 to %scan3A_25 step %scan3A_26  : i32 {
      %swap3A = arith.index_cast %scan3A_63 : i32 to index
      %swap3A_64 = arith.constant 0 : index
      %swap3A_65 = tpu.vector_load %arg7[%swap3A, %swap3A_64] {strides = array<i32>} : memref<104x16xf32, #tpu.memory_space<vmem>>, vector<1x16xf32>,
      %swap3A_66 = vector.shape_cast %swap3A_65 : vector<1x16xf32> to vector<16xf32>
      %swap3A_67 = vector.shape_cast %broadcast_in_dim3A_5 : vector<16xf32> to vector<1x16xf32>
      tpu.vector_store %arg7[%swap3A, %swap3A_64], %swap3A_67 {strides = array<i32>} : memref<104x16xf32, #tpu.memory_space<vmem>>, vector<1x16xf32>,
    }
    %scan3A_27 = arith.constant 104 : i32
    %add3A_28 = arith.constant 0 : i32
    %add3A_29 = arith.addi %mul3A_2, %add3A_28 : i32
    "tpu.region"() ({
      %run_scoped3A = tpu.sem_alloc : memref<!tpu.dma_semaphore, #tpu.memory_space<semaphore_mem>>
      %dma_start3A = arith.constant 0 : i32
      %dma_start3A_63 = tpu.memref_slice %arg4[%add3A_29, %dma_start3A] : memref<10000x16xf32, #tpu.memory_space<vmem_shared>> -> memref<104x16xf32, #tpu.memory_space<vmem_shared>>
      %dma_start3A_64 = arith.constant 0 : i32
      %dma_start3A_65 = tpu.memref_slice %arg4[%add3A_29, %dma_start3A_64] : memref<10000x16xf32, #tpu.memory_space<vmem_shared>> -> memref<104x16xf32, #tpu.memory_space<vmem_shared>>
      tpu.enqueue_dma source(%arg7 : memref<104x16xf32, #tpu.memory_space<vmem>>) target(%dma_start3A_65 : memref<104x16xf32, #tpu.memory_space<vmem_shared>>) target_semaphore(%run_scoped3A : memref<!tpu.dma_semaphore, #tpu.memory_space<semaphore_mem>>)
      %dma_wait3A = arith.constant 0 : i32
      %dma_wait3A_66 = tpu.memref_slice %arg4[%add3A_29, %dma_wait3A] : memref<10000x16xf32, #tpu.memory_space<vmem_shared>> -> memref<104x16xf32, #tpu.memory_space<vmem_shared>>
      %dma_wait3A_67 = arith.constant 0 : i32
      %dma_wait3A_68 = tpu.memref_slice %arg4[%add3A_29, %dma_wait3A_67] : memref<10000x16xf32, #tpu.memory_space<vmem_shared>> -> memref<104x16xf32, #tpu.memory_space<vmem_shared>>
      tpu.wait_dma2 semaphore(%run_scoped3A : memref<!tpu.dma_semaphore, #tpu.memory_space<semaphore_mem>>) src(%arg7 : memref<104x16xf32, #tpu.memory_space<vmem>>) dst(%dma_wait3A_68 : memref<104x16xf32, #tpu.memory_space<vmem_shared>>)
      tpu.yield
    }) : () -> ()
    %add3A_30 = arith.constant 104 : i32
    %add3A_31 = arith.addi %mul3A_2, %add3A_30 : i32
    "tpu.region"() ({
      %run_scoped3A = tpu.sem_alloc : memref<!tpu.dma_semaphore, #tpu.memory_space<semaphore_mem>>
      %dma_start3A = arith.constant 0 : i32
      %dma_start3A_63 = tpu.memref_slice %arg4[%add3A_31, %dma_start3A] : memref<10000x16xf32, #tpu.memory_space<vmem_shared>> -> memref<104x16xf32, #tpu.memory_space<vmem_shared>>
      %dma_start3A_64 = arith.constant 0 : i32
      %dma_start3A_65 = tpu.memref_slice %arg4[%add3A_31, %dma_start3A_64] : memref<10000x16xf32, #tpu.memory_space<vmem_shared>> -> memref<104x16xf32, #tpu.memory_space<vmem_shared>>
      tpu.enqueue_dma source(%arg7 : memref<104x16xf32, #tpu.memory_space<vmem>>) target(%dma_start3A_65 : memref<104x16xf32, #tpu.memory_space<vmem_shared>>) target_semaphore(%run_scoped3A : memref<!tpu.dma_semaphore, #tpu.memory_space<semaphore_mem>>)
      %dma_wait3A = arith.constant 0 : i32
      %dma_wait3A_66 = tpu.memref_slice %arg4[%add3A_31, %dma_wait3A] : memref<10000x16xf32, #tpu.memory_space<vmem_shared>> -> memref<104x16xf32, #tpu.memory_space<vmem_shared>>
      %dma_wait3A_67 = arith.constant 0 : i32
      %dma_wait3A_68 = tpu.memref_slice %arg4[%add3A_31, %dma_wait3A_67] : memref<10000x16xf32, #tpu.memory_space<vmem_shared>> -> memref<104x16xf32, #tpu.memory_space<vmem_shared>>
      tpu.wait_dma2 semaphore(%run_scoped3A : memref<!tpu.dma_semaphore, #tpu.memory_space<semaphore_mem>>) src(%arg7 : memref<104x16xf32, #tpu.memory_space<vmem>>) dst(%dma_wait3A_68 : memref<104x16xf32, #tpu.memory_space<vmem_shared>>)
      tpu.yield
    }) : () -> ()
    %add3A_32 = arith.constant 208 : i32
    %add3A_33 = arith.addi %mul3A_2, %add3A_32 : i32
    "tpu.region"() ({
      %run_scoped3A = tpu.sem_alloc : memref<!tpu.dma_semaphore, #tpu.memory_space<semaphore_mem>>
      %dma_start3A = arith.constant 0 : i32
      %dma_start3A_63 = tpu.memref_slice %arg4[%add3A_33, %dma_start3A] : memref<10000x16xf32, #tpu.memory_space<vmem_shared>> -> memref<104x16xf32, #tpu.memory_space<vmem_shared>>
      %dma_start3A_64 = arith.constant 0 : i32
      %dma_start3A_65 = tpu.memref_slice %arg4[%add3A_33, %dma_start3A_64] : memref<10000x16xf32, #tpu.memory_space<vmem_shared>> -> memref<104x16xf32, #tpu.memory_space<vmem_shared>>
      tpu.enqueue_dma source(%arg7 : memref<104x16xf32, #tpu.memory_space<vmem>>) target(%dma_start3A_65 : memref<104x16xf32, #tpu.memory_space<vmem_shared>>) target_semaphore(%run_scoped3A : memref<!tpu.dma_semaphore, #tpu.memory_space<semaphore_mem>>)
      %dma_wait3A = arith.constant 0 : i32
      %dma_wait3A_66 = tpu.memref_slice %arg4[%add3A_33, %dma_wait3A] : memref<10000x16xf32, #tpu.memory_space<vmem_shared>> -> memref<104x16xf32, #tpu.memory_space<vmem_shared>>
      %dma_wait3A_67 = arith.constant 0 : i32
      %dma_wait3A_68 = tpu.memref_slice %arg4[%add3A_33, %dma_wait3A_67] : memref<10000x16xf32, #tpu.memory_space<vmem_shared>> -> memref<104x16xf32, #tpu.memory_space<vmem_shared>>
      tpu.wait_dma2 semaphore(%run_scoped3A : memref<!tpu.dma_semaphore, #tpu.memory_space<semaphore_mem>>) src(%arg7 : memref<104x16xf32, #tpu.memory_space<vmem>>) dst(%dma_wait3A_68 : memref<104x16xf32, #tpu.memory_space<vmem_shared>>)
      tpu.yield
    }) : () -> ()
    %add3A_34 = arith.constant 312 : i32
    %add3A_35 = arith.addi %mul3A_2, %add3A_34 : i32
    "tpu.region"() ({
      %run_scoped3A = tpu.sem_alloc : memref<!tpu.dma_semaphore, #tpu.memory_space<semaphore_mem>>
      %dma_start3A = arith.constant 0 : i32
      %dma_start3A_63 = tpu.memref_slice %arg4[%add3A_35, %dma_start3A] : memref<10000x16xf32, #tpu.memory_space<vmem_shared>> -> memref<104x16xf32, #tpu.memory_space<vmem_shared>>
      %dma_start3A_64 = arith.constant 0 : i32
      %dma_start3A_65 = tpu.memref_slice %arg4[%add3A_35, %dma_start3A_64] : memref<10000x16xf32, #tpu.memory_space<vmem_shared>> -> memref<104x16xf32, #tpu.memory_space<vmem_shared>>
      tpu.enqueue_dma source(%arg7 : memref<104x16xf32, #tpu.memory_space<vmem>>) target(%dma_start3A_65 : memref<104x16xf32, #tpu.memory_space<vmem_shared>>) target_semaphore(%run_scoped3A : memref<!tpu.dma_semaphore, #tpu.memory_space<semaphore_mem>>)
      %dma_wait3A = arith.constant 0 : i32
      %dma_wait3A_66 = tpu.memref_slice %arg4[%add3A_35, %dma_wait3A] : memref<10000x16xf32, #tpu.memory_space<vmem_shared>> -> memref<104x16xf32, #tpu.memory_space<vmem_shared>>
      %dma_wait3A_67 = arith.constant 0 : i32
      %dma_wait3A_68 = tpu.memref_slice %arg4[%add3A_35, %dma_wait3A_67] : memref<10000x16xf32, #tpu.memory_space<vmem_shared>> -> memref<104x16xf32, #tpu.memory_space<vmem_shared>>
      tpu.wait_dma2 semaphore(%run_scoped3A : memref<!tpu.dma_semaphore, #tpu.memory_space<semaphore_mem>>) src(%arg7 : memref<104x16xf32, #tpu.memory_space<vmem>>) dst(%dma_wait3A_68 : memref<104x16xf32, #tpu.memory_space<vmem_shared>>)
      tpu.yield
    }) : () -> ()
    %add3A_36 = arith.constant 416 : i32
    %add3A_37 = arith.addi %mul3A_2, %add3A_36 : i32
    "tpu.region"() ({
      %run_scoped3A = tpu.sem_alloc : memref<!tpu.dma_semaphore, #tpu.memory_space<semaphore_mem>>
      %dma_start3A = arith.constant 0 : i32
      %dma_start3A_63 = tpu.memref_slice %arg4[%add3A_37, %dma_start3A] : memref<10000x16xf32, #tpu.memory_space<vmem_shared>> -> memref<104x16xf32, #tpu.memory_space<vmem_shared>>
      %dma_start3A_64 = arith.constant 0 : i32
      %dma_start3A_65 = tpu.memref_slice %arg4[%add3A_37, %dma_start3A_64] : memref<10000x16xf32, #tpu.memory_space<vmem_shared>> -> memref<104x16xf32, #tpu.memory_space<vmem_shared>>
      tpu.enqueue_dma source(%arg7 : memref<104x16xf32, #tpu.memory_space<vmem>>) target(%dma_start3A_65 : memref<104x16xf32, #tpu.memory_space<vmem_shared>>) target_semaphore(%run_scoped3A : memref<!tpu.dma_semaphore, #tpu.memory_space<semaphore_mem>>)
      %dma_wait3A = arith.constant 0 : i32
      %dma_wait3A_66 = tpu.memref_slice %arg4[%add3A_37, %dma_wait3A] : memref<10000x16xf32, #tpu.memory_space<vmem_shared>> -> memref<104x16xf32, #tpu.memory_space<vmem_shared>>
      %dma_wait3A_67 = arith.constant 0 : i32
      %dma_wait3A_68 = tpu.memref_slice %arg4[%add3A_37, %dma_wait3A_67] : memref<10000x16xf32, #tpu.memory_space<vmem_shared>> -> memref<104x16xf32, #tpu.memory_space<vmem_shared>>
      tpu.wait_dma2 semaphore(%run_scoped3A : memref<!tpu.dma_semaphore, #tpu.memory_space<semaphore_mem>>) src(%arg7 : memref<104x16xf32, #tpu.memory_space<vmem>>) dst(%dma_wait3A_68 : memref<104x16xf32, #tpu.memory_space<vmem_shared>>)
      tpu.yield
    }) : () -> ()
    %add3A_38 = arith.constant 520 : i32
    %add3A_39 = arith.addi %mul3A_2, %add3A_38 : i32
    "tpu.region"() ({
      %run_scoped3A = tpu.sem_alloc : memref<!tpu.dma_semaphore, #tpu.memory_space<semaphore_mem>>
      %dma_start3A = arith.constant 0 : i32
      %dma_start3A_63 = tpu.memref_slice %arg4[%add3A_39, %dma_start3A] : memref<10000x16xf32, #tpu.memory_space<vmem_shared>> -> memref<104x16xf32, #tpu.memory_space<vmem_shared>>
      %dma_start3A_64 = arith.constant 0 : i32
      %dma_start3A_65 = tpu.memref_slice %arg4[%add3A_39, %dma_start3A_64] : memref<10000x16xf32, #tpu.memory_space<vmem_shared>> -> memref<104x16xf32, #tpu.memory_space<vmem_shared>>
      tpu.enqueue_dma source(%arg7 : memref<104x16xf32, #tpu.memory_space<vmem>>) target(%dma_start3A_65 : memref<104x16xf32, #tpu.memory_space<vmem_shared>>) target_semaphore(%run_scoped3A : memref<!tpu.dma_semaphore, #tpu.memory_space<semaphore_mem>>)
      %dma_wait3A = arith.constant 0 : i32
      %dma_wait3A_66 = tpu.memref_slice %arg4[%add3A_39, %dma_wait3A] : memref<10000x16xf32, #tpu.memory_space<vmem_shared>> -> memref<104x16xf32, #tpu.memory_space<vmem_shared>>
      %dma_wait3A_67 = arith.constant 0 : i32
      %dma_wait3A_68 = tpu.memref_slice %arg4[%add3A_39, %dma_wait3A_67] : memref<10000x16xf32, #tpu.memory_space<vmem_shared>> -> memref<104x16xf32, #tpu.memory_space<vmem_shared>>
      tpu.wait_dma2 semaphore(%run_scoped3A : memref<!tpu.dma_semaphore, #tpu.memory_space<semaphore_mem>>) src(%arg7 : memref<104x16xf32, #tpu.memory_space<vmem>>) dst(%dma_wait3A_68 : memref<104x16xf32, #tpu.memory_space<vmem_shared>>)
      tpu.yield
    }) : () -> ()
    %eq3A_40 = arith.constant 15 : i32
    %eq3A_41 = arith.cmpi eq, %arg1, %eq3A_40 : i32
    %convert_element_type3A_42 = arith.extui %eq3A_41 : i1 to i32
    %cond3A_43 = arith.constant 0 : i32
    %cond3A_44 = arith.cmpi ne, %convert_element_type3A_42, %cond3A_43 : i32
    scf.if %cond3A_44 {
      "tpu.region"() ({
        %run_scoped3A = tpu.sem_alloc : memref<!tpu.dma_semaphore, #tpu.memory_space<semaphore_mem>>
        %dma_start3A = arith.constant 0 : i32
        %dma_start3A_63 = arith.constant 0 : i32
        %dma_start3A_64 = tpu.memref_slice %arg7[%dma_start3A, %dma_start3A_63] : memref<104x16xf32, #tpu.memory_space<vmem>> -> memref<16x16xf32, #tpu.memory_space<vmem>>
        %dma_start3A_65 = arith.constant 9984 : i32
        %dma_start3A_66 = arith.constant 0 : i32
        %dma_start3A_67 = tpu.memref_slice %arg4[%dma_start3A_65, %dma_start3A_66] : memref<10000x16xf32, #tpu.memory_space<vmem_shared>> -> memref<16x16xf32, #tpu.memory_space<vmem_shared>>
        %dma_start3A_68 = arith.constant 9984 : i32
        %dma_start3A_69 = arith.constant 0 : i32
        %dma_start3A_70 = tpu.memref_slice %arg4[%dma_start3A_68, %dma_start3A_69] : memref<10000x16xf32, #tpu.memory_space<vmem_shared>> -> memref<16x16xf32, #tpu.memory_space<vmem_shared>>
        %dma_start3A_71 = arith.constant 0 : i32
        %dma_start3A_72 = arith.constant 0 : i32
        %dma_start3A_73 = tpu.memref_slice %arg7[%dma_start3A_71, %dma_start3A_72] : memref<104x16xf32, #tpu.memory_space<vmem>> -> memref<16x16xf32, #tpu.memory_space<vmem>>
        tpu.enqueue_dma source(%dma_start3A_73 : memref<16x16xf32, #tpu.memory_space<vmem>>) target(%dma_start3A_70 : memref<16x16xf32, #tpu.memory_space<vmem_shared>>) target_semaphore(%run_scoped3A : memref<!tpu.dma_semaphore, #tpu.memory_space<semaphore_mem>>)
        %dma_wait3A = arith.constant 0 : i32
        %dma_wait3A_74 = arith.constant 0 : i32
        %dma_wait3A_75 = tpu.memref_slice %arg7[%dma_wait3A, %dma_wait3A_74] : memref<104x16xf32, #tpu.memory_space<vmem>> -> memref<16x16xf32, #tpu.memory_space<vmem>>
        %dma_wait3A_76 = arith.constant 9984 : i32
        %dma_wait3A_77 = arith.constant 0 : i32
        %dma_wait3A_78 = tpu.memref_slice %arg4[%dma_wait3A_76, %dma_wait3A_77] : memref<10000x16xf32, #tpu.memory_space<vmem_shared>> -> memref<16x16xf32, #tpu.memory_space<vmem_shared>>
        %dma_wait3A_79 = arith.constant 9984 : i32
        %dma_wait3A_80 = arith.constant 0 : i32
        %dma_wait3A_81 = tpu.memref_slice %arg4[%dma_wait3A_79, %dma_wait3A_80] : memref<10000x16xf32, #tpu.memory_space<vmem_shared>> -> memref<16x16xf32, #tpu.memory_space<vmem_shared>>
        %dma_wait3A_82 = arith.constant 0 : i32
        %dma_wait3A_83 = arith.constant 0 : i32
        %dma_wait3A_84 = tpu.memref_slice %arg7[%dma_wait3A_82, %dma_wait3A_83] : memref<104x16xf32, #tpu.memory_space<vmem>> -> memref<16x16xf32, #tpu.memory_space<vmem>>
        tpu.wait_dma2 semaphore(%run_scoped3A : memref<!tpu.dma_semaphore, #tpu.memory_space<semaphore_mem>>) src(%dma_wait3A_84 : memref<16x16xf32, #tpu.memory_space<vmem>>) dst(%dma_wait3A_81 : memref<16x16xf32, #tpu.memory_space<vmem_shared>>)
        tpu.yield
      }) : () -> ()
    } else {
    }
    %barrier3A = arith.constant 0 : index
    tpu.barrier barrier_id(%barrier3A)
    %while3A = arith.constant 0 : i32
    %while3A_45 = arith.constant 0 : i32
    %while3A_46 = arith.subi %select_n3A, %while3A_45 : i32
    %while3A_47 = arith.addi %while3A_45, %while3A_46 : i32
    %while3A_48 = arith.constant 1 : i32
    %while3A_49 = arith.divsi %while3A_46, %while3A_48 : i32
    %while3A_50 = arith.muli %while3A_49, %while3A_48 : i32
    %while3A_51 = arith.addi %while3A_45, %while3A_50 : i32
    %while3A_52 = arith.constant 1 : i32
    scf.for %while3A_63 = %while3A_45 to %while3A_51 step %while3A_52  : i32 {
      "tpu.region"() ({
        %run_scoped3A = tpu.sem_alloc : memref<!tpu.dma_semaphore, #tpu.memory_space<semaphore_mem>>
        %dma_start3A = arith.constant 0 : i32
        %dma_start3A_64 = tpu.memref_slice %arg5[%while3A_63, %dma_start3A] : memref<80x128xi32, #tpu.memory_space<vmem>> -> memref<1x128xi32, #tpu.memory_space<vmem>>
        %dma_start3A_65 = tpu.memref_squeeze %dma_start3A_64 : memref<1x128xi32, #tpu.memory_space<vmem>> -> memref<128xi32, #tpu.memory_space<vmem>>
        %dma_start3A_66 = arith.constant 0 : i32
        %dma_start3A_67 = arith.constant 0 : i32
        %dma_start3A_68 = tpu.memref_slice %arg4[%dma_start3A_66, %dma_start3A_67] : memref<10000x16xf32, #tpu.memory_space<vmem_shared>> -> memref<10000x16xf32, #tpu.memory_space<vmem_shared>>
        tpu.enqueue_indirect_dma source(%arg6 : memref<128x16xf32, #tpu.memory_space<vmem>>) target(%dma_start3A_68 : memref<10000x16xf32, #tpu.memory_space<vmem_shared>>) offsets(%dma_start3A_65 : memref<128xi32, #tpu.memory_space<vmem>>) semaphore(%run_scoped3A : memref<!tpu.dma_semaphore, #tpu.memory_space<semaphore_mem>>) {add = true}
        %dma_wait3A = arith.constant 0 : i32
        %dma_wait3A_69 = tpu.memref_slice %arg5[%while3A_63, %dma_wait3A] : memref<80x128xi32, #tpu.memory_space<vmem>> -> memref<1x128xi32, #tpu.memory_space<vmem>>
        %dma_wait3A_70 = tpu.memref_squeeze %dma_wait3A_69 : memref<1x128xi32, #tpu.memory_space<vmem>> -> memref<128xi32, #tpu.memory_space<vmem>>
        %dma_wait3A_71 = arith.constant 0 : i32
        %dma_wait3A_72 = arith.constant 0 : i32
        %dma_wait3A_73 = tpu.memref_slice %arg4[%dma_wait3A_71, %dma_wait3A_72] : memref<10000x16xf32, #tpu.memory_space<vmem_shared>> -> memref<10000x16xf32, #tpu.memory_space<vmem_shared>>
        tpu.wait_indirect_dma semaphore(%run_scoped3A : memref<!tpu.dma_semaphore, #tpu.memory_space<semaphore_mem>>) src(%arg6 : memref<128x16xf32, #tpu.memory_space<vmem>>) dst(%dma_wait3A_73 : memref<10000x16xf32, #tpu.memory_space<vmem_shared>>)
        tpu.yield
      }) : () -> ()
    }
    %while3A_53 = arith.constant 1 : i32
    scf.for %while3A_63 = %while3A_51 to %while3A_47 step %while3A_53  : i32 {
      "tpu.region"() ({
        %run_scoped3A = tpu.sem_alloc : memref<!tpu.dma_semaphore, #tpu.memory_space<semaphore_mem>>
        %dma_start3A = arith.constant 0 : i32
        %dma_start3A_64 = tpu.memref_slice %arg5[%while3A_63, %dma_start3A] : memref<80x128xi32, #tpu.memory_space<vmem>> -> memref<1x128xi32, #tpu.memory_space<vmem>>
        %dma_start3A_65 = tpu.memref_squeeze %dma_start3A_64 : memref<1x128xi32, #tpu.memory_space<vmem>> -> memref<128xi32, #tpu.memory_space<vmem>>
        %dma_start3A_66 = arith.constant 0 : i32
        %dma_start3A_67 = arith.constant 0 : i32
        %dma_start3A_68 = tpu.memref_slice %arg4[%dma_start3A_66, %dma_start3A_67] : memref<10000x16xf32, #tpu.memory_space<vmem_shared>> -> memref<10000x16xf32, #tpu.memory_space<vmem_shared>>
        tpu.enqueue_indirect_dma source(%arg6 : memref<128x16xf32, #tpu.memory_space<vmem>>) target(%dma_start3A_68 : memref<10000x16xf32, #tpu.memory_space<vmem_shared>>) offsets(%dma_start3A_65 : memref<128xi32, #tpu.memory_space<vmem>>) semaphore(%run_scoped3A : memref<!tpu.dma_semaphore, #tpu.memory_space<semaphore_mem>>) {add = true}
        %dma_wait3A = arith.constant 0 : i32
        %dma_wait3A_69 = tpu.memref_slice %arg5[%while3A_63, %dma_wait3A] : memref<80x128xi32, #tpu.memory_space<vmem>> -> memref<1x128xi32, #tpu.memory_space<vmem>>
        %dma_wait3A_70 = tpu.memref_squeeze %dma_wait3A_69 : memref<1x128xi32, #tpu.memory_space<vmem>> -> memref<128xi32, #tpu.memory_space<vmem>>
        %dma_wait3A_71 = arith.constant 0 : i32
        %dma_wait3A_72 = arith.constant 0 : i32
        %dma_wait3A_73 = tpu.memref_slice %arg4[%dma_wait3A_71, %dma_wait3A_72] : memref<10000x16xf32, #tpu.memory_space<vmem_shared>> -> memref<10000x16xf32, #tpu.memory_space<vmem_shared>>
        tpu.wait_indirect_dma semaphore(%run_scoped3A : memref<!tpu.dma_semaphore, #tpu.memory_space<semaphore_mem>>) src(%arg6 : memref<128x16xf32, #tpu.memory_space<vmem>>) dst(%dma_wait3A_73 : memref<10000x16xf32, #tpu.memory_space<vmem_shared>>)
        tpu.yield
      }) : () -> ()
    }
    %barrier3A_54 = arith.constant 0 : index
    tpu.barrier barrier_id(%barrier3A_54)
    %mul3A_55 = arith.constant 10000 : i32
    %mul3A_56 = arith.muli %arg0, %mul3A_55 : i32
    %add3A_57 = arith.addi %mul3A_56, %mul3A_2 : i32
    "tpu.region"() ({
      %run_scoped3A = tpu.sem_alloc : memref<!tpu.dma_semaphore, #tpu.memory_space<semaphore_mem>>
      %dma_start3A = arith.constant 0 : i32
      %dma_start3A_63 = tpu.memref_slice %arg3[%add3A_57, %dma_start3A] : memref<20000x16xf32, #tpu.memory_space<hbm>> -> memref<624x16xf32, #tpu.memory_space<hbm>>
      %dma_start3A_64 = arith.constant 0 : i32
      %dma_start3A_65 = tpu.memref_slice %arg4[%mul3A_2, %dma_start3A_64] : memref<10000x16xf32, #tpu.memory_space<vmem_shared>> -> memref<624x16xf32, #tpu.memory_space<vmem_shared>>
      tpu.enqueue_dma source(%dma_start3A_65 : memref<624x16xf32, #tpu.memory_space<vmem_shared>>) target(%dma_start3A_63 : memref<624x16xf32, #tpu.memory_space<hbm>>) target_semaphore(%run_scoped3A : memref<!tpu.dma_semaphore, #tpu.memory_space<semaphore_mem>>)
      %dma_wait3A = arith.constant 0 : i32
      %dma_wait3A_66 = tpu.memref_slice %arg3[%add3A_57, %dma_wait3A] : memref<20000x16xf32, #tpu.memory_space<hbm>> -> memref<624x16xf32, #tpu.memory_space<hbm>>
      %dma_wait3A_67 = arith.constant 0 : i32
      %dma_wait3A_68 = tpu.memref_slice %arg4[%mul3A_2, %dma_wait3A_67] : memref<10000x16xf32, #tpu.memory_space<vmem_shared>> -> memref<624x16xf32, #tpu.memory_space<vmem_shared>>
      tpu.wait_dma2 semaphore(%run_scoped3A : memref<!tpu.dma_semaphore, #tpu.memory_space<semaphore_mem>>) src(%dma_wait3A_68 : memref<624x16xf32, #tpu.memory_space<vmem_shared>>) dst(%dma_wait3A_66 : memref<624x16xf32, #tpu.memory_space<hbm>>)
      tpu.yield
    }) : () -> ()
    %eq3A_58 = arith.constant 15 : i32
    %eq3A_59 = arith.cmpi eq, %arg1, %eq3A_58 : i32
    %convert_element_type3A_60 = arith.extui %eq3A_59 : i1 to i32
    %cond3A_61 = arith.constant 0 : i32
    %cond3A_62 = arith.cmpi ne, %convert_element_type3A_60, %cond3A_61 : i32
    scf.if %cond3A_62 {
      %mul3A_63 = arith.constant 10000 : i32
      %mul3A_64 = arith.muli %arg0, %mul3A_63 : i32
      %add3A_65 = arith.constant 9984 : i32
      %add3A_66 = arith.addi %mul3A_64, %add3A_65 : i32
      "tpu.region"() ({
        %run_scoped3A = tpu.sem_alloc : memref<!tpu.dma_semaphore, #tpu.memory_space<semaphore_mem>>
        %dma_start3A = arith.constant 0 : i32
        %dma_start3A_67 = tpu.memref_slice %arg3[%add3A_66, %dma_start3A] : memref<20000x16xf32, #tpu.memory_space<hbm>> -> memref<16x16xf32, #tpu.memory_space<hbm>>
        %dma_start3A_68 = arith.constant 9984 : i32
        %dma_start3A_69 = arith.constant 0 : i32
        %dma_start3A_70 = tpu.memref_slice %arg4[%dma_start3A_68, %dma_start3A_69] : memref<10000x16xf32, #tpu.memory_space<vmem_shared>> -> memref<16x16xf32, #tpu.memory_space<vmem_shared>>
        tpu.enqueue_dma source(%dma_start3A_70 : memref<16x16xf32, #tpu.memory_space<vmem_shared>>) target(%dma_start3A_67 : memref<16x16xf32, #tpu.memory_space<hbm>>) target_semaphore(%run_scoped3A : memref<!tpu.dma_semaphore, #tpu.memory_space<semaphore_mem>>)
        %dma_wait3A = arith.constant 0 : i32
        %dma_wait3A_71 = tpu.memref_slice %arg3[%add3A_66, %dma_wait3A] : memref<20000x16xf32, #tpu.memory_space<hbm>> -> memref<16x16xf32, #tpu.memory_space<hbm>>
        %dma_wait3A_72 = arith.constant 9984 : i32
        %dma_wait3A_73 = arith.constant 0 : i32
        %dma_wait3A_74 = tpu.memref_slice %arg4[%dma_wait3A_72, %dma_wait3A_73] : memref<10000x16xf32, #tpu.memory_space<vmem_shared>> -> memref<16x16xf32, #tpu.memory_space<vmem_shared>>
        tpu.wait_dma2 semaphore(%run_scoped3A : memref<!tpu.dma_semaphore, #tpu.memory_space<semaphore_mem>>) src(%dma_wait3A_74 : memref<16x16xf32, #tpu.memory_space<vmem_shared>>) dst(%dma_wait3A_71 : memref<16x16xf32, #tpu.memory_space<hbm>>)
        tpu.yield
      }) : () -> ()
    } else {
    }
    return
  }
}

#map = affine_map<(d0, d1) -> (0, 0)>
#map1 = affine_map<(d0, d1) -> (0)>
module attributes {stable_mosaic.version = 14 : i64} {
  func.func @agg(%arg0: i32, %arg1: i32, %arg2: memref<10000x128xf32, #tpu.memory_space<hbm>>, %arg3: memref<320000xi32, #tpu.memory_space<hbm>>, %arg4: memref<2500x128xi32, #tpu.memory_space<hbm>>, %arg5: memref<10000x128xf32, #tpu.memory_space<hbm>>, %arg6: memref<10000x64xf32, #tpu.memory_space<vmem_shared>>, %arg7: memref<10000x64xf32, #tpu.memory_space<vmem_shared>>, %arg8: memref<128xi32, #tpu.memory_space<vmem>>, %arg9: memref<128xi32, #tpu.memory_space<vmem>>, %arg10: memref<160x128xi32, #tpu.memory_space<vmem>>, %arg11: memref<128x64xf32, #tpu.memory_space<vmem>>, %arg12: memref<128x64xf32, #tpu.memory_space<vmem>>, %arg13: memref<!tpu.dma_semaphore, #tpu.memory_space<semaphore_mem>>, %arg14: memref<!tpu.dma_semaphore, #tpu.memory_space<semaphore_mem>>, %arg15: memref<!tpu.dma_semaphore, #tpu.memory_space<semaphore_mem>>) attributes {dimension_semantics = [#tpu.dimension_semantics<core_parallel>, #tpu.dimension_semantics<subcore_parallel>], iteration_bounds = array<i64: 2, 16>, scalar_prefetch = 0 : i64, scratch_operands = 10 : i64, tpu.core_type = #tpu.core_type<sc_vector_subcore>, window_params = [{transform_indices = #map}, {transform_indices = #map1}, {transform_indices = #map}, {transform_indices = #map}]} {
    %mul3A = arith.constant 624 : i32
    %mul3A_0 = arith.muli %arg1, %mul3A : i32
    %mul3A_1 = arith.constant 64 : i32
    %mul3A_2 = arith.muli %arg0, %mul3A_1 : i32
    "tpu.region"() ({
      %run_scoped3A = tpu.sem_alloc : memref<!tpu.dma_semaphore, #tpu.memory_space<semaphore_mem>>
      %dma_start3A_59 = arith.constant 0 : i32
      %dma_start3A_60 = tpu.memref_slice %arg6[%mul3A_0, %dma_start3A_59] : memref<10000x64xf32, #tpu.memory_space<vmem_shared>> -> memref<624x64xf32, #tpu.memory_space<vmem_shared>>
      %dma_start3A_61 = tpu.memref_slice %arg2[%mul3A_0, %mul3A_2] : memref<10000x128xf32, #tpu.memory_space<hbm>> -> memref<624x64xf32, #tpu.memory_space<hbm>>
      tpu.enqueue_dma source(%dma_start3A_61 : memref<624x64xf32, #tpu.memory_space<hbm>>) target(%dma_start3A_60 : memref<624x64xf32, #tpu.memory_space<vmem_shared>>) target_semaphore(%run_scoped3A : memref<!tpu.dma_semaphore, #tpu.memory_space<semaphore_mem>>)
      %dma_wait3A_62 = arith.constant 0 : i32
      %dma_wait3A_63 = tpu.memref_slice %arg6[%mul3A_0, %dma_wait3A_62] : memref<10000x64xf32, #tpu.memory_space<vmem_shared>> -> memref<624x64xf32, #tpu.memory_space<vmem_shared>>
      %dma_wait3A_64 = tpu.memref_slice %arg2[%mul3A_0, %mul3A_2] : memref<10000x128xf32, #tpu.memory_space<hbm>> -> memref<624x64xf32, #tpu.memory_space<hbm>>
      tpu.wait_dma2 semaphore(%run_scoped3A : memref<!tpu.dma_semaphore, #tpu.memory_space<semaphore_mem>>) src(%dma_wait3A_64 : memref<624x64xf32, #tpu.memory_space<hbm>>) dst(%dma_wait3A_63 : memref<624x64xf32, #tpu.memory_space<vmem_shared>>)
      tpu.yield
    }) : () -> ()
    "tpu.region"() ({
      %run_scoped3A = tpu.sem_alloc : memref<!tpu.dma_semaphore, #tpu.memory_space<semaphore_mem>>
      %dma_start3A_59 = arith.constant 0 : i32
      %dma_start3A_60 = tpu.memref_slice %arg7[%mul3A_0, %dma_start3A_59] : memref<10000x64xf32, #tpu.memory_space<vmem_shared>> -> memref<624x64xf32, #tpu.memory_space<vmem_shared>>
      %dma_start3A_61 = tpu.memref_slice %arg2[%mul3A_0, %mul3A_2] : memref<10000x128xf32, #tpu.memory_space<hbm>> -> memref<624x64xf32, #tpu.memory_space<hbm>>
      tpu.enqueue_dma source(%dma_start3A_61 : memref<624x64xf32, #tpu.memory_space<hbm>>) target(%dma_start3A_60 : memref<624x64xf32, #tpu.memory_space<vmem_shared>>) target_semaphore(%run_scoped3A : memref<!tpu.dma_semaphore, #tpu.memory_space<semaphore_mem>>)
      %dma_wait3A_62 = arith.constant 0 : i32
      %dma_wait3A_63 = tpu.memref_slice %arg7[%mul3A_0, %dma_wait3A_62] : memref<10000x64xf32, #tpu.memory_space<vmem_shared>> -> memref<624x64xf32, #tpu.memory_space<vmem_shared>>
      %dma_wait3A_64 = tpu.memref_slice %arg2[%mul3A_0, %mul3A_2] : memref<10000x128xf32, #tpu.memory_space<hbm>> -> memref<624x64xf32, #tpu.memory_space<hbm>>
      tpu.wait_dma2 semaphore(%run_scoped3A : memref<!tpu.dma_semaphore, #tpu.memory_space<semaphore_mem>>) src(%dma_wait3A_64 : memref<624x64xf32, #tpu.memory_space<hbm>>) dst(%dma_wait3A_63 : memref<624x64xf32, #tpu.memory_space<vmem_shared>>)
      tpu.yield
    }) : () -> ()
    %eq3A = arith.constant 15 : i32
    %eq3A_3 = arith.cmpi eq, %arg1, %eq3A : i32
    %convert_element_type3A = arith.extui %eq3A_3 : i1 to i32
    %cond3A = arith.constant 0 : i32
    %cond3A_4 = arith.cmpi ne, %convert_element_type3A, %cond3A : i32
    scf.if %cond3A_4 {
      "tpu.region"() ({
        %run_scoped3A = tpu.sem_alloc : memref<!tpu.dma_semaphore, #tpu.memory_space<semaphore_mem>>
        %dma_start3A_59 = arith.constant 9984 : i32
        %dma_start3A_60 = arith.constant 0 : i32
        %dma_start3A_61 = tpu.memref_slice %arg6[%dma_start3A_59, %dma_start3A_60] : memref<10000x64xf32, #tpu.memory_space<vmem_shared>> -> memref<16x64xf32, #tpu.memory_space<vmem_shared>>
        %dma_start3A_62 = arith.constant 9984 : i32
        %dma_start3A_63 = tpu.memref_slice %arg2[%dma_start3A_62, %mul3A_2] : memref<10000x128xf32, #tpu.memory_space<hbm>> -> memref<16x64xf32, #tpu.memory_space<hbm>>
        tpu.enqueue_dma source(%dma_start3A_63 : memref<16x64xf32, #tpu.memory_space<hbm>>) target(%dma_start3A_61 : memref<16x64xf32, #tpu.memory_space<vmem_shared>>) target_semaphore(%run_scoped3A : memref<!tpu.dma_semaphore, #tpu.memory_space<semaphore_mem>>)
        %dma_wait3A_64 = arith.constant 9984 : i32
        %dma_wait3A_65 = arith.constant 0 : i32
        %dma_wait3A_66 = tpu.memref_slice %arg6[%dma_wait3A_64, %dma_wait3A_65] : memref<10000x64xf32, #tpu.memory_space<vmem_shared>> -> memref<16x64xf32, #tpu.memory_space<vmem_shared>>
        %dma_wait3A_67 = arith.constant 9984 : i32
        %dma_wait3A_68 = tpu.memref_slice %arg2[%dma_wait3A_67, %mul3A_2] : memref<10000x128xf32, #tpu.memory_space<hbm>> -> memref<16x64xf32, #tpu.memory_space<hbm>>
        tpu.wait_dma2 semaphore(%run_scoped3A : memref<!tpu.dma_semaphore, #tpu.memory_space<semaphore_mem>>) src(%dma_wait3A_68 : memref<16x64xf32, #tpu.memory_space<hbm>>) dst(%dma_wait3A_66 : memref<16x64xf32, #tpu.memory_space<vmem_shared>>)
        tpu.yield
      }) : () -> ()
      "tpu.region"() ({
        %run_scoped3A = tpu.sem_alloc : memref<!tpu.dma_semaphore, #tpu.memory_space<semaphore_mem>>
        %dma_start3A_59 = arith.constant 9984 : i32
        %dma_start3A_60 = arith.constant 0 : i32
        %dma_start3A_61 = tpu.memref_slice %arg7[%dma_start3A_59, %dma_start3A_60] : memref<10000x64xf32, #tpu.memory_space<vmem_shared>> -> memref<16x64xf32, #tpu.memory_space<vmem_shared>>
        %dma_start3A_62 = arith.constant 9984 : i32
        %dma_start3A_63 = tpu.memref_slice %arg2[%dma_start3A_62, %mul3A_2] : memref<10000x128xf32, #tpu.memory_space<hbm>> -> memref<16x64xf32, #tpu.memory_space<hbm>>
        tpu.enqueue_dma source(%dma_start3A_63 : memref<16x64xf32, #tpu.memory_space<hbm>>) target(%dma_start3A_61 : memref<16x64xf32, #tpu.memory_space<vmem_shared>>) target_semaphore(%run_scoped3A : memref<!tpu.dma_semaphore, #tpu.memory_space<semaphore_mem>>)
        %dma_wait3A_64 = arith.constant 9984 : i32
        %dma_wait3A_65 = arith.constant 0 : i32
        %dma_wait3A_66 = tpu.memref_slice %arg7[%dma_wait3A_64, %dma_wait3A_65] : memref<10000x64xf32, #tpu.memory_space<vmem_shared>> -> memref<16x64xf32, #tpu.memory_space<vmem_shared>>
        %dma_wait3A_67 = arith.constant 9984 : i32
        %dma_wait3A_68 = tpu.memref_slice %arg2[%dma_wait3A_67, %mul3A_2] : memref<10000x128xf32, #tpu.memory_space<hbm>> -> memref<16x64xf32, #tpu.memory_space<hbm>>
        tpu.wait_dma2 semaphore(%run_scoped3A : memref<!tpu.dma_semaphore, #tpu.memory_space<semaphore_mem>>) src(%dma_wait3A_68 : memref<16x64xf32, #tpu.memory_space<hbm>>) dst(%dma_wait3A_66 : memref<16x64xf32, #tpu.memory_space<vmem_shared>>)
        tpu.yield
      }) : () -> ()
    } else {
    }
    %mul3A_5 = arith.constant 160 : i32
    %mul3A_6 = arith.muli %arg1, %mul3A_5 : i32
    %eq3A_7 = arith.constant 15 : i32
    %eq3A_8 = arith.cmpi eq, %arg1, %eq3A_7 : i32
    %jit3A = arith.constant 100 : i32
    %jit3A_9 = arith.constant 160 : i32
    %select_n3A = arith.select %eq3A_8, %jit3A, %jit3A_9 : i32
    %eq3A_10 = arith.constant 15 : i32
    %eq3A_11 = arith.cmpi eq, %arg1, %eq3A_10 : i32
    %convert_element_type3A_12 = arith.extui %eq3A_11 : i1 to i32
    %cond3A_13 = arith.constant 0 : i32
    %cond3A_14 = arith.cmpi ne, %convert_element_type3A_12, %cond3A_13 : i32
    scf.if %cond3A_14 {
      "tpu.region"() ({
        %run_scoped3A = tpu.sem_alloc : memref<!tpu.dma_semaphore, #tpu.memory_space<semaphore_mem>>
        %dma_start3A_59 = arith.constant 0 : i32
        %dma_start3A_60 = arith.constant 0 : i32
        %dma_start3A_61 = tpu.memref_slice %arg10[%dma_start3A_59, %dma_start3A_60] : memref<160x128xi32, #tpu.memory_space<vmem>> -> memref<100x128xi32, #tpu.memory_space<vmem>>
        %dma_start3A_62 = arith.constant 0 : i32
        %dma_start3A_63 = tpu.memref_slice %arg4[%mul3A_6, %dma_start3A_62] : memref<2500x128xi32, #tpu.memory_space<hbm>> -> memref<100x128xi32, #tpu.memory_space<hbm>>
        %dma_start3A_64 = arith.constant 0 : i32
        %dma_start3A_65 = arith.constant 0 : i32
        %dma_start3A_66 = tpu.memref_slice %arg10[%dma_start3A_64, %dma_start3A_65] : memref<160x128xi32, #tpu.memory_space<vmem>> -> memref<100x128xi32, #tpu.memory_space<vmem>>
        %dma_start3A_67 = arith.constant 0 : i32
        %dma_start3A_68 = tpu.memref_slice %arg4[%mul3A_6, %dma_start3A_67] : memref<2500x128xi32, #tpu.memory_space<hbm>> -> memref<100x128xi32, #tpu.memory_space<hbm>>
        tpu.enqueue_dma source(%dma_start3A_68 : memref<100x128xi32, #tpu.memory_space<hbm>>) target(%dma_start3A_66 : memref<100x128xi32, #tpu.memory_space<vmem>>) target_semaphore(%run_scoped3A : memref<!tpu.dma_semaphore, #tpu.memory_space<semaphore_mem>>)
        %dma_wait3A_69 = arith.constant 0 : i32
        %dma_wait3A_70 = arith.constant 0 : i32
        %dma_wait3A_71 = tpu.memref_slice %arg10[%dma_wait3A_69, %dma_wait3A_70] : memref<160x128xi32, #tpu.memory_space<vmem>> -> memref<100x128xi32, #tpu.memory_space<vmem>>
        %dma_wait3A_72 = arith.constant 0 : i32
        %dma_wait3A_73 = tpu.memref_slice %arg4[%mul3A_6, %dma_wait3A_72] : memref<2500x128xi32, #tpu.memory_space<hbm>> -> memref<100x128xi32, #tpu.memory_space<hbm>>
        %dma_wait3A_74 = arith.constant 0 : i32
        %dma_wait3A_75 = arith.constant 0 : i32
        %dma_wait3A_76 = tpu.memref_slice %arg10[%dma_wait3A_74, %dma_wait3A_75] : memref<160x128xi32, #tpu.memory_space<vmem>> -> memref<100x128xi32, #tpu.memory_space<vmem>>
        %dma_wait3A_77 = arith.constant 0 : i32
        %dma_wait3A_78 = tpu.memref_slice %arg4[%mul3A_6, %dma_wait3A_77] : memref<2500x128xi32, #tpu.memory_space<hbm>> -> memref<100x128xi32, #tpu.memory_space<hbm>>
        tpu.wait_dma2 semaphore(%run_scoped3A : memref<!tpu.dma_semaphore, #tpu.memory_space<semaphore_mem>>) src(%dma_wait3A_78 : memref<100x128xi32, #tpu.memory_space<hbm>>) dst(%dma_wait3A_76 : memref<100x128xi32, #tpu.memory_space<vmem>>)
        tpu.yield
      }) : () -> ()
    } else {
    }
    %lt3A = arith.constant 15 : i32
    %lt3A_15 = arith.cmpi slt, %arg1, %lt3A : i32
    %convert_element_type3A_16 = arith.extui %lt3A_15 : i1 to i32
    %cond3A_17 = arith.constant 0 : i32
    %cond3A_18 = arith.cmpi ne, %convert_element_type3A_16, %cond3A_17 : i32
    scf.if %cond3A_18 {
      "tpu.region"() ({
        %run_scoped3A = tpu.sem_alloc : memref<!tpu.dma_semaphore, #tpu.memory_space<semaphore_mem>>
        %dma_start3A_59 = arith.constant 0 : i32
        %dma_start3A_60 = tpu.memref_slice %arg4[%mul3A_6, %dma_start3A_59] : memref<2500x128xi32, #tpu.memory_space<hbm>> -> memref<160x128xi32, #tpu.memory_space<hbm>>
        %dma_start3A_61 = arith.constant 0 : i32
        %dma_start3A_62 = tpu.memref_slice %arg4[%mul3A_6, %dma_start3A_61] : memref<2500x128xi32, #tpu.memory_space<hbm>> -> memref<160x128xi32, #tpu.memory_space<hbm>>
        tpu.enqueue_dma source(%dma_start3A_62 : memref<160x128xi32, #tpu.memory_space<hbm>>) target(%arg10 : memref<160x128xi32, #tpu.memory_space<vmem>>) target_semaphore(%run_scoped3A : memref<!tpu.dma_semaphore, #tpu.memory_space<semaphore_mem>>)
        %dma_wait3A_63 = arith.constant 0 : i32
        %dma_wait3A_64 = tpu.memref_slice %arg4[%mul3A_6, %dma_wait3A_63] : memref<2500x128xi32, #tpu.memory_space<hbm>> -> memref<160x128xi32, #tpu.memory_space<hbm>>
        %dma_wait3A_65 = arith.constant 0 : i32
        %dma_wait3A_66 = tpu.memref_slice %arg4[%mul3A_6, %dma_wait3A_65] : memref<2500x128xi32, #tpu.memory_space<hbm>> -> memref<160x128xi32, #tpu.memory_space<hbm>>
        tpu.wait_dma2 semaphore(%run_scoped3A : memref<!tpu.dma_semaphore, #tpu.memory_space<semaphore_mem>>) src(%dma_wait3A_66 : memref<160x128xi32, #tpu.memory_space<hbm>>) dst(%arg10 : memref<160x128xi32, #tpu.memory_space<vmem>>)
        tpu.yield
      }) : () -> ()
    } else {
    }
    %barrier3A = arith.constant 0 : index
    tpu.barrier barrier_id(%barrier3A)
    %mul3A_19 = arith.constant 128 : i32
    %mul3A_20 = arith.muli %mul3A_6, %mul3A_19 : i32
    "tpu.region"() ({
      %run_scoped3A = tpu.sem_alloc : memref<!tpu.dma_semaphore, #tpu.memory_space<semaphore_mem>>
      %dma_start3A_59 = tpu.memref_slice %arg3[%mul3A_20] : memref<320000xi32, #tpu.memory_space<hbm>> -> memref<128xi32, #tpu.memory_space<hbm>>
      %dma_start3A_60 = tpu.memref_slice %arg3[%mul3A_20] : memref<320000xi32, #tpu.memory_space<hbm>> -> memref<128xi32, #tpu.memory_space<hbm>>
      tpu.enqueue_dma source(%dma_start3A_60 : memref<128xi32, #tpu.memory_space<hbm>>) target(%arg8 : memref<128xi32, #tpu.memory_space<vmem>>) target_semaphore(%run_scoped3A : memref<!tpu.dma_semaphore, #tpu.memory_space<semaphore_mem>>)
      %dma_wait3A_61 = tpu.memref_slice %arg3[%mul3A_20] : memref<320000xi32, #tpu.memory_space<hbm>> -> memref<128xi32, #tpu.memory_space<hbm>>
      %dma_wait3A_62 = tpu.memref_slice %arg3[%mul3A_20] : memref<320000xi32, #tpu.memory_space<hbm>> -> memref<128xi32, #tpu.memory_space<hbm>>
      tpu.wait_dma2 semaphore(%run_scoped3A : memref<!tpu.dma_semaphore, #tpu.memory_space<semaphore_mem>>) src(%dma_wait3A_62 : memref<128xi32, #tpu.memory_space<hbm>>) dst(%arg8 : memref<128xi32, #tpu.memory_space<vmem>>)
      tpu.yield
    }) : () -> ()
    %add3A = arith.constant 128 : i32
    %add3A_21 = arith.addi %mul3A_20, %add3A : i32
    "tpu.region"() ({
      %run_scoped3A = tpu.sem_alloc : memref<!tpu.dma_semaphore, #tpu.memory_space<semaphore_mem>>
      %dma_start3A_59 = tpu.memref_slice %arg3[%add3A_21] : memref<320000xi32, #tpu.memory_space<hbm>> -> memref<128xi32, #tpu.memory_space<hbm>>
      %dma_start3A_60 = tpu.memref_slice %arg3[%add3A_21] : memref<320000xi32, #tpu.memory_space<hbm>> -> memref<128xi32, #tpu.memory_space<hbm>>
      tpu.enqueue_dma source(%dma_start3A_60 : memref<128xi32, #tpu.memory_space<hbm>>) target(%arg9 : memref<128xi32, #tpu.memory_space<vmem>>) target_semaphore(%run_scoped3A : memref<!tpu.dma_semaphore, #tpu.memory_space<semaphore_mem>>)
      %dma_wait3A_61 = tpu.memref_slice %arg3[%add3A_21] : memref<320000xi32, #tpu.memory_space<hbm>> -> memref<128xi32, #tpu.memory_space<hbm>>
      %dma_wait3A_62 = tpu.memref_slice %arg3[%add3A_21] : memref<320000xi32, #tpu.memory_space<hbm>> -> memref<128xi32, #tpu.memory_space<hbm>>
      tpu.wait_dma2 semaphore(%run_scoped3A : memref<!tpu.dma_semaphore, #tpu.memory_space<semaphore_mem>>) src(%dma_wait3A_62 : memref<128xi32, #tpu.memory_space<hbm>>) dst(%arg9 : memref<128xi32, #tpu.memory_space<vmem>>)
      tpu.yield
    }) : () -> ()
    %dma_start3A = arith.constant 0 : i32
    %dma_start3A_22 = arith.constant 0 : i32
    %dma_start3A_23 = tpu.memref_slice %arg6[%dma_start3A, %dma_start3A_22] : memref<10000x64xf32, #tpu.memory_space<vmem_shared>> -> memref<10000x64xf32, #tpu.memory_space<vmem_shared>>
    tpu.enqueue_indirect_dma source(%dma_start3A_23 : memref<10000x64xf32, #tpu.memory_space<vmem_shared>>) target(%arg11 : memref<128x64xf32, #tpu.memory_space<vmem>>) offsets(%arg8 : memref<128xi32, #tpu.memory_space<vmem>>) semaphore(%arg13 : memref<!tpu.dma_semaphore, #tpu.memory_space<semaphore_mem>>)
    %dma_wait3A = arith.constant 0 : i32
    %dma_wait3A_24 = arith.constant 0 : i32
    %dma_wait3A_25 = tpu.memref_slice %arg6[%dma_wait3A, %dma_wait3A_24] : memref<10000x64xf32, #tpu.memory_space<vmem_shared>> -> memref<10000x64xf32, #tpu.memory_space<vmem_shared>>
    tpu.wait_indirect_dma semaphore(%arg13 : memref<!tpu.dma_semaphore, #tpu.memory_space<semaphore_mem>>) src(%dma_wait3A_25 : memref<10000x64xf32, #tpu.memory_space<vmem_shared>>) dst(%arg11 : memref<128x64xf32, #tpu.memory_space<vmem>>)
    %jit3A_26 = arith.constant 2 : i32
    %div3A = arith.divsi %select_n3A, %jit3A_26 : i32
    %sign3A = arith.constant 0 : i32
    %sign3A_27 = arith.cmpi sgt, %select_n3A, %sign3A : i32
    %sign3A_28 = arith.extui %sign3A_27 : i1 to i32
    %sign3A_29 = arith.constant 0 : i32
    %sign3A_30 = arith.cmpi slt, %select_n3A, %sign3A_29 : i32
    %sign3A_31 = arith.extui %sign3A_30 : i1 to i32
    %sign3A_32 = arith.subi %sign3A_28, %sign3A_31 : i32
    %sign3A_33 = arith.constant 0 : i32
    %sign3A_34 = arith.cmpi sgt, %jit3A_26, %sign3A_33 : i32
    %sign3A_35 = arith.extui %sign3A_34 : i1 to i32
    %sign3A_36 = arith.constant 0 : i32
    %sign3A_37 = arith.cmpi slt, %jit3A_26, %sign3A_36 : i32
    %sign3A_38 = arith.extui %sign3A_37 : i1 to i32
    %sign3A_39 = arith.subi %sign3A_35, %sign3A_38 : i32
    %ne3A = arith.cmpi ne, %sign3A_32, %sign3A_39 : i32
    %rem3A = arith.remsi %select_n3A, %jit3A_26 : i32
    %ne3A_40 = arith.constant 0 : i32
    %ne3A_41 = arith.cmpi ne, %rem3A, %ne3A_40 : i32
    %and3A = arith.andi %ne3A, %ne3A_41 : i1
    %sub3A = arith.constant 1 : i32
    %sub3A_42 = arith.subi %div3A, %sub3A : i32
    %select_n3A_43 = arith.select %and3A, %sub3A_42, %div3A : i32
    %while3A = arith.constant 0 : i32
    %while3A_44 = arith.constant 0 : i32
    %while3A_45 = arith.subi %select_n3A_43, %while3A_44 : i32
    %while3A_46 = arith.addi %while3A_44, %while3A_45 : i32
    %while3A_47 = arith.constant 1 : i32
    %while3A_48 = arith.divsi %while3A_45, %while3A_47 : i32
    %while3A_49 = arith.muli %while3A_48, %while3A_47 : i32
    %while3A_50 = arith.addi %while3A_44, %while3A_49 : i32
    %while3A_51 = arith.constant 1 : i32
    scf.for %while3A_59 = %while3A_44 to %while3A_50 step %while3A_51  : i32 {
      %mul3A_60 = arith.constant 2 : i32
      %mul3A_61 = arith.muli %mul3A_60, %while3A_59 : i32
      %dma_start3A_62 = arith.constant 0 : i32
      %dma_start3A_63 = arith.constant 0 : i32
      %dma_start3A_64 = tpu.memref_slice %arg6[%dma_start3A_62, %dma_start3A_63] : memref<10000x64xf32, #tpu.memory_space<vmem_shared>> -> memref<10000x64xf32, #tpu.memory_space<vmem_shared>>
      tpu.enqueue_indirect_dma source(%dma_start3A_64 : memref<10000x64xf32, #tpu.memory_space<vmem_shared>>) target(%arg12 : memref<128x64xf32, #tpu.memory_space<vmem>>) offsets(%arg9 : memref<128xi32, #tpu.memory_space<vmem>>) semaphore(%arg13 : memref<!tpu.dma_semaphore, #tpu.memory_space<semaphore_mem>>)
      %dma_start3A_65 = arith.constant 0 : i32
      %dma_start3A_66 = tpu.memref_slice %arg10[%mul3A_61, %dma_start3A_65] : memref<160x128xi32, #tpu.memory_space<vmem>> -> memref<1x128xi32, #tpu.memory_space<vmem>>
      %dma_start3A_67 = tpu.memref_squeeze %dma_start3A_66 : memref<1x128xi32, #tpu.memory_space<vmem>> -> memref<128xi32, #tpu.memory_space<vmem>>
      %dma_start3A_68 = arith.constant 0 : i32
      %dma_start3A_69 = arith.constant 0 : i32
      %dma_start3A_70 = tpu.memref_slice %arg7[%dma_start3A_68, %dma_start3A_69] : memref<10000x64xf32, #tpu.memory_space<vmem_shared>> -> memref<10000x64xf32, #tpu.memory_space<vmem_shared>>
      tpu.enqueue_indirect_dma source(%arg11 : memref<128x64xf32, #tpu.memory_space<vmem>>) target(%dma_start3A_70 : memref<10000x64xf32, #tpu.memory_space<vmem_shared>>) offsets(%dma_start3A_67 : memref<128xi32, #tpu.memory_space<vmem>>) semaphore(%arg15 : memref<!tpu.dma_semaphore, #tpu.memory_space<semaphore_mem>>) {add = true}
      %add3A_71 = arith.constant 2 : i32
      %add3A_72 = arith.addi %mul3A_61, %add3A_71 : i32
      %lt3A_73 = arith.cmpi slt, %add3A_72, %select_n3A : i32
      %convert_element_type3A_74 = arith.extui %lt3A_73 : i1 to i32
      %cond3A_75 = arith.constant 0 : i32
      %cond3A_76 = arith.cmpi ne, %convert_element_type3A_74, %cond3A_75 : i32
      scf.if %cond3A_76 {
        %add3A_82 = arith.constant 2 : i32
        %add3A_83 = arith.addi %mul3A_61, %add3A_82 : i32
        %mul3A_84 = arith.constant 128 : i32
        %mul3A_85 = arith.muli %add3A_83, %mul3A_84 : i32
        %add3A_86 = arith.addi %mul3A_20, %mul3A_85 : i32
        %dma_start3A_87 = tpu.memref_slice %arg3[%add3A_86] : memref<320000xi32, #tpu.memory_space<hbm>> -> memref<128xi32, #tpu.memory_space<hbm>>
        %dma_start3A_88 = tpu.memref_slice %arg3[%add3A_86] : memref<320000xi32, #tpu.memory_space<hbm>> -> memref<128xi32, #tpu.memory_space<hbm>>
        tpu.enqueue_dma source(%dma_start3A_88 : memref<128xi32, #tpu.memory_space<hbm>>) target(%arg8 : memref<128xi32, #tpu.memory_space<vmem>>) target_semaphore(%arg14 : memref<!tpu.dma_semaphore, #tpu.memory_space<semaphore_mem>>)
        %dma_wait3A_89 = arith.constant 0 : i32
        %dma_wait3A_90 = arith.constant 0 : i32
        %dma_wait3A_91 = tpu.memref_slice %arg6[%dma_wait3A_89, %dma_wait3A_90] : memref<10000x64xf32, #tpu.memory_space<vmem_shared>> -> memref<10000x64xf32, #tpu.memory_space<vmem_shared>>
        tpu.wait_indirect_dma semaphore(%arg13 : memref<!tpu.dma_semaphore, #tpu.memory_space<semaphore_mem>>) src(%dma_wait3A_91 : memref<10000x64xf32, #tpu.memory_space<vmem_shared>>) dst(%arg12 : memref<128x64xf32, #tpu.memory_space<vmem>>)
        %dma_wait3A_92 = tpu.memref_slice %arg3[%add3A_86] : memref<320000xi32, #tpu.memory_space<hbm>> -> memref<128xi32, #tpu.memory_space<hbm>>
        %dma_wait3A_93 = tpu.memref_slice %arg3[%add3A_86] : memref<320000xi32, #tpu.memory_space<hbm>> -> memref<128xi32, #tpu.memory_space<hbm>>
        tpu.wait_dma2 semaphore(%arg14 : memref<!tpu.dma_semaphore, #tpu.memory_space<semaphore_mem>>) src(%dma_wait3A_93 : memref<128xi32, #tpu.memory_space<hbm>>) dst(%arg8 : memref<128xi32, #tpu.memory_space<vmem>>)
        %dma_wait3A_94 = arith.constant 0 : i32
        %dma_wait3A_95 = tpu.memref_slice %arg10[%mul3A_61, %dma_wait3A_94] : memref<160x128xi32, #tpu.memory_space<vmem>> -> memref<1x128xi32, #tpu.memory_space<vmem>>
        %dma_wait3A_96 = tpu.memref_squeeze %dma_wait3A_95 : memref<1x128xi32, #tpu.memory_space<vmem>> -> memref<128xi32, #tpu.memory_space<vmem>>
        %dma_wait3A_97 = arith.constant 0 : i32
        %dma_wait3A_98 = arith.constant 0 : i32
        %dma_wait3A_99 = tpu.memref_slice %arg7[%dma_wait3A_97, %dma_wait3A_98] : memref<10000x64xf32, #tpu.memory_space<vmem_shared>> -> memref<10000x64xf32, #tpu.memory_space<vmem_shared>>
        tpu.wait_indirect_dma semaphore(%arg15 : memref<!tpu.dma_semaphore, #tpu.memory_space<semaphore_mem>>) src(%arg11 : memref<128x64xf32, #tpu.memory_space<vmem>>) dst(%dma_wait3A_99 : memref<10000x64xf32, #tpu.memory_space<vmem_shared>>)
        %dma_start3A_100 = arith.constant 0 : i32
        %dma_start3A_101 = arith.constant 0 : i32
        %dma_start3A_102 = tpu.memref_slice %arg6[%dma_start3A_100, %dma_start3A_101] : memref<10000x64xf32, #tpu.memory_space<vmem_shared>> -> memref<10000x64xf32, #tpu.memory_space<vmem_shared>>
        tpu.enqueue_indirect_dma source(%dma_start3A_102 : memref<10000x64xf32, #tpu.memory_space<vmem_shared>>) target(%arg11 : memref<128x64xf32, #tpu.memory_space<vmem>>) offsets(%arg8 : memref<128xi32, #tpu.memory_space<vmem>>) semaphore(%arg13 : memref<!tpu.dma_semaphore, #tpu.memory_space<semaphore_mem>>)
        %add3A_103 = arith.constant 1 : i32
        %add3A_104 = arith.addi %mul3A_61, %add3A_103 : i32
        %dma_start3A_105 = arith.constant 0 : i32
        %dma_start3A_106 = tpu.memref_slice %arg10[%add3A_104, %dma_start3A_105] : memref<160x128xi32, #tpu.memory_space<vmem>> -> memref<1x128xi32, #tpu.memory_space<vmem>>
        %dma_start3A_107 = tpu.memref_squeeze %dma_start3A_106 : memref<1x128xi32, #tpu.memory_space<vmem>> -> memref<128xi32, #tpu.memory_space<vmem>>
        %dma_start3A_108 = arith.constant 0 : i32
        %dma_start3A_109 = arith.constant 0 : i32
        %dma_start3A_110 = tpu.memref_slice %arg7[%dma_start3A_108, %dma_start3A_109] : memref<10000x64xf32, #tpu.memory_space<vmem_shared>> -> memref<10000x64xf32, #tpu.memory_space<vmem_shared>>
        tpu.enqueue_indirect_dma source(%arg12 : memref<128x64xf32, #tpu.memory_space<vmem>>) target(%dma_start3A_110 : memref<10000x64xf32, #tpu.memory_space<vmem_shared>>) offsets(%dma_start3A_107 : memref<128xi32, #tpu.memory_space<vmem>>) semaphore(%arg15 : memref<!tpu.dma_semaphore, #tpu.memory_space<semaphore_mem>>) {add = true}
        %add3A_111 = arith.constant 3 : i32
        %add3A_112 = arith.addi %mul3A_61, %add3A_111 : i32
        %lt3A_113 = arith.cmpi slt, %add3A_112, %select_n3A : i32
        %convert_element_type3A_114 = arith.extui %lt3A_113 : i1 to i32
        %cond3A_115 = arith.constant 0 : i32
        %cond3A_116 = arith.cmpi ne, %convert_element_type3A_114, %cond3A_115 : i32
        scf.if %cond3A_116 {
          %add3A_126 = arith.constant 3 : i32
          %add3A_127 = arith.addi %mul3A_61, %add3A_126 : i32
          %mul3A_128 = arith.constant 128 : i32
          %mul3A_129 = arith.muli %add3A_127, %mul3A_128 : i32
          %add3A_130 = arith.addi %mul3A_20, %mul3A_129 : i32
          %dma_start3A_131 = tpu.memref_slice %arg3[%add3A_130] : memref<320000xi32, #tpu.memory_space<hbm>> -> memref<128xi32, #tpu.memory_space<hbm>>
          %dma_start3A_132 = tpu.memref_slice %arg3[%add3A_130] : memref<320000xi32, #tpu.memory_space<hbm>> -> memref<128xi32, #tpu.memory_space<hbm>>
          tpu.enqueue_dma source(%dma_start3A_132 : memref<128xi32, #tpu.memory_space<hbm>>) target(%arg9 : memref<128xi32, #tpu.memory_space<vmem>>) target_semaphore(%arg14 : memref<!tpu.dma_semaphore, #tpu.memory_space<semaphore_mem>>)
          %dma_wait3A_133 = tpu.memref_slice %arg3[%add3A_130] : memref<320000xi32, #tpu.memory_space<hbm>> -> memref<128xi32, #tpu.memory_space<hbm>>
          %dma_wait3A_134 = tpu.memref_slice %arg3[%add3A_130] : memref<320000xi32, #tpu.memory_space<hbm>> -> memref<128xi32, #tpu.memory_space<hbm>>
          tpu.wait_dma2 semaphore(%arg14 : memref<!tpu.dma_semaphore, #tpu.memory_space<semaphore_mem>>) src(%dma_wait3A_134 : memref<128xi32, #tpu.memory_space<hbm>>) dst(%arg9 : memref<128xi32, #tpu.memory_space<vmem>>)
        } else {
        }
        %dma_wait3A_117 = arith.constant 0 : i32
        %dma_wait3A_118 = arith.constant 0 : i32
        %dma_wait3A_119 = tpu.memref_slice %arg6[%dma_wait3A_117, %dma_wait3A_118] : memref<10000x64xf32, #tpu.memory_space<vmem_shared>> -> memref<10000x64xf32, #tpu.memory_space<vmem_shared>>
        tpu.wait_indirect_dma semaphore(%arg13 : memref<!tpu.dma_semaphore, #tpu.memory_space<semaphore_mem>>) src(%dma_wait3A_119 : memref<10000x64xf32, #tpu.memory_space<vmem_shared>>) dst(%arg11 : memref<128x64xf32, #tpu.memory_space<vmem>>)
        %dma_wait3A_120 = arith.constant 0 : i32
        %dma_wait3A_121 = tpu.memref_slice %arg10[%add3A_104, %dma_wait3A_120] : memref<160x128xi32, #tpu.memory_space<vmem>> -> memref<1x128xi32, #tpu.memory_space<vmem>>
        %dma_wait3A_122 = tpu.memref_squeeze %dma_wait3A_121 : memref<1x128xi32, #tpu.memory_space<vmem>> -> memref<128xi32, #tpu.memory_space<vmem>>
        %dma_wait3A_123 = arith.constant 0 : i32
        %dma_wait3A_124 = arith.constant 0 : i32
        %dma_wait3A_125 = tpu.memref_slice %arg7[%dma_wait3A_123, %dma_wait3A_124] : memref<10000x64xf32, #tpu.memory_space<vmem_shared>> -> memref<10000x64xf32, #tpu.memory_space<vmem_shared>>
        tpu.wait_indirect_dma semaphore(%arg15 : memref<!tpu.dma_semaphore, #tpu.memory_space<semaphore_mem>>) src(%arg12 : memref<128x64xf32, #tpu.memory_space<vmem>>) dst(%dma_wait3A_125 : memref<10000x64xf32, #tpu.memory_space<vmem_shared>>)
      } else {
      }
      %add3A_77 = arith.constant 2 : i32
      %add3A_78 = arith.addi %mul3A_61, %add3A_77 : i32
      %ge3A = arith.cmpi sge, %add3A_78, %select_n3A : i32
      %convert_element_type3A_79 = arith.extui %ge3A : i1 to i32
      %cond3A_80 = arith.constant 0 : i32
      %cond3A_81 = arith.cmpi ne, %convert_element_type3A_79, %cond3A_80 : i32
      scf.if %cond3A_81 {
        %dma_wait3A_82 = arith.constant 0 : i32
        %dma_wait3A_83 = arith.constant 0 : i32
        %dma_wait3A_84 = tpu.memref_slice %arg6[%dma_wait3A_82, %dma_wait3A_83] : memref<10000x64xf32, #tpu.memory_space<vmem_shared>> -> memref<10000x64xf32, #tpu.memory_space<vmem_shared>>
        tpu.wait_indirect_dma semaphore(%arg13 : memref<!tpu.dma_semaphore, #tpu.memory_space<semaphore_mem>>) src(%dma_wait3A_84 : memref<10000x64xf32, #tpu.memory_space<vmem_shared>>) dst(%arg12 : memref<128x64xf32, #tpu.memory_space<vmem>>)
        %dma_wait3A_85 = arith.constant 0 : i32
        %dma_wait3A_86 = tpu.memref_slice %arg10[%mul3A_61, %dma_wait3A_85] : memref<160x128xi32, #tpu.memory_space<vmem>> -> memref<1x128xi32, #tpu.memory_space<vmem>>
        %dma_wait3A_87 = tpu.memref_squeeze %dma_wait3A_86 : memref<1x128xi32, #tpu.memory_space<vmem>> -> memref<128xi32, #tpu.memory_space<vmem>>
        %dma_wait3A_88 = arith.constant 0 : i32
        %dma_wait3A_89 = arith.constant 0 : i32
        %dma_wait3A_90 = tpu.memref_slice %arg7[%dma_wait3A_88, %dma_wait3A_89] : memref<10000x64xf32, #tpu.memory_space<vmem_shared>> -> memref<10000x64xf32, #tpu.memory_space<vmem_shared>>
        tpu.wait_indirect_dma semaphore(%arg15 : memref<!tpu.dma_semaphore, #tpu.memory_space<semaphore_mem>>) src(%arg11 : memref<128x64xf32, #tpu.memory_space<vmem>>) dst(%dma_wait3A_90 : memref<10000x64xf32, #tpu.memory_space<vmem_shared>>)
        %add3A_91 = arith.constant 1 : i32
        %add3A_92 = arith.addi %mul3A_61, %add3A_91 : i32
        "tpu.region"() ({
          %run_scoped3A = tpu.sem_alloc : memref<!tpu.dma_semaphore, #tpu.memory_space<semaphore_mem>>
          %dma_start3A_93 = arith.constant 0 : i32
          %dma_start3A_94 = tpu.memref_slice %arg10[%add3A_92, %dma_start3A_93] : memref<160x128xi32, #tpu.memory_space<vmem>> -> memref<1x128xi32, #tpu.memory_space<vmem>>
          %dma_start3A_95 = tpu.memref_squeeze %dma_start3A_94 : memref<1x128xi32, #tpu.memory_space<vmem>> -> memref<128xi32, #tpu.memory_space<vmem>>
          %dma_start3A_96 = arith.constant 0 : i32
          %dma_start3A_97 = arith.constant 0 : i32
          %dma_start3A_98 = tpu.memref_slice %arg7[%dma_start3A_96, %dma_start3A_97] : memref<10000x64xf32, #tpu.memory_space<vmem_shared>> -> memref<10000x64xf32, #tpu.memory_space<vmem_shared>>
          tpu.enqueue_indirect_dma source(%arg12 : memref<128x64xf32, #tpu.memory_space<vmem>>) target(%dma_start3A_98 : memref<10000x64xf32, #tpu.memory_space<vmem_shared>>) offsets(%dma_start3A_95 : memref<128xi32, #tpu.memory_space<vmem>>) semaphore(%run_scoped3A : memref<!tpu.dma_semaphore, #tpu.memory_space<semaphore_mem>>) {add = true}
          %dma_wait3A_99 = arith.constant 0 : i32
          %dma_wait3A_100 = tpu.memref_slice %arg10[%add3A_92, %dma_wait3A_99] : memref<160x128xi32, #tpu.memory_space<vmem>> -> memref<1x128xi32, #tpu.memory_space<vmem>>
          %dma_wait3A_101 = tpu.memref_squeeze %dma_wait3A_100 : memref<1x128xi32, #tpu.memory_space<vmem>> -> memref<128xi32, #tpu.memory_space<vmem>>
          %dma_wait3A_102 = arith.constant 0 : i32
          %dma_wait3A_103 = arith.constant 0 : i32
          %dma_wait3A_104 = tpu.memref_slice %arg7[%dma_wait3A_102, %dma_wait3A_103] : memref<10000x64xf32, #tpu.memory_space<vmem_shared>> -> memref<10000x64xf32, #tpu.memory_space<vmem_shared>>
          tpu.wait_indirect_dma semaphore(%run_scoped3A : memref<!tpu.dma_semaphore, #tpu.memory_space<semaphore_mem>>) src(%arg12 : memref<128x64xf32, #tpu.memory_space<vmem>>) dst(%dma_wait3A_104 : memref<10000x64xf32, #tpu.memory_space<vmem_shared>>)
          tpu.yield
        }) : () -> ()
      } else {
      }
    }
    %while3A_52 = arith.constant 1 : i32
    scf.for %while3A_59 = %while3A_50 to %while3A_46 step %while3A_52  : i32 {
      %mul3A_60 = arith.constant 2 : i32
      %mul3A_61 = arith.muli %mul3A_60, %while3A_59 : i32
      %dma_start3A_62 = arith.constant 0 : i32
      %dma_start3A_63 = arith.constant 0 : i32
      %dma_start3A_64 = tpu.memref_slice %arg6[%dma_start3A_62, %dma_start3A_63] : memref<10000x64xf32, #tpu.memory_space<vmem_shared>> -> memref<10000x64xf32, #tpu.memory_space<vmem_shared>>
      tpu.enqueue_indirect_dma source(%dma_start3A_64 : memref<10000x64xf32, #tpu.memory_space<vmem_shared>>) target(%arg12 : memref<128x64xf32, #tpu.memory_space<vmem>>) offsets(%arg9 : memref<128xi32, #tpu.memory_space<vmem>>) semaphore(%arg13 : memref<!tpu.dma_semaphore, #tpu.memory_space<semaphore_mem>>)
      %dma_start3A_65 = arith.constant 0 : i32
      %dma_start3A_66 = tpu.memref_slice %arg10[%mul3A_61, %dma_start3A_65] : memref<160x128xi32, #tpu.memory_space<vmem>> -> memref<1x128xi32, #tpu.memory_space<vmem>>
      %dma_start3A_67 = tpu.memref_squeeze %dma_start3A_66 : memref<1x128xi32, #tpu.memory_space<vmem>> -> memref<128xi32, #tpu.memory_space<vmem>>
      %dma_start3A_68 = arith.constant 0 : i32
      %dma_start3A_69 = arith.constant 0 : i32
      %dma_start3A_70 = tpu.memref_slice %arg7[%dma_start3A_68, %dma_start3A_69] : memref<10000x64xf32, #tpu.memory_space<vmem_shared>> -> memref<10000x64xf32, #tpu.memory_space<vmem_shared>>
      tpu.enqueue_indirect_dma source(%arg11 : memref<128x64xf32, #tpu.memory_space<vmem>>) target(%dma_start3A_70 : memref<10000x64xf32, #tpu.memory_space<vmem_shared>>) offsets(%dma_start3A_67 : memref<128xi32, #tpu.memory_space<vmem>>) semaphore(%arg15 : memref<!tpu.dma_semaphore, #tpu.memory_space<semaphore_mem>>) {add = true}
      %add3A_71 = arith.constant 2 : i32
      %add3A_72 = arith.addi %mul3A_61, %add3A_71 : i32
      %lt3A_73 = arith.cmpi slt, %add3A_72, %select_n3A : i32
      %convert_element_type3A_74 = arith.extui %lt3A_73 : i1 to i32
      %cond3A_75 = arith.constant 0 : i32
      %cond3A_76 = arith.cmpi ne, %convert_element_type3A_74, %cond3A_75 : i32
      scf.if %cond3A_76 {
        %add3A_82 = arith.constant 2 : i32
        %add3A_83 = arith.addi %mul3A_61, %add3A_82 : i32
        %mul3A_84 = arith.constant 128 : i32
        %mul3A_85 = arith.muli %add3A_83, %mul3A_84 : i32
        %add3A_86 = arith.addi %mul3A_20, %mul3A_85 : i32
        %dma_start3A_87 = tpu.memref_slice %arg3[%add3A_86] : memref<320000xi32, #tpu.memory_space<hbm>> -> memref<128xi32, #tpu.memory_space<hbm>>
        %dma_start3A_88 = tpu.memref_slice %arg3[%add3A_86] : memref<320000xi32, #tpu.memory_space<hbm>> -> memref<128xi32, #tpu.memory_space<hbm>>
        tpu.enqueue_dma source(%dma_start3A_88 : memref<128xi32, #tpu.memory_space<hbm>>) target(%arg8 : memref<128xi32, #tpu.memory_space<vmem>>) target_semaphore(%arg14 : memref<!tpu.dma_semaphore, #tpu.memory_space<semaphore_mem>>)
        %dma_wait3A_89 = arith.constant 0 : i32
        %dma_wait3A_90 = arith.constant 0 : i32
        %dma_wait3A_91 = tpu.memref_slice %arg6[%dma_wait3A_89, %dma_wait3A_90] : memref<10000x64xf32, #tpu.memory_space<vmem_shared>> -> memref<10000x64xf32, #tpu.memory_space<vmem_shared>>
        tpu.wait_indirect_dma semaphore(%arg13 : memref<!tpu.dma_semaphore, #tpu.memory_space<semaphore_mem>>) src(%dma_wait3A_91 : memref<10000x64xf32, #tpu.memory_space<vmem_shared>>) dst(%arg12 : memref<128x64xf32, #tpu.memory_space<vmem>>)
        %dma_wait3A_92 = tpu.memref_slice %arg3[%add3A_86] : memref<320000xi32, #tpu.memory_space<hbm>> -> memref<128xi32, #tpu.memory_space<hbm>>
        %dma_wait3A_93 = tpu.memref_slice %arg3[%add3A_86] : memref<320000xi32, #tpu.memory_space<hbm>> -> memref<128xi32, #tpu.memory_space<hbm>>
        tpu.wait_dma2 semaphore(%arg14 : memref<!tpu.dma_semaphore, #tpu.memory_space<semaphore_mem>>) src(%dma_wait3A_93 : memref<128xi32, #tpu.memory_space<hbm>>) dst(%arg8 : memref<128xi32, #tpu.memory_space<vmem>>)
        %dma_wait3A_94 = arith.constant 0 : i32
        %dma_wait3A_95 = tpu.memref_slice %arg10[%mul3A_61, %dma_wait3A_94] : memref<160x128xi32, #tpu.memory_space<vmem>> -> memref<1x128xi32, #tpu.memory_space<vmem>>
        %dma_wait3A_96 = tpu.memref_squeeze %dma_wait3A_95 : memref<1x128xi32, #tpu.memory_space<vmem>> -> memref<128xi32, #tpu.memory_space<vmem>>
        %dma_wait3A_97 = arith.constant 0 : i32
        %dma_wait3A_98 = arith.constant 0 : i32
        %dma_wait3A_99 = tpu.memref_slice %arg7[%dma_wait3A_97, %dma_wait3A_98] : memref<10000x64xf32, #tpu.memory_space<vmem_shared>> -> memref<10000x64xf32, #tpu.memory_space<vmem_shared>>
        tpu.wait_indirect_dma semaphore(%arg15 : memref<!tpu.dma_semaphore, #tpu.memory_space<semaphore_mem>>) src(%arg11 : memref<128x64xf32, #tpu.memory_space<vmem>>) dst(%dma_wait3A_99 : memref<10000x64xf32, #tpu.memory_space<vmem_shared>>)
        %dma_start3A_100 = arith.constant 0 : i32
        %dma_start3A_101 = arith.constant 0 : i32
        %dma_start3A_102 = tpu.memref_slice %arg6[%dma_start3A_100, %dma_start3A_101] : memref<10000x64xf32, #tpu.memory_space<vmem_shared>> -> memref<10000x64xf32, #tpu.memory_space<vmem_shared>>
        tpu.enqueue_indirect_dma source(%dma_start3A_102 : memref<10000x64xf32, #tpu.memory_space<vmem_shared>>) target(%arg11 : memref<128x64xf32, #tpu.memory_space<vmem>>) offsets(%arg8 : memref<128xi32, #tpu.memory_space<vmem>>) semaphore(%arg13 : memref<!tpu.dma_semaphore, #tpu.memory_space<semaphore_mem>>)
        %add3A_103 = arith.constant 1 : i32
        %add3A_104 = arith.addi %mul3A_61, %add3A_103 : i32
        %dma_start3A_105 = arith.constant 0 : i32
        %dma_start3A_106 = tpu.memref_slice %arg10[%add3A_104, %dma_start3A_105] : memref<160x128xi32, #tpu.memory_space<vmem>> -> memref<1x128xi32, #tpu.memory_space<vmem>>
        %dma_start3A_107 = tpu.memref_squeeze %dma_start3A_106 : memref<1x128xi32, #tpu.memory_space<vmem>> -> memref<128xi32, #tpu.memory_space<vmem>>
        %dma_start3A_108 = arith.constant 0 : i32
        %dma_start3A_109 = arith.constant 0 : i32
        %dma_start3A_110 = tpu.memref_slice %arg7[%dma_start3A_108, %dma_start3A_109] : memref<10000x64xf32, #tpu.memory_space<vmem_shared>> -> memref<10000x64xf32, #tpu.memory_space<vmem_shared>>
        tpu.enqueue_indirect_dma source(%arg12 : memref<128x64xf32, #tpu.memory_space<vmem>>) target(%dma_start3A_110 : memref<10000x64xf32, #tpu.memory_space<vmem_shared>>) offsets(%dma_start3A_107 : memref<128xi32, #tpu.memory_space<vmem>>) semaphore(%arg15 : memref<!tpu.dma_semaphore, #tpu.memory_space<semaphore_mem>>) {add = true}
        %add3A_111 = arith.constant 3 : i32
        %add3A_112 = arith.addi %mul3A_61, %add3A_111 : i32
        %lt3A_113 = arith.cmpi slt, %add3A_112, %select_n3A : i32
        %convert_element_type3A_114 = arith.extui %lt3A_113 : i1 to i32
        %cond3A_115 = arith.constant 0 : i32
        %cond3A_116 = arith.cmpi ne, %convert_element_type3A_114, %cond3A_115 : i32
        scf.if %cond3A_116 {
          %add3A_126 = arith.constant 3 : i32
          %add3A_127 = arith.addi %mul3A_61, %add3A_126 : i32
          %mul3A_128 = arith.constant 128 : i32
          %mul3A_129 = arith.muli %add3A_127, %mul3A_128 : i32
          %add3A_130 = arith.addi %mul3A_20, %mul3A_129 : i32
          %dma_start3A_131 = tpu.memref_slice %arg3[%add3A_130] : memref<320000xi32, #tpu.memory_space<hbm>> -> memref<128xi32, #tpu.memory_space<hbm>>
          %dma_start3A_132 = tpu.memref_slice %arg3[%add3A_130] : memref<320000xi32, #tpu.memory_space<hbm>> -> memref<128xi32, #tpu.memory_space<hbm>>
          tpu.enqueue_dma source(%dma_start3A_132 : memref<128xi32, #tpu.memory_space<hbm>>) target(%arg9 : memref<128xi32, #tpu.memory_space<vmem>>) target_semaphore(%arg14 : memref<!tpu.dma_semaphore, #tpu.memory_space<semaphore_mem>>)
          %dma_wait3A_133 = tpu.memref_slice %arg3[%add3A_130] : memref<320000xi32, #tpu.memory_space<hbm>> -> memref<128xi32, #tpu.memory_space<hbm>>
          %dma_wait3A_134 = tpu.memref_slice %arg3[%add3A_130] : memref<320000xi32, #tpu.memory_space<hbm>> -> memref<128xi32, #tpu.memory_space<hbm>>
          tpu.wait_dma2 semaphore(%arg14 : memref<!tpu.dma_semaphore, #tpu.memory_space<semaphore_mem>>) src(%dma_wait3A_134 : memref<128xi32, #tpu.memory_space<hbm>>) dst(%arg9 : memref<128xi32, #tpu.memory_space<vmem>>)
        } else {
        }
        %dma_wait3A_117 = arith.constant 0 : i32
        %dma_wait3A_118 = arith.constant 0 : i32
        %dma_wait3A_119 = tpu.memref_slice %arg6[%dma_wait3A_117, %dma_wait3A_118] : memref<10000x64xf32, #tpu.memory_space<vmem_shared>> -> memref<10000x64xf32, #tpu.memory_space<vmem_shared>>
        tpu.wait_indirect_dma semaphore(%arg13 : memref<!tpu.dma_semaphore, #tpu.memory_space<semaphore_mem>>) src(%dma_wait3A_119 : memref<10000x64xf32, #tpu.memory_space<vmem_shared>>) dst(%arg11 : memref<128x64xf32, #tpu.memory_space<vmem>>)
        %dma_wait3A_120 = arith.constant 0 : i32
        %dma_wait3A_121 = tpu.memref_slice %arg10[%add3A_104, %dma_wait3A_120] : memref<160x128xi32, #tpu.memory_space<vmem>> -> memref<1x128xi32, #tpu.memory_space<vmem>>
        %dma_wait3A_122 = tpu.memref_squeeze %dma_wait3A_121 : memref<1x128xi32, #tpu.memory_space<vmem>> -> memref<128xi32, #tpu.memory_space<vmem>>
        %dma_wait3A_123 = arith.constant 0 : i32
        %dma_wait3A_124 = arith.constant 0 : i32
        %dma_wait3A_125 = tpu.memref_slice %arg7[%dma_wait3A_123, %dma_wait3A_124] : memref<10000x64xf32, #tpu.memory_space<vmem_shared>> -> memref<10000x64xf32, #tpu.memory_space<vmem_shared>>
        tpu.wait_indirect_dma semaphore(%arg15 : memref<!tpu.dma_semaphore, #tpu.memory_space<semaphore_mem>>) src(%arg12 : memref<128x64xf32, #tpu.memory_space<vmem>>) dst(%dma_wait3A_125 : memref<10000x64xf32, #tpu.memory_space<vmem_shared>>)
      } else {
      }
      %add3A_77 = arith.constant 2 : i32
      %add3A_78 = arith.addi %mul3A_61, %add3A_77 : i32
      %ge3A = arith.cmpi sge, %add3A_78, %select_n3A : i32
      %convert_element_type3A_79 = arith.extui %ge3A : i1 to i32
      %cond3A_80 = arith.constant 0 : i32
      %cond3A_81 = arith.cmpi ne, %convert_element_type3A_79, %cond3A_80 : i32
      scf.if %cond3A_81 {
        %dma_wait3A_82 = arith.constant 0 : i32
        %dma_wait3A_83 = arith.constant 0 : i32
        %dma_wait3A_84 = tpu.memref_slice %arg6[%dma_wait3A_82, %dma_wait3A_83] : memref<10000x64xf32, #tpu.memory_space<vmem_shared>> -> memref<10000x64xf32, #tpu.memory_space<vmem_shared>>
        tpu.wait_indirect_dma semaphore(%arg13 : memref<!tpu.dma_semaphore, #tpu.memory_space<semaphore_mem>>) src(%dma_wait3A_84 : memref<10000x64xf32, #tpu.memory_space<vmem_shared>>) dst(%arg12 : memref<128x64xf32, #tpu.memory_space<vmem>>)
        %dma_wait3A_85 = arith.constant 0 : i32
        %dma_wait3A_86 = tpu.memref_slice %arg10[%mul3A_61, %dma_wait3A_85] : memref<160x128xi32, #tpu.memory_space<vmem>> -> memref<1x128xi32, #tpu.memory_space<vmem>>
        %dma_wait3A_87 = tpu.memref_squeeze %dma_wait3A_86 : memref<1x128xi32, #tpu.memory_space<vmem>> -> memref<128xi32, #tpu.memory_space<vmem>>
        %dma_wait3A_88 = arith.constant 0 : i32
        %dma_wait3A_89 = arith.constant 0 : i32
        %dma_wait3A_90 = tpu.memref_slice %arg7[%dma_wait3A_88, %dma_wait3A_89] : memref<10000x64xf32, #tpu.memory_space<vmem_shared>> -> memref<10000x64xf32, #tpu.memory_space<vmem_shared>>
        tpu.wait_indirect_dma semaphore(%arg15 : memref<!tpu.dma_semaphore, #tpu.memory_space<semaphore_mem>>) src(%arg11 : memref<128x64xf32, #tpu.memory_space<vmem>>) dst(%dma_wait3A_90 : memref<10000x64xf32, #tpu.memory_space<vmem_shared>>)
        %add3A_91 = arith.constant 1 : i32
        %add3A_92 = arith.addi %mul3A_61, %add3A_91 : i32
        "tpu.region"() ({
          %run_scoped3A = tpu.sem_alloc : memref<!tpu.dma_semaphore, #tpu.memory_space<semaphore_mem>>
          %dma_start3A_93 = arith.constant 0 : i32
          %dma_start3A_94 = tpu.memref_slice %arg10[%add3A_92, %dma_start3A_93] : memref<160x128xi32, #tpu.memory_space<vmem>> -> memref<1x128xi32, #tpu.memory_space<vmem>>
          %dma_start3A_95 = tpu.memref_squeeze %dma_start3A_94 : memref<1x128xi32, #tpu.memory_space<vmem>> -> memref<128xi32, #tpu.memory_space<vmem>>
          %dma_start3A_96 = arith.constant 0 : i32
          %dma_start3A_97 = arith.constant 0 : i32
          %dma_start3A_98 = tpu.memref_slice %arg7[%dma_start3A_96, %dma_start3A_97] : memref<10000x64xf32, #tpu.memory_space<vmem_shared>> -> memref<10000x64xf32, #tpu.memory_space<vmem_shared>>
          tpu.enqueue_indirect_dma source(%arg12 : memref<128x64xf32, #tpu.memory_space<vmem>>) target(%dma_start3A_98 : memref<10000x64xf32, #tpu.memory_space<vmem_shared>>) offsets(%dma_start3A_95 : memref<128xi32, #tpu.memory_space<vmem>>) semaphore(%run_scoped3A : memref<!tpu.dma_semaphore, #tpu.memory_space<semaphore_mem>>) {add = true}
          %dma_wait3A_99 = arith.constant 0 : i32
          %dma_wait3A_100 = tpu.memref_slice %arg10[%add3A_92, %dma_wait3A_99] : memref<160x128xi32, #tpu.memory_space<vmem>> -> memref<1x128xi32, #tpu.memory_space<vmem>>
          %dma_wait3A_101 = tpu.memref_squeeze %dma_wait3A_100 : memref<1x128xi32, #tpu.memory_space<vmem>> -> memref<128xi32, #tpu.memory_space<vmem>>
          %dma_wait3A_102 = arith.constant 0 : i32
          %dma_wait3A_103 = arith.constant 0 : i32
          %dma_wait3A_104 = tpu.memref_slice %arg7[%dma_wait3A_102, %dma_wait3A_103] : memref<10000x64xf32, #tpu.memory_space<vmem_shared>> -> memref<10000x64xf32, #tpu.memory_space<vmem_shared>>
          tpu.wait_indirect_dma semaphore(%run_scoped3A : memref<!tpu.dma_semaphore, #tpu.memory_space<semaphore_mem>>) src(%arg12 : memref<128x64xf32, #tpu.memory_space<vmem>>) dst(%dma_wait3A_104 : memref<10000x64xf32, #tpu.memory_space<vmem_shared>>)
          tpu.yield
        }) : () -> ()
      } else {
      }
    }
    %barrier3A_53 = arith.constant 0 : index
    tpu.barrier barrier_id(%barrier3A_53)
    "tpu.region"() ({
      %run_scoped3A = tpu.sem_alloc : memref<!tpu.dma_semaphore, #tpu.memory_space<semaphore_mem>>
      %dma_start3A_59 = tpu.memref_slice %arg5[%mul3A_0, %mul3A_2] : memref<10000x128xf32, #tpu.memory_space<hbm>> -> memref<624x64xf32, #tpu.memory_space<hbm>>
      %dma_start3A_60 = arith.constant 0 : i32
      %dma_start3A_61 = tpu.memref_slice %arg7[%mul3A_0, %dma_start3A_60] : memref<10000x64xf32, #tpu.memory_space<vmem_shared>> -> memref<624x64xf32, #tpu.memory_space<vmem_shared>>
      tpu.enqueue_dma source(%dma_start3A_61 : memref<624x64xf32, #tpu.memory_space<vmem_shared>>) target(%dma_start3A_59 : memref<624x64xf32, #tpu.memory_space<hbm>>) target_semaphore(%run_scoped3A : memref<!tpu.dma_semaphore, #tpu.memory_space<semaphore_mem>>)
      %dma_wait3A_62 = tpu.memref_slice %arg5[%mul3A_0, %mul3A_2] : memref<10000x128xf32, #tpu.memory_space<hbm>> -> memref<624x64xf32, #tpu.memory_space<hbm>>
      %dma_wait3A_63 = arith.constant 0 : i32
      %dma_wait3A_64 = tpu.memref_slice %arg7[%mul3A_0, %dma_wait3A_63] : memref<10000x64xf32, #tpu.memory_space<vmem_shared>> -> memref<624x64xf32, #tpu.memory_space<vmem_shared>>
      tpu.wait_dma2 semaphore(%run_scoped3A : memref<!tpu.dma_semaphore, #tpu.memory_space<semaphore_mem>>) src(%dma_wait3A_64 : memref<624x64xf32, #tpu.memory_space<vmem_shared>>) dst(%dma_wait3A_62 : memref<624x64xf32, #tpu.memory_space<hbm>>)
      tpu.yield
    }) : () -> ()
    %eq3A_54 = arith.constant 15 : i32
    %eq3A_55 = arith.cmpi eq, %arg1, %eq3A_54 : i32
    %convert_element_type3A_56 = arith.extui %eq3A_55 : i1 to i32
    %cond3A_57 = arith.constant 0 : i32
    %cond3A_58 = arith.cmpi ne, %convert_element_type3A_56, %cond3A_57 : i32
    scf.if %cond3A_58 {
      "tpu.region"() ({
        %run_scoped3A = tpu.sem_alloc : memref<!tpu.dma_semaphore, #tpu.memory_space<semaphore_mem>>
        %dma_start3A_59 = arith.constant 9984 : i32
        %dma_start3A_60 = tpu.memref_slice %arg5[%dma_start3A_59, %mul3A_2] : memref<10000x128xf32, #tpu.memory_space<hbm>> -> memref<16x64xf32, #tpu.memory_space<hbm>>
        %dma_start3A_61 = arith.constant 9984 : i32
        %dma_start3A_62 = arith.constant 0 : i32
        %dma_start3A_63 = tpu.memref_slice %arg7[%dma_start3A_61, %dma_start3A_62] : memref<10000x64xf32, #tpu.memory_space<vmem_shared>> -> memref<16x64xf32, #tpu.memory_space<vmem_shared>>
        tpu.enqueue_dma source(%dma_start3A_63 : memref<16x64xf32, #tpu.memory_space<vmem_shared>>) target(%dma_start3A_60 : memref<16x64xf32, #tpu.memory_space<hbm>>) target_semaphore(%run_scoped3A : memref<!tpu.dma_semaphore, #tpu.memory_space<semaphore_mem>>)
        %dma_wait3A_64 = arith.constant 9984 : i32
        %dma_wait3A_65 = tpu.memref_slice %arg5[%dma_wait3A_64, %mul3A_2] : memref<10000x128xf32, #tpu.memory_space<hbm>> -> memref<16x64xf32, #tpu.memory_space<hbm>>
        %dma_wait3A_66 = arith.constant 9984 : i32
        %dma_wait3A_67 = arith.constant 0 : i32
        %dma_wait3A_68 = tpu.memref_slice %arg7[%dma_wait3A_66, %dma_wait3A_67] : memref<10000x64xf32, #tpu.memory_space<vmem_shared>> -> memref<16x64xf32, #tpu.memory_space<vmem_shared>>
        tpu.wait_dma2 semaphore(%run_scoped3A : memref<!tpu.dma_semaphore, #tpu.memory_space<semaphore_mem>>) src(%dma_wait3A_68 : memref<16x64xf32, #tpu.memory_space<vmem_shared>>) dst(%dma_wait3A_65 : memref<16x64xf32, #tpu.memory_space<hbm>>)
        tpu.yield
      }) : () -> ()
    } else {
    }
    return
  }
}

#map = affine_map<(d0, d1) -> (0, 0)>
#map1 = affine_map<(d0, d1) -> (0)>
module attributes {stable_mosaic.version = 14 : i64} {
  func.func @agg(%arg0: i32, %arg1: i32, %arg2: memref<10000x64xf32, #tpu.memory_space<hbm>>, %arg3: memref<320000xi32, #tpu.memory_space<hbm>>, %arg4: memref<2500x128xi32, #tpu.memory_space<hbm>>, %arg5: memref<10000x64xf32, #tpu.memory_space<hbm>>, %arg6: memref<10000x32xf32, #tpu.memory_space<vmem_shared>>, %arg7: memref<10000x32xf32, #tpu.memory_space<vmem_shared>>, %arg8: memref<128xi32, #tpu.memory_space<vmem>>, %arg9: memref<128xi32, #tpu.memory_space<vmem>>, %arg10: memref<160x128xi32, #tpu.memory_space<vmem>>, %arg11: memref<128x32xf32, #tpu.memory_space<vmem>>, %arg12: memref<128x32xf32, #tpu.memory_space<vmem>>, %arg13: memref<!tpu.dma_semaphore, #tpu.memory_space<semaphore_mem>>, %arg14: memref<!tpu.dma_semaphore, #tpu.memory_space<semaphore_mem>>, %arg15: memref<!tpu.dma_semaphore, #tpu.memory_space<semaphore_mem>>) attributes {dimension_semantics = [#tpu.dimension_semantics<core_parallel>, #tpu.dimension_semantics<subcore_parallel>], iteration_bounds = array<i64: 2, 16>, scalar_prefetch = 0 : i64, scratch_operands = 10 : i64, tpu.core_type = #tpu.core_type<sc_vector_subcore>, window_params = [{transform_indices = #map}, {transform_indices = #map1}, {transform_indices = #map}, {transform_indices = #map}]} {
    %mul3A = arith.constant 624 : i32
    %mul3A_0 = arith.muli %arg1, %mul3A : i32
    %mul3A_1 = arith.constant 32 : i32
    %mul3A_2 = arith.muli %arg0, %mul3A_1 : i32
    "tpu.region"() ({
      %run_scoped3A = tpu.sem_alloc : memref<!tpu.dma_semaphore, #tpu.memory_space<semaphore_mem>>
      %dma_start3A_59 = arith.constant 0 : i32
      %dma_start3A_60 = tpu.memref_slice %arg6[%mul3A_0, %dma_start3A_59] : memref<10000x32xf32, #tpu.memory_space<vmem_shared>> -> memref<624x32xf32, #tpu.memory_space<vmem_shared>>
      %dma_start3A_61 = tpu.memref_slice %arg2[%mul3A_0, %mul3A_2] : memref<10000x64xf32, #tpu.memory_space<hbm>> -> memref<624x32xf32, #tpu.memory_space<hbm>>
      tpu.enqueue_dma source(%dma_start3A_61 : memref<624x32xf32, #tpu.memory_space<hbm>>) target(%dma_start3A_60 : memref<624x32xf32, #tpu.memory_space<vmem_shared>>) target_semaphore(%run_scoped3A : memref<!tpu.dma_semaphore, #tpu.memory_space<semaphore_mem>>)
      %dma_wait3A_62 = arith.constant 0 : i32
      %dma_wait3A_63 = tpu.memref_slice %arg6[%mul3A_0, %dma_wait3A_62] : memref<10000x32xf32, #tpu.memory_space<vmem_shared>> -> memref<624x32xf32, #tpu.memory_space<vmem_shared>>
      %dma_wait3A_64 = tpu.memref_slice %arg2[%mul3A_0, %mul3A_2] : memref<10000x64xf32, #tpu.memory_space<hbm>> -> memref<624x32xf32, #tpu.memory_space<hbm>>
      tpu.wait_dma2 semaphore(%run_scoped3A : memref<!tpu.dma_semaphore, #tpu.memory_space<semaphore_mem>>) src(%dma_wait3A_64 : memref<624x32xf32, #tpu.memory_space<hbm>>) dst(%dma_wait3A_63 : memref<624x32xf32, #tpu.memory_space<vmem_shared>>)
      tpu.yield
    }) : () -> ()
    "tpu.region"() ({
      %run_scoped3A = tpu.sem_alloc : memref<!tpu.dma_semaphore, #tpu.memory_space<semaphore_mem>>
      %dma_start3A_59 = arith.constant 0 : i32
      %dma_start3A_60 = tpu.memref_slice %arg7[%mul3A_0, %dma_start3A_59] : memref<10000x32xf32, #tpu.memory_space<vmem_shared>> -> memref<624x32xf32, #tpu.memory_space<vmem_shared>>
      %dma_start3A_61 = tpu.memref_slice %arg2[%mul3A_0, %mul3A_2] : memref<10000x64xf32, #tpu.memory_space<hbm>> -> memref<624x32xf32, #tpu.memory_space<hbm>>
      tpu.enqueue_dma source(%dma_start3A_61 : memref<624x32xf32, #tpu.memory_space<hbm>>) target(%dma_start3A_60 : memref<624x32xf32, #tpu.memory_space<vmem_shared>>) target_semaphore(%run_scoped3A : memref<!tpu.dma_semaphore, #tpu.memory_space<semaphore_mem>>)
      %dma_wait3A_62 = arith.constant 0 : i32
      %dma_wait3A_63 = tpu.memref_slice %arg7[%mul3A_0, %dma_wait3A_62] : memref<10000x32xf32, #tpu.memory_space<vmem_shared>> -> memref<624x32xf32, #tpu.memory_space<vmem_shared>>
      %dma_wait3A_64 = tpu.memref_slice %arg2[%mul3A_0, %mul3A_2] : memref<10000x64xf32, #tpu.memory_space<hbm>> -> memref<624x32xf32, #tpu.memory_space<hbm>>
      tpu.wait_dma2 semaphore(%run_scoped3A : memref<!tpu.dma_semaphore, #tpu.memory_space<semaphore_mem>>) src(%dma_wait3A_64 : memref<624x32xf32, #tpu.memory_space<hbm>>) dst(%dma_wait3A_63 : memref<624x32xf32, #tpu.memory_space<vmem_shared>>)
      tpu.yield
    }) : () -> ()
    %eq3A = arith.constant 15 : i32
    %eq3A_3 = arith.cmpi eq, %arg1, %eq3A : i32
    %convert_element_type3A = arith.extui %eq3A_3 : i1 to i32
    %cond3A = arith.constant 0 : i32
    %cond3A_4 = arith.cmpi ne, %convert_element_type3A, %cond3A : i32
    scf.if %cond3A_4 {
      "tpu.region"() ({
        %run_scoped3A = tpu.sem_alloc : memref<!tpu.dma_semaphore, #tpu.memory_space<semaphore_mem>>
        %dma_start3A_59 = arith.constant 9984 : i32
        %dma_start3A_60 = arith.constant 0 : i32
        %dma_start3A_61 = tpu.memref_slice %arg6[%dma_start3A_59, %dma_start3A_60] : memref<10000x32xf32, #tpu.memory_space<vmem_shared>> -> memref<16x32xf32, #tpu.memory_space<vmem_shared>>
        %dma_start3A_62 = arith.constant 9984 : i32
        %dma_start3A_63 = tpu.memref_slice %arg2[%dma_start3A_62, %mul3A_2] : memref<10000x64xf32, #tpu.memory_space<hbm>> -> memref<16x32xf32, #tpu.memory_space<hbm>>
        tpu.enqueue_dma source(%dma_start3A_63 : memref<16x32xf32, #tpu.memory_space<hbm>>) target(%dma_start3A_61 : memref<16x32xf32, #tpu.memory_space<vmem_shared>>) target_semaphore(%run_scoped3A : memref<!tpu.dma_semaphore, #tpu.memory_space<semaphore_mem>>)
        %dma_wait3A_64 = arith.constant 9984 : i32
        %dma_wait3A_65 = arith.constant 0 : i32
        %dma_wait3A_66 = tpu.memref_slice %arg6[%dma_wait3A_64, %dma_wait3A_65] : memref<10000x32xf32, #tpu.memory_space<vmem_shared>> -> memref<16x32xf32, #tpu.memory_space<vmem_shared>>
        %dma_wait3A_67 = arith.constant 9984 : i32
        %dma_wait3A_68 = tpu.memref_slice %arg2[%dma_wait3A_67, %mul3A_2] : memref<10000x64xf32, #tpu.memory_space<hbm>> -> memref<16x32xf32, #tpu.memory_space<hbm>>
        tpu.wait_dma2 semaphore(%run_scoped3A : memref<!tpu.dma_semaphore, #tpu.memory_space<semaphore_mem>>) src(%dma_wait3A_68 : memref<16x32xf32, #tpu.memory_space<hbm>>) dst(%dma_wait3A_66 : memref<16x32xf32, #tpu.memory_space<vmem_shared>>)
        tpu.yield
      }) : () -> ()
      "tpu.region"() ({
        %run_scoped3A = tpu.sem_alloc : memref<!tpu.dma_semaphore, #tpu.memory_space<semaphore_mem>>
        %dma_start3A_59 = arith.constant 9984 : i32
        %dma_start3A_60 = arith.constant 0 : i32
        %dma_start3A_61 = tpu.memref_slice %arg7[%dma_start3A_59, %dma_start3A_60] : memref<10000x32xf32, #tpu.memory_space<vmem_shared>> -> memref<16x32xf32, #tpu.memory_space<vmem_shared>>
        %dma_start3A_62 = arith.constant 9984 : i32
        %dma_start3A_63 = tpu.memref_slice %arg2[%dma_start3A_62, %mul3A_2] : memref<10000x64xf32, #tpu.memory_space<hbm>> -> memref<16x32xf32, #tpu.memory_space<hbm>>
        tpu.enqueue_dma source(%dma_start3A_63 : memref<16x32xf32, #tpu.memory_space<hbm>>) target(%dma_start3A_61 : memref<16x32xf32, #tpu.memory_space<vmem_shared>>) target_semaphore(%run_scoped3A : memref<!tpu.dma_semaphore, #tpu.memory_space<semaphore_mem>>)
        %dma_wait3A_64 = arith.constant 9984 : i32
        %dma_wait3A_65 = arith.constant 0 : i32
        %dma_wait3A_66 = tpu.memref_slice %arg7[%dma_wait3A_64, %dma_wait3A_65] : memref<10000x32xf32, #tpu.memory_space<vmem_shared>> -> memref<16x32xf32, #tpu.memory_space<vmem_shared>>
        %dma_wait3A_67 = arith.constant 9984 : i32
        %dma_wait3A_68 = tpu.memref_slice %arg2[%dma_wait3A_67, %mul3A_2] : memref<10000x64xf32, #tpu.memory_space<hbm>> -> memref<16x32xf32, #tpu.memory_space<hbm>>
        tpu.wait_dma2 semaphore(%run_scoped3A : memref<!tpu.dma_semaphore, #tpu.memory_space<semaphore_mem>>) src(%dma_wait3A_68 : memref<16x32xf32, #tpu.memory_space<hbm>>) dst(%dma_wait3A_66 : memref<16x32xf32, #tpu.memory_space<vmem_shared>>)
        tpu.yield
      }) : () -> ()
    } else {
    }
    %mul3A_5 = arith.constant 160 : i32
    %mul3A_6 = arith.muli %arg1, %mul3A_5 : i32
    %eq3A_7 = arith.constant 15 : i32
    %eq3A_8 = arith.cmpi eq, %arg1, %eq3A_7 : i32
    %jit3A = arith.constant 100 : i32
    %jit3A_9 = arith.constant 160 : i32
    %select_n3A = arith.select %eq3A_8, %jit3A, %jit3A_9 : i32
    %eq3A_10 = arith.constant 15 : i32
    %eq3A_11 = arith.cmpi eq, %arg1, %eq3A_10 : i32
    %convert_element_type3A_12 = arith.extui %eq3A_11 : i1 to i32
    %cond3A_13 = arith.constant 0 : i32
    %cond3A_14 = arith.cmpi ne, %convert_element_type3A_12, %cond3A_13 : i32
    scf.if %cond3A_14 {
      "tpu.region"() ({
        %run_scoped3A = tpu.sem_alloc : memref<!tpu.dma_semaphore, #tpu.memory_space<semaphore_mem>>
        %dma_start3A_59 = arith.constant 0 : i32
        %dma_start3A_60 = arith.constant 0 : i32
        %dma_start3A_61 = tpu.memref_slice %arg10[%dma_start3A_59, %dma_start3A_60] : memref<160x128xi32, #tpu.memory_space<vmem>> -> memref<100x128xi32, #tpu.memory_space<vmem>>
        %dma_start3A_62 = arith.constant 0 : i32
        %dma_start3A_63 = tpu.memref_slice %arg4[%mul3A_6, %dma_start3A_62] : memref<2500x128xi32, #tpu.memory_space<hbm>> -> memref<100x128xi32, #tpu.memory_space<hbm>>
        %dma_start3A_64 = arith.constant 0 : i32
        %dma_start3A_65 = arith.constant 0 : i32
        %dma_start3A_66 = tpu.memref_slice %arg10[%dma_start3A_64, %dma_start3A_65] : memref<160x128xi32, #tpu.memory_space<vmem>> -> memref<100x128xi32, #tpu.memory_space<vmem>>
        %dma_start3A_67 = arith.constant 0 : i32
        %dma_start3A_68 = tpu.memref_slice %arg4[%mul3A_6, %dma_start3A_67] : memref<2500x128xi32, #tpu.memory_space<hbm>> -> memref<100x128xi32, #tpu.memory_space<hbm>>
        tpu.enqueue_dma source(%dma_start3A_68 : memref<100x128xi32, #tpu.memory_space<hbm>>) target(%dma_start3A_66 : memref<100x128xi32, #tpu.memory_space<vmem>>) target_semaphore(%run_scoped3A : memref<!tpu.dma_semaphore, #tpu.memory_space<semaphore_mem>>)
        %dma_wait3A_69 = arith.constant 0 : i32
        %dma_wait3A_70 = arith.constant 0 : i32
        %dma_wait3A_71 = tpu.memref_slice %arg10[%dma_wait3A_69, %dma_wait3A_70] : memref<160x128xi32, #tpu.memory_space<vmem>> -> memref<100x128xi32, #tpu.memory_space<vmem>>
        %dma_wait3A_72 = arith.constant 0 : i32
        %dma_wait3A_73 = tpu.memref_slice %arg4[%mul3A_6, %dma_wait3A_72] : memref<2500x128xi32, #tpu.memory_space<hbm>> -> memref<100x128xi32, #tpu.memory_space<hbm>>
        %dma_wait3A_74 = arith.constant 0 : i32
        %dma_wait3A_75 = arith.constant 0 : i32
        %dma_wait3A_76 = tpu.memref_slice %arg10[%dma_wait3A_74, %dma_wait3A_75] : memref<160x128xi32, #tpu.memory_space<vmem>> -> memref<100x128xi32, #tpu.memory_space<vmem>>
        %dma_wait3A_77 = arith.constant 0 : i32
        %dma_wait3A_78 = tpu.memref_slice %arg4[%mul3A_6, %dma_wait3A_77] : memref<2500x128xi32, #tpu.memory_space<hbm>> -> memref<100x128xi32, #tpu.memory_space<hbm>>
        tpu.wait_dma2 semaphore(%run_scoped3A : memref<!tpu.dma_semaphore, #tpu.memory_space<semaphore_mem>>) src(%dma_wait3A_78 : memref<100x128xi32, #tpu.memory_space<hbm>>) dst(%dma_wait3A_76 : memref<100x128xi32, #tpu.memory_space<vmem>>)
        tpu.yield
      }) : () -> ()
    } else {
    }
    %lt3A = arith.constant 15 : i32
    %lt3A_15 = arith.cmpi slt, %arg1, %lt3A : i32
    %convert_element_type3A_16 = arith.extui %lt3A_15 : i1 to i32
    %cond3A_17 = arith.constant 0 : i32
    %cond3A_18 = arith.cmpi ne, %convert_element_type3A_16, %cond3A_17 : i32
    scf.if %cond3A_18 {
      "tpu.region"() ({
        %run_scoped3A = tpu.sem_alloc : memref<!tpu.dma_semaphore, #tpu.memory_space<semaphore_mem>>
        %dma_start3A_59 = arith.constant 0 : i32
        %dma_start3A_60 = tpu.memref_slice %arg4[%mul3A_6, %dma_start3A_59] : memref<2500x128xi32, #tpu.memory_space<hbm>> -> memref<160x128xi32, #tpu.memory_space<hbm>>
        %dma_start3A_61 = arith.constant 0 : i32
        %dma_start3A_62 = tpu.memref_slice %arg4[%mul3A_6, %dma_start3A_61] : memref<2500x128xi32, #tpu.memory_space<hbm>> -> memref<160x128xi32, #tpu.memory_space<hbm>>
        tpu.enqueue_dma source(%dma_start3A_62 : memref<160x128xi32, #tpu.memory_space<hbm>>) target(%arg10 : memref<160x128xi32, #tpu.memory_space<vmem>>) target_semaphore(%run_scoped3A : memref<!tpu.dma_semaphore, #tpu.memory_space<semaphore_mem>>)
        %dma_wait3A_63 = arith.constant 0 : i32
        %dma_wait3A_64 = tpu.memref_slice %arg4[%mul3A_6, %dma_wait3A_63] : memref<2500x128xi32, #tpu.memory_space<hbm>> -> memref<160x128xi32, #tpu.memory_space<hbm>>
        %dma_wait3A_65 = arith.constant 0 : i32
        %dma_wait3A_66 = tpu.memref_slice %arg4[%mul3A_6, %dma_wait3A_65] : memref<2500x128xi32, #tpu.memory_space<hbm>> -> memref<160x128xi32, #tpu.memory_space<hbm>>
        tpu.wait_dma2 semaphore(%run_scoped3A : memref<!tpu.dma_semaphore, #tpu.memory_space<semaphore_mem>>) src(%dma_wait3A_66 : memref<160x128xi32, #tpu.memory_space<hbm>>) dst(%arg10 : memref<160x128xi32, #tpu.memory_space<vmem>>)
        tpu.yield
      }) : () -> ()
    } else {
    }
    %barrier3A = arith.constant 0 : index
    tpu.barrier barrier_id(%barrier3A)
    %mul3A_19 = arith.constant 128 : i32
    %mul3A_20 = arith.muli %mul3A_6, %mul3A_19 : i32
    "tpu.region"() ({
      %run_scoped3A = tpu.sem_alloc : memref<!tpu.dma_semaphore, #tpu.memory_space<semaphore_mem>>
      %dma_start3A_59 = tpu.memref_slice %arg3[%mul3A_20] : memref<320000xi32, #tpu.memory_space<hbm>> -> memref<128xi32, #tpu.memory_space<hbm>>
      %dma_start3A_60 = tpu.memref_slice %arg3[%mul3A_20] : memref<320000xi32, #tpu.memory_space<hbm>> -> memref<128xi32, #tpu.memory_space<hbm>>
      tpu.enqueue_dma source(%dma_start3A_60 : memref<128xi32, #tpu.memory_space<hbm>>) target(%arg8 : memref<128xi32, #tpu.memory_space<vmem>>) target_semaphore(%run_scoped3A : memref<!tpu.dma_semaphore, #tpu.memory_space<semaphore_mem>>)
      %dma_wait3A_61 = tpu.memref_slice %arg3[%mul3A_20] : memref<320000xi32, #tpu.memory_space<hbm>> -> memref<128xi32, #tpu.memory_space<hbm>>
      %dma_wait3A_62 = tpu.memref_slice %arg3[%mul3A_20] : memref<320000xi32, #tpu.memory_space<hbm>> -> memref<128xi32, #tpu.memory_space<hbm>>
      tpu.wait_dma2 semaphore(%run_scoped3A : memref<!tpu.dma_semaphore, #tpu.memory_space<semaphore_mem>>) src(%dma_wait3A_62 : memref<128xi32, #tpu.memory_space<hbm>>) dst(%arg8 : memref<128xi32, #tpu.memory_space<vmem>>)
      tpu.yield
    }) : () -> ()
    %add3A = arith.constant 128 : i32
    %add3A_21 = arith.addi %mul3A_20, %add3A : i32
    "tpu.region"() ({
      %run_scoped3A = tpu.sem_alloc : memref<!tpu.dma_semaphore, #tpu.memory_space<semaphore_mem>>
      %dma_start3A_59 = tpu.memref_slice %arg3[%add3A_21] : memref<320000xi32, #tpu.memory_space<hbm>> -> memref<128xi32, #tpu.memory_space<hbm>>
      %dma_start3A_60 = tpu.memref_slice %arg3[%add3A_21] : memref<320000xi32, #tpu.memory_space<hbm>> -> memref<128xi32, #tpu.memory_space<hbm>>
      tpu.enqueue_dma source(%dma_start3A_60 : memref<128xi32, #tpu.memory_space<hbm>>) target(%arg9 : memref<128xi32, #tpu.memory_space<vmem>>) target_semaphore(%run_scoped3A : memref<!tpu.dma_semaphore, #tpu.memory_space<semaphore_mem>>)
      %dma_wait3A_61 = tpu.memref_slice %arg3[%add3A_21] : memref<320000xi32, #tpu.memory_space<hbm>> -> memref<128xi32, #tpu.memory_space<hbm>>
      %dma_wait3A_62 = tpu.memref_slice %arg3[%add3A_21] : memref<320000xi32, #tpu.memory_space<hbm>> -> memref<128xi32, #tpu.memory_space<hbm>>
      tpu.wait_dma2 semaphore(%run_scoped3A : memref<!tpu.dma_semaphore, #tpu.memory_space<semaphore_mem>>) src(%dma_wait3A_62 : memref<128xi32, #tpu.memory_space<hbm>>) dst(%arg9 : memref<128xi32, #tpu.memory_space<vmem>>)
      tpu.yield
    }) : () -> ()
    %dma_start3A = arith.constant 0 : i32
    %dma_start3A_22 = arith.constant 0 : i32
    %dma_start3A_23 = tpu.memref_slice %arg6[%dma_start3A, %dma_start3A_22] : memref<10000x32xf32, #tpu.memory_space<vmem_shared>> -> memref<10000x32xf32, #tpu.memory_space<vmem_shared>>
    tpu.enqueue_indirect_dma source(%dma_start3A_23 : memref<10000x32xf32, #tpu.memory_space<vmem_shared>>) target(%arg11 : memref<128x32xf32, #tpu.memory_space<vmem>>) offsets(%arg8 : memref<128xi32, #tpu.memory_space<vmem>>) semaphore(%arg13 : memref<!tpu.dma_semaphore, #tpu.memory_space<semaphore_mem>>)
    %dma_wait3A = arith.constant 0 : i32
    %dma_wait3A_24 = arith.constant 0 : i32
    %dma_wait3A_25 = tpu.memref_slice %arg6[%dma_wait3A, %dma_wait3A_24] : memref<10000x32xf32, #tpu.memory_space<vmem_shared>> -> memref<10000x32xf32, #tpu.memory_space<vmem_shared>>
    tpu.wait_indirect_dma semaphore(%arg13 : memref<!tpu.dma_semaphore, #tpu.memory_space<semaphore_mem>>) src(%dma_wait3A_25 : memref<10000x32xf32, #tpu.memory_space<vmem_shared>>) dst(%arg11 : memref<128x32xf32, #tpu.memory_space<vmem>>)
    %jit3A_26 = arith.constant 2 : i32
    %div3A = arith.divsi %select_n3A, %jit3A_26 : i32
    %sign3A = arith.constant 0 : i32
    %sign3A_27 = arith.cmpi sgt, %select_n3A, %sign3A : i32
    %sign3A_28 = arith.extui %sign3A_27 : i1 to i32
    %sign3A_29 = arith.constant 0 : i32
    %sign3A_30 = arith.cmpi slt, %select_n3A, %sign3A_29 : i32
    %sign3A_31 = arith.extui %sign3A_30 : i1 to i32
    %sign3A_32 = arith.subi %sign3A_28, %sign3A_31 : i32
    %sign3A_33 = arith.constant 0 : i32
    %sign3A_34 = arith.cmpi sgt, %jit3A_26, %sign3A_33 : i32
    %sign3A_35 = arith.extui %sign3A_34 : i1 to i32
    %sign3A_36 = arith.constant 0 : i32
    %sign3A_37 = arith.cmpi slt, %jit3A_26, %sign3A_36 : i32
    %sign3A_38 = arith.extui %sign3A_37 : i1 to i32
    %sign3A_39 = arith.subi %sign3A_35, %sign3A_38 : i32
    %ne3A = arith.cmpi ne, %sign3A_32, %sign3A_39 : i32
    %rem3A = arith.remsi %select_n3A, %jit3A_26 : i32
    %ne3A_40 = arith.constant 0 : i32
    %ne3A_41 = arith.cmpi ne, %rem3A, %ne3A_40 : i32
    %and3A = arith.andi %ne3A, %ne3A_41 : i1
    %sub3A = arith.constant 1 : i32
    %sub3A_42 = arith.subi %div3A, %sub3A : i32
    %select_n3A_43 = arith.select %and3A, %sub3A_42, %div3A : i32
    %while3A = arith.constant 0 : i32
    %while3A_44 = arith.constant 0 : i32
    %while3A_45 = arith.subi %select_n3A_43, %while3A_44 : i32
    %while3A_46 = arith.addi %while3A_44, %while3A_45 : i32
    %while3A_47 = arith.constant 1 : i32
    %while3A_48 = arith.divsi %while3A_45, %while3A_47 : i32
    %while3A_49 = arith.muli %while3A_48, %while3A_47 : i32
    %while3A_50 = arith.addi %while3A_44, %while3A_49 : i32
    %while3A_51 = arith.constant 1 : i32
    scf.for %while3A_59 = %while3A_44 to %while3A_50 step %while3A_51  : i32 {
      %mul3A_60 = arith.constant 2 : i32
      %mul3A_61 = arith.muli %mul3A_60, %while3A_59 : i32
      %dma_start3A_62 = arith.constant 0 : i32
      %dma_start3A_63 = arith.constant 0 : i32
      %dma_start3A_64 = tpu.memref_slice %arg6[%dma_start3A_62, %dma_start3A_63] : memref<10000x32xf32, #tpu.memory_space<vmem_shared>> -> memref<10000x32xf32, #tpu.memory_space<vmem_shared>>
      tpu.enqueue_indirect_dma source(%dma_start3A_64 : memref<10000x32xf32, #tpu.memory_space<vmem_shared>>) target(%arg12 : memref<128x32xf32, #tpu.memory_space<vmem>>) offsets(%arg9 : memref<128xi32, #tpu.memory_space<vmem>>) semaphore(%arg13 : memref<!tpu.dma_semaphore, #tpu.memory_space<semaphore_mem>>)
      %dma_start3A_65 = arith.constant 0 : i32
      %dma_start3A_66 = tpu.memref_slice %arg10[%mul3A_61, %dma_start3A_65] : memref<160x128xi32, #tpu.memory_space<vmem>> -> memref<1x128xi32, #tpu.memory_space<vmem>>
      %dma_start3A_67 = tpu.memref_squeeze %dma_start3A_66 : memref<1x128xi32, #tpu.memory_space<vmem>> -> memref<128xi32, #tpu.memory_space<vmem>>
      %dma_start3A_68 = arith.constant 0 : i32
      %dma_start3A_69 = arith.constant 0 : i32
      %dma_start3A_70 = tpu.memref_slice %arg7[%dma_start3A_68, %dma_start3A_69] : memref<10000x32xf32, #tpu.memory_space<vmem_shared>> -> memref<10000x32xf32, #tpu.memory_space<vmem_shared>>
      tpu.enqueue_indirect_dma source(%arg11 : memref<128x32xf32, #tpu.memory_space<vmem>>) target(%dma_start3A_70 : memref<10000x32xf32, #tpu.memory_space<vmem_shared>>) offsets(%dma_start3A_67 : memref<128xi32, #tpu.memory_space<vmem>>) semaphore(%arg15 : memref<!tpu.dma_semaphore, #tpu.memory_space<semaphore_mem>>) {add = true}
      %add3A_71 = arith.constant 2 : i32
      %add3A_72 = arith.addi %mul3A_61, %add3A_71 : i32
      %lt3A_73 = arith.cmpi slt, %add3A_72, %select_n3A : i32
      %convert_element_type3A_74 = arith.extui %lt3A_73 : i1 to i32
      %cond3A_75 = arith.constant 0 : i32
      %cond3A_76 = arith.cmpi ne, %convert_element_type3A_74, %cond3A_75 : i32
      scf.if %cond3A_76 {
        %add3A_82 = arith.constant 2 : i32
        %add3A_83 = arith.addi %mul3A_61, %add3A_82 : i32
        %mul3A_84 = arith.constant 128 : i32
        %mul3A_85 = arith.muli %add3A_83, %mul3A_84 : i32
        %add3A_86 = arith.addi %mul3A_20, %mul3A_85 : i32
        %dma_start3A_87 = tpu.memref_slice %arg3[%add3A_86] : memref<320000xi32, #tpu.memory_space<hbm>> -> memref<128xi32, #tpu.memory_space<hbm>>
        %dma_start3A_88 = tpu.memref_slice %arg3[%add3A_86] : memref<320000xi32, #tpu.memory_space<hbm>> -> memref<128xi32, #tpu.memory_space<hbm>>
        tpu.enqueue_dma source(%dma_start3A_88 : memref<128xi32, #tpu.memory_space<hbm>>) target(%arg8 : memref<128xi32, #tpu.memory_space<vmem>>) target_semaphore(%arg14 : memref<!tpu.dma_semaphore, #tpu.memory_space<semaphore_mem>>)
        %dma_wait3A_89 = arith.constant 0 : i32
        %dma_wait3A_90 = arith.constant 0 : i32
        %dma_wait3A_91 = tpu.memref_slice %arg6[%dma_wait3A_89, %dma_wait3A_90] : memref<10000x32xf32, #tpu.memory_space<vmem_shared>> -> memref<10000x32xf32, #tpu.memory_space<vmem_shared>>
        tpu.wait_indirect_dma semaphore(%arg13 : memref<!tpu.dma_semaphore, #tpu.memory_space<semaphore_mem>>) src(%dma_wait3A_91 : memref<10000x32xf32, #tpu.memory_space<vmem_shared>>) dst(%arg12 : memref<128x32xf32, #tpu.memory_space<vmem>>)
        %dma_wait3A_92 = tpu.memref_slice %arg3[%add3A_86] : memref<320000xi32, #tpu.memory_space<hbm>> -> memref<128xi32, #tpu.memory_space<hbm>>
        %dma_wait3A_93 = tpu.memref_slice %arg3[%add3A_86] : memref<320000xi32, #tpu.memory_space<hbm>> -> memref<128xi32, #tpu.memory_space<hbm>>
        tpu.wait_dma2 semaphore(%arg14 : memref<!tpu.dma_semaphore, #tpu.memory_space<semaphore_mem>>) src(%dma_wait3A_93 : memref<128xi32, #tpu.memory_space<hbm>>) dst(%arg8 : memref<128xi32, #tpu.memory_space<vmem>>)
        %dma_wait3A_94 = arith.constant 0 : i32
        %dma_wait3A_95 = tpu.memref_slice %arg10[%mul3A_61, %dma_wait3A_94] : memref<160x128xi32, #tpu.memory_space<vmem>> -> memref<1x128xi32, #tpu.memory_space<vmem>>
        %dma_wait3A_96 = tpu.memref_squeeze %dma_wait3A_95 : memref<1x128xi32, #tpu.memory_space<vmem>> -> memref<128xi32, #tpu.memory_space<vmem>>
        %dma_wait3A_97 = arith.constant 0 : i32
        %dma_wait3A_98 = arith.constant 0 : i32
        %dma_wait3A_99 = tpu.memref_slice %arg7[%dma_wait3A_97, %dma_wait3A_98] : memref<10000x32xf32, #tpu.memory_space<vmem_shared>> -> memref<10000x32xf32, #tpu.memory_space<vmem_shared>>
        tpu.wait_indirect_dma semaphore(%arg15 : memref<!tpu.dma_semaphore, #tpu.memory_space<semaphore_mem>>) src(%arg11 : memref<128x32xf32, #tpu.memory_space<vmem>>) dst(%dma_wait3A_99 : memref<10000x32xf32, #tpu.memory_space<vmem_shared>>)
        %dma_start3A_100 = arith.constant 0 : i32
        %dma_start3A_101 = arith.constant 0 : i32
        %dma_start3A_102 = tpu.memref_slice %arg6[%dma_start3A_100, %dma_start3A_101] : memref<10000x32xf32, #tpu.memory_space<vmem_shared>> -> memref<10000x32xf32, #tpu.memory_space<vmem_shared>>
        tpu.enqueue_indirect_dma source(%dma_start3A_102 : memref<10000x32xf32, #tpu.memory_space<vmem_shared>>) target(%arg11 : memref<128x32xf32, #tpu.memory_space<vmem>>) offsets(%arg8 : memref<128xi32, #tpu.memory_space<vmem>>) semaphore(%arg13 : memref<!tpu.dma_semaphore, #tpu.memory_space<semaphore_mem>>)
        %add3A_103 = arith.constant 1 : i32
        %add3A_104 = arith.addi %mul3A_61, %add3A_103 : i32
        %dma_start3A_105 = arith.constant 0 : i32
        %dma_start3A_106 = tpu.memref_slice %arg10[%add3A_104, %dma_start3A_105] : memref<160x128xi32, #tpu.memory_space<vmem>> -> memref<1x128xi32, #tpu.memory_space<vmem>>
        %dma_start3A_107 = tpu.memref_squeeze %dma_start3A_106 : memref<1x128xi32, #tpu.memory_space<vmem>> -> memref<128xi32, #tpu.memory_space<vmem>>
        %dma_start3A_108 = arith.constant 0 : i32
        %dma_start3A_109 = arith.constant 0 : i32
        %dma_start3A_110 = tpu.memref_slice %arg7[%dma_start3A_108, %dma_start3A_109] : memref<10000x32xf32, #tpu.memory_space<vmem_shared>> -> memref<10000x32xf32, #tpu.memory_space<vmem_shared>>
        tpu.enqueue_indirect_dma source(%arg12 : memref<128x32xf32, #tpu.memory_space<vmem>>) target(%dma_start3A_110 : memref<10000x32xf32, #tpu.memory_space<vmem_shared>>) offsets(%dma_start3A_107 : memref<128xi32, #tpu.memory_space<vmem>>) semaphore(%arg15 : memref<!tpu.dma_semaphore, #tpu.memory_space<semaphore_mem>>) {add = true}
        %add3A_111 = arith.constant 3 : i32
        %add3A_112 = arith.addi %mul3A_61, %add3A_111 : i32
        %lt3A_113 = arith.cmpi slt, %add3A_112, %select_n3A : i32
        %convert_element_type3A_114 = arith.extui %lt3A_113 : i1 to i32
        %cond3A_115 = arith.constant 0 : i32
        %cond3A_116 = arith.cmpi ne, %convert_element_type3A_114, %cond3A_115 : i32
        scf.if %cond3A_116 {
          %add3A_126 = arith.constant 3 : i32
          %add3A_127 = arith.addi %mul3A_61, %add3A_126 : i32
          %mul3A_128 = arith.constant 128 : i32
          %mul3A_129 = arith.muli %add3A_127, %mul3A_128 : i32
          %add3A_130 = arith.addi %mul3A_20, %mul3A_129 : i32
          %dma_start3A_131 = tpu.memref_slice %arg3[%add3A_130] : memref<320000xi32, #tpu.memory_space<hbm>> -> memref<128xi32, #tpu.memory_space<hbm>>
          %dma_start3A_132 = tpu.memref_slice %arg3[%add3A_130] : memref<320000xi32, #tpu.memory_space<hbm>> -> memref<128xi32, #tpu.memory_space<hbm>>
          tpu.enqueue_dma source(%dma_start3A_132 : memref<128xi32, #tpu.memory_space<hbm>>) target(%arg9 : memref<128xi32, #tpu.memory_space<vmem>>) target_semaphore(%arg14 : memref<!tpu.dma_semaphore, #tpu.memory_space<semaphore_mem>>)
          %dma_wait3A_133 = tpu.memref_slice %arg3[%add3A_130] : memref<320000xi32, #tpu.memory_space<hbm>> -> memref<128xi32, #tpu.memory_space<hbm>>
          %dma_wait3A_134 = tpu.memref_slice %arg3[%add3A_130] : memref<320000xi32, #tpu.memory_space<hbm>> -> memref<128xi32, #tpu.memory_space<hbm>>
          tpu.wait_dma2 semaphore(%arg14 : memref<!tpu.dma_semaphore, #tpu.memory_space<semaphore_mem>>) src(%dma_wait3A_134 : memref<128xi32, #tpu.memory_space<hbm>>) dst(%arg9 : memref<128xi32, #tpu.memory_space<vmem>>)
        } else {
        }
        %dma_wait3A_117 = arith.constant 0 : i32
        %dma_wait3A_118 = arith.constant 0 : i32
        %dma_wait3A_119 = tpu.memref_slice %arg6[%dma_wait3A_117, %dma_wait3A_118] : memref<10000x32xf32, #tpu.memory_space<vmem_shared>> -> memref<10000x32xf32, #tpu.memory_space<vmem_shared>>
        tpu.wait_indirect_dma semaphore(%arg13 : memref<!tpu.dma_semaphore, #tpu.memory_space<semaphore_mem>>) src(%dma_wait3A_119 : memref<10000x32xf32, #tpu.memory_space<vmem_shared>>) dst(%arg11 : memref<128x32xf32, #tpu.memory_space<vmem>>)
        %dma_wait3A_120 = arith.constant 0 : i32
        %dma_wait3A_121 = tpu.memref_slice %arg10[%add3A_104, %dma_wait3A_120] : memref<160x128xi32, #tpu.memory_space<vmem>> -> memref<1x128xi32, #tpu.memory_space<vmem>>
        %dma_wait3A_122 = tpu.memref_squeeze %dma_wait3A_121 : memref<1x128xi32, #tpu.memory_space<vmem>> -> memref<128xi32, #tpu.memory_space<vmem>>
        %dma_wait3A_123 = arith.constant 0 : i32
        %dma_wait3A_124 = arith.constant 0 : i32
        %dma_wait3A_125 = tpu.memref_slice %arg7[%dma_wait3A_123, %dma_wait3A_124] : memref<10000x32xf32, #tpu.memory_space<vmem_shared>> -> memref<10000x32xf32, #tpu.memory_space<vmem_shared>>
        tpu.wait_indirect_dma semaphore(%arg15 : memref<!tpu.dma_semaphore, #tpu.memory_space<semaphore_mem>>) src(%arg12 : memref<128x32xf32, #tpu.memory_space<vmem>>) dst(%dma_wait3A_125 : memref<10000x32xf32, #tpu.memory_space<vmem_shared>>)
      } else {
      }
      %add3A_77 = arith.constant 2 : i32
      %add3A_78 = arith.addi %mul3A_61, %add3A_77 : i32
      %ge3A = arith.cmpi sge, %add3A_78, %select_n3A : i32
      %convert_element_type3A_79 = arith.extui %ge3A : i1 to i32
      %cond3A_80 = arith.constant 0 : i32
      %cond3A_81 = arith.cmpi ne, %convert_element_type3A_79, %cond3A_80 : i32
      scf.if %cond3A_81 {
        %dma_wait3A_82 = arith.constant 0 : i32
        %dma_wait3A_83 = arith.constant 0 : i32
        %dma_wait3A_84 = tpu.memref_slice %arg6[%dma_wait3A_82, %dma_wait3A_83] : memref<10000x32xf32, #tpu.memory_space<vmem_shared>> -> memref<10000x32xf32, #tpu.memory_space<vmem_shared>>
        tpu.wait_indirect_dma semaphore(%arg13 : memref<!tpu.dma_semaphore, #tpu.memory_space<semaphore_mem>>) src(%dma_wait3A_84 : memref<10000x32xf32, #tpu.memory_space<vmem_shared>>) dst(%arg12 : memref<128x32xf32, #tpu.memory_space<vmem>>)
        %dma_wait3A_85 = arith.constant 0 : i32
        %dma_wait3A_86 = tpu.memref_slice %arg10[%mul3A_61, %dma_wait3A_85] : memref<160x128xi32, #tpu.memory_space<vmem>> -> memref<1x128xi32, #tpu.memory_space<vmem>>
        %dma_wait3A_87 = tpu.memref_squeeze %dma_wait3A_86 : memref<1x128xi32, #tpu.memory_space<vmem>> -> memref<128xi32, #tpu.memory_space<vmem>>
        %dma_wait3A_88 = arith.constant 0 : i32
        %dma_wait3A_89 = arith.constant 0 : i32
        %dma_wait3A_90 = tpu.memref_slice %arg7[%dma_wait3A_88, %dma_wait3A_89] : memref<10000x32xf32, #tpu.memory_space<vmem_shared>> -> memref<10000x32xf32, #tpu.memory_space<vmem_shared>>
        tpu.wait_indirect_dma semaphore(%arg15 : memref<!tpu.dma_semaphore, #tpu.memory_space<semaphore_mem>>) src(%arg11 : memref<128x32xf32, #tpu.memory_space<vmem>>) dst(%dma_wait3A_90 : memref<10000x32xf32, #tpu.memory_space<vmem_shared>>)
        %add3A_91 = arith.constant 1 : i32
        %add3A_92 = arith.addi %mul3A_61, %add3A_91 : i32
        "tpu.region"() ({
          %run_scoped3A = tpu.sem_alloc : memref<!tpu.dma_semaphore, #tpu.memory_space<semaphore_mem>>
          %dma_start3A_93 = arith.constant 0 : i32
          %dma_start3A_94 = tpu.memref_slice %arg10[%add3A_92, %dma_start3A_93] : memref<160x128xi32, #tpu.memory_space<vmem>> -> memref<1x128xi32, #tpu.memory_space<vmem>>
          %dma_start3A_95 = tpu.memref_squeeze %dma_start3A_94 : memref<1x128xi32, #tpu.memory_space<vmem>> -> memref<128xi32, #tpu.memory_space<vmem>>
          %dma_start3A_96 = arith.constant 0 : i32
          %dma_start3A_97 = arith.constant 0 : i32
          %dma_start3A_98 = tpu.memref_slice %arg7[%dma_start3A_96, %dma_start3A_97] : memref<10000x32xf32, #tpu.memory_space<vmem_shared>> -> memref<10000x32xf32, #tpu.memory_space<vmem_shared>>
          tpu.enqueue_indirect_dma source(%arg12 : memref<128x32xf32, #tpu.memory_space<vmem>>) target(%dma_start3A_98 : memref<10000x32xf32, #tpu.memory_space<vmem_shared>>) offsets(%dma_start3A_95 : memref<128xi32, #tpu.memory_space<vmem>>) semaphore(%run_scoped3A : memref<!tpu.dma_semaphore, #tpu.memory_space<semaphore_mem>>) {add = true}
          %dma_wait3A_99 = arith.constant 0 : i32
          %dma_wait3A_100 = tpu.memref_slice %arg10[%add3A_92, %dma_wait3A_99] : memref<160x128xi32, #tpu.memory_space<vmem>> -> memref<1x128xi32, #tpu.memory_space<vmem>>
          %dma_wait3A_101 = tpu.memref_squeeze %dma_wait3A_100 : memref<1x128xi32, #tpu.memory_space<vmem>> -> memref<128xi32, #tpu.memory_space<vmem>>
          %dma_wait3A_102 = arith.constant 0 : i32
          %dma_wait3A_103 = arith.constant 0 : i32
          %dma_wait3A_104 = tpu.memref_slice %arg7[%dma_wait3A_102, %dma_wait3A_103] : memref<10000x32xf32, #tpu.memory_space<vmem_shared>> -> memref<10000x32xf32, #tpu.memory_space<vmem_shared>>
          tpu.wait_indirect_dma semaphore(%run_scoped3A : memref<!tpu.dma_semaphore, #tpu.memory_space<semaphore_mem>>) src(%arg12 : memref<128x32xf32, #tpu.memory_space<vmem>>) dst(%dma_wait3A_104 : memref<10000x32xf32, #tpu.memory_space<vmem_shared>>)
          tpu.yield
        }) : () -> ()
      } else {
      }
    }
    %while3A_52 = arith.constant 1 : i32
    scf.for %while3A_59 = %while3A_50 to %while3A_46 step %while3A_52  : i32 {
      %mul3A_60 = arith.constant 2 : i32
      %mul3A_61 = arith.muli %mul3A_60, %while3A_59 : i32
      %dma_start3A_62 = arith.constant 0 : i32
      %dma_start3A_63 = arith.constant 0 : i32
      %dma_start3A_64 = tpu.memref_slice %arg6[%dma_start3A_62, %dma_start3A_63] : memref<10000x32xf32, #tpu.memory_space<vmem_shared>> -> memref<10000x32xf32, #tpu.memory_space<vmem_shared>>
      tpu.enqueue_indirect_dma source(%dma_start3A_64 : memref<10000x32xf32, #tpu.memory_space<vmem_shared>>) target(%arg12 : memref<128x32xf32, #tpu.memory_space<vmem>>) offsets(%arg9 : memref<128xi32, #tpu.memory_space<vmem>>) semaphore(%arg13 : memref<!tpu.dma_semaphore, #tpu.memory_space<semaphore_mem>>)
      %dma_start3A_65 = arith.constant 0 : i32
      %dma_start3A_66 = tpu.memref_slice %arg10[%mul3A_61, %dma_start3A_65] : memref<160x128xi32, #tpu.memory_space<vmem>> -> memref<1x128xi32, #tpu.memory_space<vmem>>
      %dma_start3A_67 = tpu.memref_squeeze %dma_start3A_66 : memref<1x128xi32, #tpu.memory_space<vmem>> -> memref<128xi32, #tpu.memory_space<vmem>>
      %dma_start3A_68 = arith.constant 0 : i32
      %dma_start3A_69 = arith.constant 0 : i32
      %dma_start3A_70 = tpu.memref_slice %arg7[%dma_start3A_68, %dma_start3A_69] : memref<10000x32xf32, #tpu.memory_space<vmem_shared>> -> memref<10000x32xf32, #tpu.memory_space<vmem_shared>>
      tpu.enqueue_indirect_dma source(%arg11 : memref<128x32xf32, #tpu.memory_space<vmem>>) target(%dma_start3A_70 : memref<10000x32xf32, #tpu.memory_space<vmem_shared>>) offsets(%dma_start3A_67 : memref<128xi32, #tpu.memory_space<vmem>>) semaphore(%arg15 : memref<!tpu.dma_semaphore, #tpu.memory_space<semaphore_mem>>) {add = true}
      %add3A_71 = arith.constant 2 : i32
      %add3A_72 = arith.addi %mul3A_61, %add3A_71 : i32
      %lt3A_73 = arith.cmpi slt, %add3A_72, %select_n3A : i32
      %convert_element_type3A_74 = arith.extui %lt3A_73 : i1 to i32
      %cond3A_75 = arith.constant 0 : i32
      %cond3A_76 = arith.cmpi ne, %convert_element_type3A_74, %cond3A_75 : i32
      scf.if %cond3A_76 {
        %add3A_82 = arith.constant 2 : i32
        %add3A_83 = arith.addi %mul3A_61, %add3A_82 : i32
        %mul3A_84 = arith.constant 128 : i32
        %mul3A_85 = arith.muli %add3A_83, %mul3A_84 : i32
        %add3A_86 = arith.addi %mul3A_20, %mul3A_85 : i32
        %dma_start3A_87 = tpu.memref_slice %arg3[%add3A_86] : memref<320000xi32, #tpu.memory_space<hbm>> -> memref<128xi32, #tpu.memory_space<hbm>>
        %dma_start3A_88 = tpu.memref_slice %arg3[%add3A_86] : memref<320000xi32, #tpu.memory_space<hbm>> -> memref<128xi32, #tpu.memory_space<hbm>>
        tpu.enqueue_dma source(%dma_start3A_88 : memref<128xi32, #tpu.memory_space<hbm>>) target(%arg8 : memref<128xi32, #tpu.memory_space<vmem>>) target_semaphore(%arg14 : memref<!tpu.dma_semaphore, #tpu.memory_space<semaphore_mem>>)
        %dma_wait3A_89 = arith.constant 0 : i32
        %dma_wait3A_90 = arith.constant 0 : i32
        %dma_wait3A_91 = tpu.memref_slice %arg6[%dma_wait3A_89, %dma_wait3A_90] : memref<10000x32xf32, #tpu.memory_space<vmem_shared>> -> memref<10000x32xf32, #tpu.memory_space<vmem_shared>>
        tpu.wait_indirect_dma semaphore(%arg13 : memref<!tpu.dma_semaphore, #tpu.memory_space<semaphore_mem>>) src(%dma_wait3A_91 : memref<10000x32xf32, #tpu.memory_space<vmem_shared>>) dst(%arg12 : memref<128x32xf32, #tpu.memory_space<vmem>>)
        %dma_wait3A_92 = tpu.memref_slice %arg3[%add3A_86] : memref<320000xi32, #tpu.memory_space<hbm>> -> memref<128xi32, #tpu.memory_space<hbm>>
        %dma_wait3A_93 = tpu.memref_slice %arg3[%add3A_86] : memref<320000xi32, #tpu.memory_space<hbm>> -> memref<128xi32, #tpu.memory_space<hbm>>
        tpu.wait_dma2 semaphore(%arg14 : memref<!tpu.dma_semaphore, #tpu.memory_space<semaphore_mem>>) src(%dma_wait3A_93 : memref<128xi32, #tpu.memory_space<hbm>>) dst(%arg8 : memref<128xi32, #tpu.memory_space<vmem>>)
        %dma_wait3A_94 = arith.constant 0 : i32
        %dma_wait3A_95 = tpu.memref_slice %arg10[%mul3A_61, %dma_wait3A_94] : memref<160x128xi32, #tpu.memory_space<vmem>> -> memref<1x128xi32, #tpu.memory_space<vmem>>
        %dma_wait3A_96 = tpu.memref_squeeze %dma_wait3A_95 : memref<1x128xi32, #tpu.memory_space<vmem>> -> memref<128xi32, #tpu.memory_space<vmem>>
        %dma_wait3A_97 = arith.constant 0 : i32
        %dma_wait3A_98 = arith.constant 0 : i32
        %dma_wait3A_99 = tpu.memref_slice %arg7[%dma_wait3A_97, %dma_wait3A_98] : memref<10000x32xf32, #tpu.memory_space<vmem_shared>> -> memref<10000x32xf32, #tpu.memory_space<vmem_shared>>
        tpu.wait_indirect_dma semaphore(%arg15 : memref<!tpu.dma_semaphore, #tpu.memory_space<semaphore_mem>>) src(%arg11 : memref<128x32xf32, #tpu.memory_space<vmem>>) dst(%dma_wait3A_99 : memref<10000x32xf32, #tpu.memory_space<vmem_shared>>)
        %dma_start3A_100 = arith.constant 0 : i32
        %dma_start3A_101 = arith.constant 0 : i32
        %dma_start3A_102 = tpu.memref_slice %arg6[%dma_start3A_100, %dma_start3A_101] : memref<10000x32xf32, #tpu.memory_space<vmem_shared>> -> memref<10000x32xf32, #tpu.memory_space<vmem_shared>>
        tpu.enqueue_indirect_dma source(%dma_start3A_102 : memref<10000x32xf32, #tpu.memory_space<vmem_shared>>) target(%arg11 : memref<128x32xf32, #tpu.memory_space<vmem>>) offsets(%arg8 : memref<128xi32, #tpu.memory_space<vmem>>) semaphore(%arg13 : memref<!tpu.dma_semaphore, #tpu.memory_space<semaphore_mem>>)
        %add3A_103 = arith.constant 1 : i32
        %add3A_104 = arith.addi %mul3A_61, %add3A_103 : i32
        %dma_start3A_105 = arith.constant 0 : i32
        %dma_start3A_106 = tpu.memref_slice %arg10[%add3A_104, %dma_start3A_105] : memref<160x128xi32, #tpu.memory_space<vmem>> -> memref<1x128xi32, #tpu.memory_space<vmem>>
        %dma_start3A_107 = tpu.memref_squeeze %dma_start3A_106 : memref<1x128xi32, #tpu.memory_space<vmem>> -> memref<128xi32, #tpu.memory_space<vmem>>
        %dma_start3A_108 = arith.constant 0 : i32
        %dma_start3A_109 = arith.constant 0 : i32
        %dma_start3A_110 = tpu.memref_slice %arg7[%dma_start3A_108, %dma_start3A_109] : memref<10000x32xf32, #tpu.memory_space<vmem_shared>> -> memref<10000x32xf32, #tpu.memory_space<vmem_shared>>
        tpu.enqueue_indirect_dma source(%arg12 : memref<128x32xf32, #tpu.memory_space<vmem>>) target(%dma_start3A_110 : memref<10000x32xf32, #tpu.memory_space<vmem_shared>>) offsets(%dma_start3A_107 : memref<128xi32, #tpu.memory_space<vmem>>) semaphore(%arg15 : memref<!tpu.dma_semaphore, #tpu.memory_space<semaphore_mem>>) {add = true}
        %add3A_111 = arith.constant 3 : i32
        %add3A_112 = arith.addi %mul3A_61, %add3A_111 : i32
        %lt3A_113 = arith.cmpi slt, %add3A_112, %select_n3A : i32
        %convert_element_type3A_114 = arith.extui %lt3A_113 : i1 to i32
        %cond3A_115 = arith.constant 0 : i32
        %cond3A_116 = arith.cmpi ne, %convert_element_type3A_114, %cond3A_115 : i32
        scf.if %cond3A_116 {
          %add3A_126 = arith.constant 3 : i32
          %add3A_127 = arith.addi %mul3A_61, %add3A_126 : i32
          %mul3A_128 = arith.constant 128 : i32
          %mul3A_129 = arith.muli %add3A_127, %mul3A_128 : i32
          %add3A_130 = arith.addi %mul3A_20, %mul3A_129 : i32
          %dma_start3A_131 = tpu.memref_slice %arg3[%add3A_130] : memref<320000xi32, #tpu.memory_space<hbm>> -> memref<128xi32, #tpu.memory_space<hbm>>
          %dma_start3A_132 = tpu.memref_slice %arg3[%add3A_130] : memref<320000xi32, #tpu.memory_space<hbm>> -> memref<128xi32, #tpu.memory_space<hbm>>
          tpu.enqueue_dma source(%dma_start3A_132 : memref<128xi32, #tpu.memory_space<hbm>>) target(%arg9 : memref<128xi32, #tpu.memory_space<vmem>>) target_semaphore(%arg14 : memref<!tpu.dma_semaphore, #tpu.memory_space<semaphore_mem>>)
          %dma_wait3A_133 = tpu.memref_slice %arg3[%add3A_130] : memref<320000xi32, #tpu.memory_space<hbm>> -> memref<128xi32, #tpu.memory_space<hbm>>
          %dma_wait3A_134 = tpu.memref_slice %arg3[%add3A_130] : memref<320000xi32, #tpu.memory_space<hbm>> -> memref<128xi32, #tpu.memory_space<hbm>>
          tpu.wait_dma2 semaphore(%arg14 : memref<!tpu.dma_semaphore, #tpu.memory_space<semaphore_mem>>) src(%dma_wait3A_134 : memref<128xi32, #tpu.memory_space<hbm>>) dst(%arg9 : memref<128xi32, #tpu.memory_space<vmem>>)
        } else {
        }
        %dma_wait3A_117 = arith.constant 0 : i32
        %dma_wait3A_118 = arith.constant 0 : i32
        %dma_wait3A_119 = tpu.memref_slice %arg6[%dma_wait3A_117, %dma_wait3A_118] : memref<10000x32xf32, #tpu.memory_space<vmem_shared>> -> memref<10000x32xf32, #tpu.memory_space<vmem_shared>>
        tpu.wait_indirect_dma semaphore(%arg13 : memref<!tpu.dma_semaphore, #tpu.memory_space<semaphore_mem>>) src(%dma_wait3A_119 : memref<10000x32xf32, #tpu.memory_space<vmem_shared>>) dst(%arg11 : memref<128x32xf32, #tpu.memory_space<vmem>>)
        %dma_wait3A_120 = arith.constant 0 : i32
        %dma_wait3A_121 = tpu.memref_slice %arg10[%add3A_104, %dma_wait3A_120] : memref<160x128xi32, #tpu.memory_space<vmem>> -> memref<1x128xi32, #tpu.memory_space<vmem>>
        %dma_wait3A_122 = tpu.memref_squeeze %dma_wait3A_121 : memref<1x128xi32, #tpu.memory_space<vmem>> -> memref<128xi32, #tpu.memory_space<vmem>>
        %dma_wait3A_123 = arith.constant 0 : i32
        %dma_wait3A_124 = arith.constant 0 : i32
        %dma_wait3A_125 = tpu.memref_slice %arg7[%dma_wait3A_123, %dma_wait3A_124] : memref<10000x32xf32, #tpu.memory_space<vmem_shared>> -> memref<10000x32xf32, #tpu.memory_space<vmem_shared>>
        tpu.wait_indirect_dma semaphore(%arg15 : memref<!tpu.dma_semaphore, #tpu.memory_space<semaphore_mem>>) src(%arg12 : memref<128x32xf32, #tpu.memory_space<vmem>>) dst(%dma_wait3A_125 : memref<10000x32xf32, #tpu.memory_space<vmem_shared>>)
      } else {
      }
      %add3A_77 = arith.constant 2 : i32
      %add3A_78 = arith.addi %mul3A_61, %add3A_77 : i32
      %ge3A = arith.cmpi sge, %add3A_78, %select_n3A : i32
      %convert_element_type3A_79 = arith.extui %ge3A : i1 to i32
      %cond3A_80 = arith.constant 0 : i32
      %cond3A_81 = arith.cmpi ne, %convert_element_type3A_79, %cond3A_80 : i32
      scf.if %cond3A_81 {
        %dma_wait3A_82 = arith.constant 0 : i32
        %dma_wait3A_83 = arith.constant 0 : i32
        %dma_wait3A_84 = tpu.memref_slice %arg6[%dma_wait3A_82, %dma_wait3A_83] : memref<10000x32xf32, #tpu.memory_space<vmem_shared>> -> memref<10000x32xf32, #tpu.memory_space<vmem_shared>>
        tpu.wait_indirect_dma semaphore(%arg13 : memref<!tpu.dma_semaphore, #tpu.memory_space<semaphore_mem>>) src(%dma_wait3A_84 : memref<10000x32xf32, #tpu.memory_space<vmem_shared>>) dst(%arg12 : memref<128x32xf32, #tpu.memory_space<vmem>>)
        %dma_wait3A_85 = arith.constant 0 : i32
        %dma_wait3A_86 = tpu.memref_slice %arg10[%mul3A_61, %dma_wait3A_85] : memref<160x128xi32, #tpu.memory_space<vmem>> -> memref<1x128xi32, #tpu.memory_space<vmem>>
        %dma_wait3A_87 = tpu.memref_squeeze %dma_wait3A_86 : memref<1x128xi32, #tpu.memory_space<vmem>> -> memref<128xi32, #tpu.memory_space<vmem>>
        %dma_wait3A_88 = arith.constant 0 : i32
        %dma_wait3A_89 = arith.constant 0 : i32
        %dma_wait3A_90 = tpu.memref_slice %arg7[%dma_wait3A_88, %dma_wait3A_89] : memref<10000x32xf32, #tpu.memory_space<vmem_shared>> -> memref<10000x32xf32, #tpu.memory_space<vmem_shared>>
        tpu.wait_indirect_dma semaphore(%arg15 : memref<!tpu.dma_semaphore, #tpu.memory_space<semaphore_mem>>) src(%arg11 : memref<128x32xf32, #tpu.memory_space<vmem>>) dst(%dma_wait3A_90 : memref<10000x32xf32, #tpu.memory_space<vmem_shared>>)
        %add3A_91 = arith.constant 1 : i32
        %add3A_92 = arith.addi %mul3A_61, %add3A_91 : i32
        "tpu.region"() ({
          %run_scoped3A = tpu.sem_alloc : memref<!tpu.dma_semaphore, #tpu.memory_space<semaphore_mem>>
          %dma_start3A_93 = arith.constant 0 : i32
          %dma_start3A_94 = tpu.memref_slice %arg10[%add3A_92, %dma_start3A_93] : memref<160x128xi32, #tpu.memory_space<vmem>> -> memref<1x128xi32, #tpu.memory_space<vmem>>
          %dma_start3A_95 = tpu.memref_squeeze %dma_start3A_94 : memref<1x128xi32, #tpu.memory_space<vmem>> -> memref<128xi32, #tpu.memory_space<vmem>>
          %dma_start3A_96 = arith.constant 0 : i32
          %dma_start3A_97 = arith.constant 0 : i32
          %dma_start3A_98 = tpu.memref_slice %arg7[%dma_start3A_96, %dma_start3A_97] : memref<10000x32xf32, #tpu.memory_space<vmem_shared>> -> memref<10000x32xf32, #tpu.memory_space<vmem_shared>>
          tpu.enqueue_indirect_dma source(%arg12 : memref<128x32xf32, #tpu.memory_space<vmem>>) target(%dma_start3A_98 : memref<10000x32xf32, #tpu.memory_space<vmem_shared>>) offsets(%dma_start3A_95 : memref<128xi32, #tpu.memory_space<vmem>>) semaphore(%run_scoped3A : memref<!tpu.dma_semaphore, #tpu.memory_space<semaphore_mem>>) {add = true}
          %dma_wait3A_99 = arith.constant 0 : i32
          %dma_wait3A_100 = tpu.memref_slice %arg10[%add3A_92, %dma_wait3A_99] : memref<160x128xi32, #tpu.memory_space<vmem>> -> memref<1x128xi32, #tpu.memory_space<vmem>>
          %dma_wait3A_101 = tpu.memref_squeeze %dma_wait3A_100 : memref<1x128xi32, #tpu.memory_space<vmem>> -> memref<128xi32, #tpu.memory_space<vmem>>
          %dma_wait3A_102 = arith.constant 0 : i32
          %dma_wait3A_103 = arith.constant 0 : i32
          %dma_wait3A_104 = tpu.memref_slice %arg7[%dma_wait3A_102, %dma_wait3A_103] : memref<10000x32xf32, #tpu.memory_space<vmem_shared>> -> memref<10000x32xf32, #tpu.memory_space<vmem_shared>>
          tpu.wait_indirect_dma semaphore(%run_scoped3A : memref<!tpu.dma_semaphore, #tpu.memory_space<semaphore_mem>>) src(%arg12 : memref<128x32xf32, #tpu.memory_space<vmem>>) dst(%dma_wait3A_104 : memref<10000x32xf32, #tpu.memory_space<vmem_shared>>)
          tpu.yield
        }) : () -> ()
      } else {
      }
    }
    %barrier3A_53 = arith.constant 0 : index
    tpu.barrier barrier_id(%barrier3A_53)
    "tpu.region"() ({
      %run_scoped3A = tpu.sem_alloc : memref<!tpu.dma_semaphore, #tpu.memory_space<semaphore_mem>>
      %dma_start3A_59 = tpu.memref_slice %arg5[%mul3A_0, %mul3A_2] : memref<10000x64xf32, #tpu.memory_space<hbm>> -> memref<624x32xf32, #tpu.memory_space<hbm>>
      %dma_start3A_60 = arith.constant 0 : i32
      %dma_start3A_61 = tpu.memref_slice %arg7[%mul3A_0, %dma_start3A_60] : memref<10000x32xf32, #tpu.memory_space<vmem_shared>> -> memref<624x32xf32, #tpu.memory_space<vmem_shared>>
      tpu.enqueue_dma source(%dma_start3A_61 : memref<624x32xf32, #tpu.memory_space<vmem_shared>>) target(%dma_start3A_59 : memref<624x32xf32, #tpu.memory_space<hbm>>) target_semaphore(%run_scoped3A : memref<!tpu.dma_semaphore, #tpu.memory_space<semaphore_mem>>)
      %dma_wait3A_62 = tpu.memref_slice %arg5[%mul3A_0, %mul3A_2] : memref<10000x64xf32, #tpu.memory_space<hbm>> -> memref<624x32xf32, #tpu.memory_space<hbm>>
      %dma_wait3A_63 = arith.constant 0 : i32
      %dma_wait3A_64 = tpu.memref_slice %arg7[%mul3A_0, %dma_wait3A_63] : memref<10000x32xf32, #tpu.memory_space<vmem_shared>> -> memref<624x32xf32, #tpu.memory_space<vmem_shared>>
      tpu.wait_dma2 semaphore(%run_scoped3A : memref<!tpu.dma_semaphore, #tpu.memory_space<semaphore_mem>>) src(%dma_wait3A_64 : memref<624x32xf32, #tpu.memory_space<vmem_shared>>) dst(%dma_wait3A_62 : memref<624x32xf32, #tpu.memory_space<hbm>>)
      tpu.yield
    }) : () -> ()
    %eq3A_54 = arith.constant 15 : i32
    %eq3A_55 = arith.cmpi eq, %arg1, %eq3A_54 : i32
    %convert_element_type3A_56 = arith.extui %eq3A_55 : i1 to i32
    %cond3A_57 = arith.constant 0 : i32
    %cond3A_58 = arith.cmpi ne, %convert_element_type3A_56, %cond3A_57 : i32
    scf.if %cond3A_58 {
      "tpu.region"() ({
        %run_scoped3A = tpu.sem_alloc : memref<!tpu.dma_semaphore, #tpu.memory_space<semaphore_mem>>
        %dma_start3A_59 = arith.constant 9984 : i32
        %dma_start3A_60 = tpu.memref_slice %arg5[%dma_start3A_59, %mul3A_2] : memref<10000x64xf32, #tpu.memory_space<hbm>> -> memref<16x32xf32, #tpu.memory_space<hbm>>
        %dma_start3A_61 = arith.constant 9984 : i32
        %dma_start3A_62 = arith.constant 0 : i32
        %dma_start3A_63 = tpu.memref_slice %arg7[%dma_start3A_61, %dma_start3A_62] : memref<10000x32xf32, #tpu.memory_space<vmem_shared>> -> memref<16x32xf32, #tpu.memory_space<vmem_shared>>
        tpu.enqueue_dma source(%dma_start3A_63 : memref<16x32xf32, #tpu.memory_space<vmem_shared>>) target(%dma_start3A_60 : memref<16x32xf32, #tpu.memory_space<hbm>>) target_semaphore(%run_scoped3A : memref<!tpu.dma_semaphore, #tpu.memory_space<semaphore_mem>>)
        %dma_wait3A_64 = arith.constant 9984 : i32
        %dma_wait3A_65 = tpu.memref_slice %arg5[%dma_wait3A_64, %mul3A_2] : memref<10000x64xf32, #tpu.memory_space<hbm>> -> memref<16x32xf32, #tpu.memory_space<hbm>>
        %dma_wait3A_66 = arith.constant 9984 : i32
        %dma_wait3A_67 = arith.constant 0 : i32
        %dma_wait3A_68 = tpu.memref_slice %arg7[%dma_wait3A_66, %dma_wait3A_67] : memref<10000x32xf32, #tpu.memory_space<vmem_shared>> -> memref<16x32xf32, #tpu.memory_space<vmem_shared>>
        tpu.wait_dma2 semaphore(%run_scoped3A : memref<!tpu.dma_semaphore, #tpu.memory_space<semaphore_mem>>) src(%dma_wait3A_68 : memref<16x32xf32, #tpu.memory_space<vmem_shared>>) dst(%dma_wait3A_65 : memref<16x32xf32, #tpu.memory_space<hbm>>)
        tpu.yield
      }) : () -> ()
    } else {
    }
    return
  }
}

module attributes {stable_mosaic.version = 14 : i64} {
  func.func @_g1_body(%arg0: i32, %arg1: memref<2000x16xf32, #tpu.memory_space<vmem>>, %arg2: memref<2000x16xf32, #tpu.memory_space<vmem>>, %arg3: memref<2000x128xf32, #tpu.memory_space<vmem>>, %arg4: memref<128x128xf32, #tpu.memory_space<vmem>>, %arg5: memref<2000x128xf32, #tpu.memory_space<vmem>>, %arg6: memref<2000x1xf32, #tpu.memory_space<vmem>>) attributes {dimension_semantics = [#tpu.dimension_semantics<arbitrary>], iteration_bounds = array<i64: 5>, scalar_prefetch = 0 : i64, scratch_operands = 0 : i64, tpu.core_type = #tpu.core_type<tc>, window_params = [{transform_indices = @transform_0, window_bounds = array<i64: 2000, 16>}, {transform_indices = @transform_1, window_bounds = array<i64: 2000, 16>}, {transform_indices = @transform_2, window_bounds = array<i64: 2000, 128>}, {pipeline_mode = #tpu.pipeline_mode<synchronous>, transform_indices = @transform_3, window_bounds = array<i64: 128, 128>}, {transform_indices = @transform_4, window_bounds = array<i64: 2000, 128>}, {transform_indices = @transform_5, window_bounds = array<i64: 2000, 1>}]} {
    %get3A = arith.constant 0 : index
    %get3A_0 = arith.constant 0 : index
    %get3A_1 = vector.load %arg1[%get3A, %get3A_0] : memref<2000x16xf32, #tpu.memory_space<vmem>>, vector<2000x16xf32>
    %get3A_2 = arith.constant 0 : index
    %get3A_3 = arith.constant 0 : index
    %get3A_4 = vector.load %arg2[%get3A_2, %get3A_3] : memref<2000x16xf32, #tpu.memory_space<vmem>>, vector<2000x16xf32>
    %add3A = arith.addf %get3A_1, %get3A_4 : vector<2000x16xf32>
    %slice3A = vector.extract_strided_slice %add3A {offsets = [0, 0], sizes = [2000, 1], strides = [1, 1]} : vector<2000x16xf32> to vector<2000x1xf32>
    %add3A_5 = arith.constant 1.000000e+00 : f32
    %add3A_6 = vector.broadcast %add3A_5 : f32 to vector<2000x1xf32>
    %add3A_7 = arith.addf %slice3A, %add3A_6 : vector<2000x1xf32>
    %rsqrt3A = math.rsqrt %add3A_7 : vector<2000x1xf32>
    %get3A_8 = arith.constant 0 : index
    %get3A_9 = arith.constant 0 : index
    %get3A_10 = vector.load %arg3[%get3A_8, %get3A_9] : memref<2000x128xf32, #tpu.memory_space<vmem>>, vector<2000x128xf32>
    %max3A = arith.constant 0.000000e+00 : f32
    %max3A_11 = vector.broadcast %max3A : f32 to vector<2000x128xf32>
    %max3A_12 = arith.maximumf %get3A_10, %max3A_11 : vector<2000x128xf32>
    %get3A_13 = arith.constant 0 : index
    %get3A_14 = arith.constant 0 : index
    %get3A_15 = vector.load %arg4[%get3A_13, %get3A_14] : memref<128x128xf32, #tpu.memory_space<vmem>>, vector<128x128xf32>
    %dot_general3A = arith.constant dense<0.000000e+00> : vector<2000x128xf32>
    %dot_general3A_16 = tpu.matmul %max3A_12, %get3A_15, %dot_general3A {dimension_numbers = #tpu.dot_dimension_numbers<[1], [0], [0], [1], [0, 0, 1, 1], [], []>, transpose_lhs_hint = false} : vector<2000x128xf32>, vector<128x128xf32>, vector<2000x128xf32> -> vector<2000x128xf32>
    %mul3A = vector.broadcast %rsqrt3A : vector<2000x1xf32> to vector<2000x128xf32>
    %mul3A_17 = arith.mulf %mul3A, %dot_general3A_16 : vector<2000x128xf32>
    %swap3A = arith.constant 0 : index
    %swap3A_18 = arith.constant 0 : index
    %swap3A_19 = vector.load %arg5[%swap3A, %swap3A_18] : memref<2000x128xf32, #tpu.memory_space<vmem>>, vector<2000x128xf32>
    tpu.vector_store %arg5[%swap3A, %swap3A_18], %mul3A_17 {strides = array<i32>} : memref<2000x128xf32, #tpu.memory_space<vmem>>, vector<2000x128xf32>,
    %swap3A_20 = arith.constant 0 : index
    %swap3A_21 = arith.constant 0 : index
    %swap3A_22 = vector.load %arg6[%swap3A_20, %swap3A_21] : memref<2000x1xf32, #tpu.memory_space<vmem>>, vector<2000x1xf32>
    tpu.vector_store %arg6[%swap3A_20, %swap3A_21], %rsqrt3A {strides = array<i32>} : memref<2000x1xf32, #tpu.memory_space<vmem>>, vector<2000x1xf32>,
    return
  }
  func.func @transform_0(%arg0: i32) -> (i32, i32) {
    %c0_i32 = arith.constant 0 : i32
    %c0_i32_0 = arith.constant 0 : i32
    return %arg0, %c0_i32 : i32, i32
  }
  func.func @transform_1(%arg0: i32) -> (i32, i32) {
    %c0_i32 = arith.constant 0 : i32
    %c0_i32_0 = arith.constant 0 : i32
    return %arg0, %c0_i32 : i32, i32
  }
  func.func @transform_2(%arg0: i32) -> (i32, i32) {
    %c0_i32 = arith.constant 0 : i32
    %c0_i32_0 = arith.constant 0 : i32
    return %arg0, %c0_i32 : i32, i32
  }
  func.func @transform_3(%arg0: i32) -> (i32, i32) {
    %c0_i32 = arith.constant 0 : i32
    %c0_i32_0 = arith.constant 0 : i32
    %c0_i32_1 = arith.constant 0 : i32
    return %c0_i32, %c0_i32_0 : i32, i32
  }
  func.func @transform_4(%arg0: i32) -> (i32, i32) {
    %c0_i32 = arith.constant 0 : i32
    %c0_i32_0 = arith.constant 0 : i32
    return %arg0, %c0_i32 : i32, i32
  }
  func.func @transform_5(%arg0: i32) -> (i32, i32) {
    %c0_i32 = arith.constant 0 : i32
    %c0_i32_0 = arith.constant 0 : i32
    return %arg0, %c0_i32 : i32, i32
  }
}

module attributes {stable_mosaic.version = 14 : i64} {
  func.func @_g2s_body(%arg0: i32, %arg1: memref<2000x128xf32, #tpu.memory_space<vmem>>, %arg2: memref<2000x1xf32, #tpu.memory_space<vmem>>, %arg3: memref<1x128xf32, #tpu.memory_space<vmem>>, %arg4: memref<128x64xf32, #tpu.memory_space<vmem>>, %arg5: memref<2000x64xf32, #tpu.memory_space<vmem>>) attributes {dimension_semantics = [#tpu.dimension_semantics<arbitrary>], iteration_bounds = array<i64: 5>, scalar_prefetch = 0 : i64, scratch_operands = 0 : i64, tpu.core_type = #tpu.core_type<tc>, window_params = [{transform_indices = @transform_0, window_bounds = array<i64: 2000, 128>}, {transform_indices = @transform_1, window_bounds = array<i64: 2000, 1>}, {pipeline_mode = #tpu.pipeline_mode<synchronous>, transform_indices = @transform_2, window_bounds = array<i64: 1, 128>}, {pipeline_mode = #tpu.pipeline_mode<synchronous>, transform_indices = @transform_3, window_bounds = array<i64: 128, 64>}, {transform_indices = @transform_4, window_bounds = array<i64: 2000, 64>}]} {
    %get3A = arith.constant 0 : index
    %get3A_0 = arith.constant 0 : index
    %get3A_1 = vector.load %arg2[%get3A, %get3A_0] : memref<2000x1xf32, #tpu.memory_space<vmem>>, vector<2000x1xf32>
    %get3A_2 = arith.constant 0 : index
    %get3A_3 = arith.constant 0 : index
    %get3A_4 = vector.load %arg1[%get3A_2, %get3A_3] : memref<2000x128xf32, #tpu.memory_space<vmem>>, vector<2000x128xf32>
    %mul3A = vector.broadcast %get3A_1 : vector<2000x1xf32> to vector<2000x128xf32>
    %mul3A_5 = arith.mulf %mul3A, %get3A_4 : vector<2000x128xf32>
    %get3A_6 = arith.constant 0 : index
    %get3A_7 = arith.constant 0 : index
    %get3A_8 = vector.load %arg3[%get3A_6, %get3A_7] : memref<1x128xf32, #tpu.memory_space<vmem>>, vector<1x128xf32>
    %add3A = vector.broadcast %get3A_8 : vector<1x128xf32> to vector<2000x128xf32>
    %add3A_9 = arith.addf %mul3A_5, %add3A : vector<2000x128xf32>
    %max3A = arith.constant 0.000000e+00 : f32
    %max3A_10 = vector.broadcast %max3A : f32 to vector<2000x128xf32>
    %max3A_11 = arith.maximumf %add3A_9, %max3A_10 : vector<2000x128xf32>
    %get3A_12 = arith.constant 0 : index
    %get3A_13 = arith.constant 0 : index
    %get3A_14 = vector.load %arg4[%get3A_12, %get3A_13] : memref<128x64xf32, #tpu.memory_space<vmem>>, vector<128x64xf32>
    %dot_general3A = arith.constant dense<0.000000e+00> : vector<2000x64xf32>
    %dot_general3A_15 = tpu.matmul %max3A_11, %get3A_14, %dot_general3A {dimension_numbers = #tpu.dot_dimension_numbers<[1], [0], [0], [1], [0, 0, 1, 1], [], []>, transpose_lhs_hint = false} : vector<2000x128xf32>, vector<128x64xf32>, vector<2000x64xf32> -> vector<2000x64xf32>
    %mul3A_16 = vector.broadcast %get3A_1 : vector<2000x1xf32> to vector<2000x64xf32>
    %mul3A_17 = arith.mulf %mul3A_16, %dot_general3A_15 : vector<2000x64xf32>
    %swap3A = arith.constant 0 : index
    %swap3A_18 = arith.constant 0 : index
    %swap3A_19 = vector.load %arg5[%swap3A, %swap3A_18] : memref<2000x64xf32, #tpu.memory_space<vmem>>, vector<2000x64xf32>
    tpu.vector_store %arg5[%swap3A, %swap3A_18], %mul3A_17 {strides = array<i32>} : memref<2000x64xf32, #tpu.memory_space<vmem>>, vector<2000x64xf32>,
    return
  }
  func.func @transform_0(%arg0: i32) -> (i32, i32) {
    %c0_i32 = arith.constant 0 : i32
    %c0_i32_0 = arith.constant 0 : i32
    return %arg0, %c0_i32 : i32, i32
  }
  func.func @transform_1(%arg0: i32) -> (i32, i32) {
    %c0_i32 = arith.constant 0 : i32
    %c0_i32_0 = arith.constant 0 : i32
    return %arg0, %c0_i32 : i32, i32
  }
  func.func @transform_2(%arg0: i32) -> (i32, i32) {
    %c0_i32 = arith.constant 0 : i32
    %c0_i32_0 = arith.constant 0 : i32
    %c0_i32_1 = arith.constant 0 : i32
    return %c0_i32, %c0_i32_0 : i32, i32
  }
  func.func @transform_3(%arg0: i32) -> (i32, i32) {
    %c0_i32 = arith.constant 0 : i32
    %c0_i32_0 = arith.constant 0 : i32
    %c0_i32_1 = arith.constant 0 : i32
    return %c0_i32, %c0_i32_0 : i32, i32
  }
  func.func @transform_4(%arg0: i32) -> (i32, i32) {
    %c0_i32 = arith.constant 0 : i32
    %c0_i32_0 = arith.constant 0 : i32
    return %arg0, %c0_i32 : i32, i32
  }
}

module attributes {stable_mosaic.version = 14 : i64} {
  func.func @_outs_body(%arg0: i32, %arg1: memref<2000x64xf32, #tpu.memory_space<vmem>>, %arg2: memref<2000x1xf32, #tpu.memory_space<vmem>>, %arg3: memref<1x64xf32, #tpu.memory_space<vmem>>, %arg4: memref<2000x64xf32, #tpu.memory_space<vmem>>) attributes {dimension_semantics = [#tpu.dimension_semantics<arbitrary>], iteration_bounds = array<i64: 5>, scalar_prefetch = 0 : i64, scratch_operands = 0 : i64, tpu.core_type = #tpu.core_type<tc>, window_params = [{transform_indices = @transform_0, window_bounds = array<i64: 2000, 64>}, {transform_indices = @transform_1, window_bounds = array<i64: 2000, 1>}, {pipeline_mode = #tpu.pipeline_mode<synchronous>, transform_indices = @transform_2, window_bounds = array<i64: 1, 64>}, {transform_indices = @transform_3, window_bounds = array<i64: 2000, 64>}]} {
    %get3A = arith.constant 0 : index
    %get3A_0 = arith.constant 0 : index
    %get3A_1 = vector.load %arg2[%get3A, %get3A_0] : memref<2000x1xf32, #tpu.memory_space<vmem>>, vector<2000x1xf32>
    %get3A_2 = arith.constant 0 : index
    %get3A_3 = arith.constant 0 : index
    %get3A_4 = vector.load %arg1[%get3A_2, %get3A_3] : memref<2000x64xf32, #tpu.memory_space<vmem>>, vector<2000x64xf32>
    %mul3A = vector.broadcast %get3A_1 : vector<2000x1xf32> to vector<2000x64xf32>
    %mul3A_5 = arith.mulf %mul3A, %get3A_4 : vector<2000x64xf32>
    %get3A_6 = arith.constant 0 : index
    %get3A_7 = arith.constant 0 : index
    %get3A_8 = vector.load %arg3[%get3A_6, %get3A_7] : memref<1x64xf32, #tpu.memory_space<vmem>>, vector<1x64xf32>
    %add3A = vector.broadcast %get3A_8 : vector<1x64xf32> to vector<2000x64xf32>
    %add3A_9 = arith.addf %mul3A_5, %add3A : vector<2000x64xf32>
    %swap3A = arith.constant 0 : index
    %swap3A_10 = arith.constant 0 : index
    %swap3A_11 = vector.load %arg4[%swap3A, %swap3A_10] : memref<2000x64xf32, #tpu.memory_space<vmem>>, vector<2000x64xf32>
    tpu.vector_store %arg4[%swap3A, %swap3A_10], %add3A_9 {strides = array<i32>} : memref<2000x64xf32, #tpu.memory_space<vmem>>, vector<2000x64xf32>,
    return
  }
  func.func @transform_0(%arg0: i32) -> (i32, i32) {
    %c0_i32 = arith.constant 0 : i32
    %c0_i32_0 = arith.constant 0 : i32
    return %arg0, %c0_i32 : i32, i32
  }
  func.func @transform_1(%arg0: i32) -> (i32, i32) {
    %c0_i32 = arith.constant 0 : i32
    %c0_i32_0 = arith.constant 0 : i32
    return %arg0, %c0_i32 : i32, i32
  }
  func.func @transform_2(%arg0: i32) -> (i32, i32) {
    %c0_i32 = arith.constant 0 : i32
    %c0_i32_0 = arith.constant 0 : i32
    %c0_i32_1 = arith.constant 0 : i32
    return %c0_i32, %c0_i32_0 : i32, i32
  }
  func.func @transform_3(%arg0: i32) -> (i32, i32) {
    %c0_i32 = arith.constant 0 : i32
    %c0_i32_0 = arith.constant 0 : i32
    return %arg0, %c0_i32 : i32, i32
  }
}

</mosaic_0001>

<sc_bundles>
// kernel: kernel.11.cloned.1.call-start
scs
__scs_entry_jumppad:
0x0: {  	(pc) =	sbr.rel $0x88, $3  }
0x1: {  	(tag) =	ssettag $0x0;
	lr =	simm.s32 $0x1  }
0x2: {  	[smem:$0x3F9B] =	sst lr;
	_ =	strace $0xD0000000  }
0x3: {  	_ = 	snop  }
0x4: {  	_ = 	snop  }
0x5: {  	_ = 	snop  }
0x6: {  	_ = 	snop  }
0x7: {  	_ = 	snop  }
__scs_overlays_trampoline_lowered:
0x8: {  	[smem:$0x3FAA] =	sst s0  }
0x9: {  	[smem:$0x3FAB] =	sst s1  }
0xa: {  	[smem:$0x3FAC] =	sst s2  }
0xb: {  	[smem:$0x3FAD] =	sst s3  }
0xc: {  	[smem:$0x3FAE] =	sst s4  }
0xd: {  	[smem:$0x3FAF] =	sst s5  }
0xe: {  	[smem:$0x3FB0] =	sst s6  }
0xf: {  	[smem:$0x3FB1] =	sst s7  }
0x10: {  	[smem:$0x3FB2] =	sst s8  }
0x11: {  	[smem:$0x3FB3] =	sst s9;
	s0 =	simm.s32 @!p0 $0x0  }
0x12: {  	s1 =	sld [smem:$0x3F99];
	s0 =	simm.s32 @p0 $0x1  }
0x13: {  	[smem:$0x3FB4] =	sst s0;
	s0 =	simm.s32 @!p1 $0x0  }
0x14: {  	s2 =	sld [smem:$0x3F98];
	s0 =	simm.s32 @p1 $0x1  }
0x15: {  	[smem:$0x3FB5] =	sst s0;
	s0 =	simm.s32 @!p2 $0x0  }
0x16: {  	s3 =	sld [smem:$0x3FDB];
	s0 =	simm.s32 @p2 $0x1  }
0x17: {  	s4 =	simm.s32 $0x1BF5;
	[smem:$0x3FB7] =	sst s0  }
0x18: {  	s0 =	sld [smem:$0x3F9A];
	_ =	swait.ge [sflag:s4], $0x0  }
0x19: {  	s7 =	sld [smem:$0x3F9B]  }
0x1a: {  	s8 =	sadd.s32 $0xFFFFE003, lr  }
0x1b: {  	s9 =	sadd.s32 $0xFFFFFEF7, lr;
	s5 =	simm.s32 $0xFFFFFFFF;
	p2 =	slt.u32 s8, $0xFFFFF086  }
0x1c: {  	p1 =	slt.u32 s9, $0xF7A;
	s5 =	simm.s32 @!p2 $0x0  }
0x1d: {  	s5 =	simm.s32 @p1 $0x1;
	p0 =	seq.s32 s7, s2  }
0x1e: {  	s7 =	smul.u32 @!p0 $0xF7A, s2;
	p2 =	seq.s32 @!p0 s5, $0x0  }
0x1f: {  	s9 =	smul.u32 $0xF7A, s1;
	s8 =	simm.s32 @!p0 $0x1BF5;
	p2 =	por !p2, p0  }
0x20: {  	[sflag:s8] =	ssyncset.s32 @!p0 $0xFFFFF086;
	s6 =	sadd.s32 @!p0 s3, s7;
	s7 =	simm.s32 @!p0 $0x108  }
0x21: {  	s3 =	sadd.s32 s3, s9;
	s6 =	sadd.s32 @!p0 $0x88, s6;
	s7 =	simm.s32 @p2 $0x1082  }
0x22: {  	[simem:s7], [sflag:s8] =	dma.local @!p0 [hbm:s6], $0xF7A  }
0x23: {  	s9 =	sor.u32 $0xD0000000, s2;
	s6 =	simm.s32 $0x108;
	_ =	swait.ge @!p0 [sflag:s8], $0x0  }
0x24: {  	s3 =	sadd.s32 $0x88, s3;
	s6 =	simm.s32 @!p1 $0x1082;
	[sflag:s4] =	ssyncset.s32 $0xFFFFF086  }
0x25: {  	[simem:s6], [sflag:s4] =	dma.local [hbm:s3], $0xF7A  }
0x26: {  	[smem:$0x3F9B] =	sst s1;
	(tag) =	ssettag s2;
	_ =	strace s9  }
0x27: {  	s1 =	sld [smem:$0x3FAB]  }
0x28: {  	s2 =	sld [smem:$0x3FAC]  }
0x29: {  	s4 =	sld [smem:$0x3FAE]  }
0x2a: {  	p0 =	seq.s32 s5, $0x0;
	s5 =	sld [smem:$0x3FAF]  }
0x2b: {  	s6 =	sld [smem:$0x3FB0]  }
0x2c: {  	s7 =	sld [smem:$0x3FB1]  }
0x2d: {  	s3 =	simm.s32 $0x108;
	s8 =	sld [smem:$0x3FB2]  }
0x2e: {  	s3 =	simm.s32 @!p0 $0x1082;
	s9 =	sld [smem:$0x3FB3]  }
0x2f: {  	lr =	sadd.s32 s0, s3;
	s0 =	sld [smem:$0x3FAA]  }
0x30: {  	s3 =	sld [smem:$0x3FAD]  }
0x31: {  	[smem:$0x3FB6] =	sst s10  }
0x32: {  	s10 =	sld [smem:$0x3FB4];
	_ =	sdelay $0x3  }
0x33: {  	p0 =	seq.s32 s10, $0x1;
	s10 =	sld [smem:$0x3FB6];
	_ =	sdelay $0x3  }
0x34: {  	[smem:$0x3FB6] =	sst s10  }
0x35: {  	s10 =	sld [smem:$0x3FB5];
	_ =	sdelay $0x3  }
0x36: {  	p1 =	seq.s32 s10, $0x1;
	s10 =	sld [smem:$0x3FB6];
	_ =	sdelay $0x3  }
0x37: {  	[smem:$0x3FB6] =	sst s10  }
0x38: {  	s10 =	sld [smem:$0x3FB7]  }
0x39: {  	_ = 	snop;
	(pc) =	sbr.ind lr, $3  }
0x3a: {  	_ = 	snop  }
0x3b: {  	_ = 	snop  }
0x3c: {  	p2 =	seq.s32 s10, $0x1;
	s10 =	sld [smem:$0x3FB6]  }
0x3d: {  	_ =	shalt  }
0x3e: {  	_ =	shalt  }
0x3f: {  	_ =	shalt  }
0x40: {  	_ =	shalt  }
0x41: {  	_ =	shalt  }
0x42: {  	_ =	shalt  }
0x43: {  	_ =	shalt  }
0x44: {  	_ =	shalt  }
0x45: {  	_ =	shalt  }
0x46: {  	_ =	shalt  }
0x47: {  	_ =	shalt  }
0x48: {  	_ =	shalt  }
0x49: {  	_ =	shalt  }
0x4a: {  	_ =	shalt  }
0x4b: {  	_ =	shalt  }
0x4c: {  	_ =	shalt  }
0x4d: {  	_ =	shalt  }
0x4e: {  	_ =	shalt  }
0x4f: {  	_ =	shalt  }
0x50: {  	_ =	shalt  }
0x51: {  	_ =	shalt  }
0x52: {  	_ =	shalt  }
0x53: {  	_ =	shalt  }
0x54: {  	_ =	shalt  }
0x55: {  	_ =	shalt  }
0x56: {  	_ =	shalt  }
0x57: {  	_ =	shalt  }
0x58: {  	_ =	shalt  }
0x59: {  	_ =	shalt  }
0x5a: {  	_ =	shalt  }
0x5b: {  	_ =	shalt  }
0x5c: {  	_ =	shalt  }
0x5d: {  	_ =	shalt  }
0x5e: {  	_ =	shalt  }
0x5f: {  	_ =	shalt  }
0x60: {  	_ =	shalt  }
0x61: {  	_ =	shalt  }
0x62: {  	_ =	shalt  }
0x63: {  	_ =	shalt  }
0x64: {  	_ =	shalt  }
0x65: {  	_ =	shalt  }
0x66: {  	_ =	shalt  }
0x67: {  	_ =	shalt  }
0x68: {  	_ =	shalt  }
0x69: {  	_ =	shalt  }
0x6a: {  	_ =	shalt  }
0x6b: {  	_ =	shalt  }
0x6c: {  	_ =	shalt  }
0x6d: {  	_ =	shalt  }
0x6e: {  	_ =	shalt  }
0x6f: {  	_ =	shalt  }
0x70: {  	_ =	shalt  }
0x71: {  	_ =	shalt  }
0x72: {  	_ =	shalt  }
0x73: {  	_ =	shalt  }
0x74: {  	_ =	shalt  }
0x75: {  	_ =	shalt  }
0x76: {  	_ =	shalt  }
0x77: {  	_ =	shalt  }
0x78: {  	_ =	shalt  }
0x79: {  	_ =	shalt  }
0x7a: {  	_ =	shalt  }
0x7b: {  	_ =	shalt  }
0x7c: {  	_ =	shalt  }
0x7d: {  	_ =	shalt  }
0x7e: {  	_ =	shalt  }
0x7f: {  	_ =	shalt  }
0x80: {  	_ =	shalt  }
0x81: {  	_ =	shalt  }
0x82: {  	_ =	shalt  }
0x83: {  	_ =	shalt  }
0x84: {  	_ =	shalt  }
0x85: {  	_ =	shalt  }
0x86: {  	_ =	shalt  }
0x87: {  	_ =	shalt  }
.Lfunc_end0:
.L_simem_size_0:
called_computation.1_lowered:
.L_overlay_start_0:
0x88: {  	s2 =	sld [smem:$0x3FD9]  }
0x89: {  	s3 =	sld [smem:$0x3FFE];
	_ =	sdelay $0x1  }
0x8a: {  	s1 =	srdreg.scid  }
0x8b: {  	s0 =	sand.u32 $0x1, s1  }
0x8c: {  	s16 =	sshll.u32 s0, $0xA;
	s2 =	sadd.s32 s3, s2  }
0x8d: {  	s2 =	sadd.s32 s2, s16  }
0x8e: {  	[smem:$0x3FC2] =	sst s2  }
0x8f: {  	_ = 	snop  }
0x90: {  	(tm) =	ssettm $0x1  }
0x91: {  	s17 =	sld [smem:$0x3FFB];
	_ =	sdelay $0x3  }
0x92: {  	_ =	strace s17  }
0x93: {  	s2 =	sld [smem:$0x3FFC];
	_ =	sdelay $0x3  }
0x94: {  	_ =	strace s2  }
0x95: {  	s2 =	sld [smem:$0x3FFD];
	_ =	sdelay $0x3  }
0x96: {  	_ =	strace s2  }
0x97: {  	_ =	strace $0x8FFFFFFF  }
0x98: {  	s18 =	sld [smem:$0x3FDB];
	_ =	sdelay $0x1  }
0x99: {  	s19 =	simm.s32 $_scs_section_size  }
0x9a: {  	s4 =	simm.s32 $_size__tile_overlayer_lowered;
	s5 =	simm.s32 $_tile_overlayer_lowered  }
0x9b: {  	s22 =	simm.s32 $0x1BFF;
	s21 =	sshll.u32 s5, $0x1;
	s2 =	sadd.s32 s19, s18  }
0x9c: {  	s6 =	simm.s32 $0x0;
	s20 =	sshll.u32 s4, $0x1;
	s4 =	sadd.s32 s21, s2  }
0x9d: {  	[timem:s6], [sflag:s22] =	dma.local [hbm:s4], s20  }
0x9e: {  	_ =	swait.ge [sflag:s22], s20  }
0x9f: {  	s3 =	ssub.s32 $0x0, s20;
	[sflag:s22] =	ssyncset.done $0x0  }
0xa0: {  	[sflag:s22] =	ssyncadd.s32 s3;
	_ =	sdelay $0x1  }
0xa1: {  	s23 =	simm.s32 $0x1B8B  }
0xa2: {  	_ =	swait.ge [sflag:s23], $0x1  }
0xa3: {  	[sflag:s23] =	ssyncset.done $0x0  }
0xa4: {  	s25 =	simm.s32 $0x1B8E;
	s24 =	sld [smem:$0x3FFE];
	[sflag:s23] =	ssyncadd.s32 $0xFFFFFFFF  }
0xa5: {  	s26 =	simm.s32 $execute0_lowered;
	[smem:$0x3FD2] =	sst s25  }
0xa6: {  	s4 =	sshll.u32 s26, $0x1;
	_ =	strace $0x80000049;
	[dreg:$0x1] =	wrdreg $0xFFFFFFFF  }
0xa7: {  	s28 =	simm.s32 $_size_execute0_lowered;
	s2 =	sadd.s32 s2, s4;
	[dreg:$0x0] =	wrdreg $0x0  }
0xa8: {  	s4 =	sshll.u32 s28, $0x1;
	[dreg:$0x2] =	wrdreg s2  }
0xa9: {  	[dreg:$0x3] =	wrdreg s4  }
0xaa: {  	[dreg:$0x4] =	wrdreg $0xC0  }
0xab: {  	_ =	task [dreg:s6], $0x5FFFF  }
0xac: {  	[dreg:$0x1] =	wrdreg $0xFFFFFFFF  }
0xad: {  	[dreg:$0x0] =	wrdreg $0x60  }
0xae: {  	[dreg:$0x2] =	wrdreg s24  }
0xaf: {  	[dreg:$0x3] =	wrdreg $0x0  }
0xb0: {  	[dreg:$0x4] =	wrdreg $0x9C400  }
0xb1: {  	[dreg:$0x5] =	wrdreg $0x9  }
0xb2: {  	_ =	task.clear_ibuf [dreg:s6], $0x6FFFF;
	_ =	strace $0x90000049  }
0xb3: {  	s29 =	simm.s32 $0x9;
	_ =	strace $0x8000004B  }
0xb4: {  	_ =	swait.ge [sflag:s29], $0x1  }
0xb5: {  	[sflag:s29] =	ssyncadd.s32 $0xFFFFFFFF  }
0xb6: {  	_ =	strace $0x9000004B  }
0xb7: {  	_ =	sfence  }
0xb8: {  	s30 =	sld [smem:$0x0];
	_ =	sdelay $0x2  }
0xb9: {  	s31 =	sshll.u32 s1, $0xD;
	s1 =	sshrl.u32 s1, $0x2  }
0xba: {  	s3 =	sand.u32 $0x4000, s31;
	s1 =	sadd.s32 s1, s30  }
0xbb: {  	s0 =	sor.u32 s3, s0;
	s1 =	sshll.u32 s1, $0x11  }
0xbc: {  	s0 =	sor.u32 s1, s0  }
0xbd: {  	s0 =	sadd.s32 $0x8F2B, s0  }
0xbe: {  	[sflag:s0] =	ssyncadd.remote.s32 $0x1  }
0xbf: {  	_ =	sfence.sel $0xFFFF  }
0xc0: {  	[dreg:$0x0] =	wrdreg $0xFFFFFFFF;
	(pc) =	sbr.abs _section_cstart, $3  }
0xc1: {  	[dreg:$0x1] =	wrdreg $0xFFFFFFFF  }
0xc2: {  	_ =	task.clear_ibuf [dreg:s6], $0x2FFFF;
	_ =	strace $0x9FFFFFFF  }
0xc3: {  	(tm) =	ssettm $0x7FFFFFFF  }
tec
execute0_lowered:
.L_overlay_start_1:
0x0: {  	(tag) =	ssettag $0x1  }
0x1: {  	s0 =	rddreg [dreg:$0x0]  }
0x2: {  	s1 =	rddreg [dreg:$0x1]  }
0x3: {  	s3 =	rddreg [dreg:$0x2]  }
0x4: {  	s2 =	simm.s32 $0x0;
	s15 =	stileid.u32;
	s5 =	srdreg.scid  }
0x5: {  	s28 =	simm.s32 $0x18980;
	s29 =	simm.s32 $0x1A980;
	s30 =	simm.s32 $0x0  }
0x6: {  	[smem:$0x7FF] =	sst s2;
	s19 =	smul.u32 $0xA00, s15;
	s4 =	sadd.s32 $0x15000, s0  }
0x7: {  	s7 =	sadd.s32 $0x1400, s0;
	s9 =	sand.u32 $0x1, s5;
	s20 =	smul.u32 $0x13800, s15  }
0x8: {  	s10 =	sadd.s32 $0x3C200, s0;
	s21 =	smul.u32 $0x9C00, s15;
	s22 =	sshll.u32 s15, $0x6  }
0x9: {  	s23 =	smul.u32 $0x5000, s15;
	s24 =	sadd.s32 $0x9C000, s3;
	p0 =	sne.s32 s15, $0xF  }
0xa: {  	_ =	strace $0x8000004A;
	s6 =	ssub.s32 $0x2, s9;
	s11 =	sshll.u32 s9, $0x6  }
0xb: {  	s13 =	sshll.u32 s9, $0x3;
	[dreg:$0x7] =	wrdreg s24;
	s24 =	simm.s32 $0x13880  }
0xc: {  	s8 =	sadd.s32 s19, s0;
	s12 =	sshrl.u32 s6, $0x1;
	s5 =	sor.u32 s11, s20  }
0xd: {  	s18 =	sadd.s32 s21, s1;
	s11 =	sadd.s32 s21, s3;
	s25 =	sshrl.u32 s23, $0x3  }
0xe: {  	s0 =	sadd.s32 $0x14800, s0;
	s26 =	sadd.s32 s13, s10;
	s17 =	sadd.s32 s19, s7  }
0xf: {  	s19 =	simm.s32 $0x1;
	s20 =	simm.s32 $0x8;
	s21 =	simm.s32 $0x10  }
0x10: {  	s16 =	ssub.s32 s6, s12;
	s14 =	sshrl.u32 s5, $0x3;
	[dreg:$0x5] =	wrdreg s11  }
0x11: {  	s6 =	sor.u32 $0x1C04, s22;
	s8 =	sadd.s32 $0xB200, s8;
	[dreg:$0x8] =	wrdreg s0  }
0x12: {  	s12 =	sadd.s32 s7, s25;
	s0 =	sadd.s32 $0x27000, s26;
	s18 =	sshrl.u32 s18, $0x3  }
0x13: {  	s22 =	simm.s32 $0x4;
	s25 =	simm.s32 $0x13900;
	s26 =	simm.s32 $0x80  }
0x14: {  	s5 =	sadd.s32 s4, s14;
	[dreg:$0x6] =	wrdreg s8;
	s8 =	sadd.s32 $0x9C000, s1  }
0x15: {  	s4 =	sadd.s32 s13, s4;
	s31 =	sadd.s32 s10, s14;
	[dreg:$0xb] =	wrdreg s0  }
0x16: {  	s9 =	sadd.s32 $0x27000, s4;
	s4 =	sadd.s32 $0x10, s12;
	[dreg:$0xa] =	wrdreg s31  }
0x17: {  	s16 =	smax.u32 s16, $0x1;
	s23 =	sshrl.u32 @!p0 s8, $0x3;
	[dreg:$0x9] =	wrdreg s4  }
.LBB2_1:
0x18: {  	[spmem:s18@s20], [sflag:s6] =	dma.strided [hbm:s5@s21], $0x1380, s19, $0x8   }
0x19: {  	_ =	swait.ge [sflag:s22], $0x1380  }
0x1a: {  	[sflag:s22] =	ssyncset.done $0x0;
	s0 =	rddreg [dreg:$0x5]  }
0x1b: {  	[sflag:s22] =	ssyncadd.s32 $0xFFFFEC80;
	s31 =	sshrl.u32 s0, $0x3  }
0x1c: {  	[spmem:s31@s20], [sflag:s6] =	dma.strided [hbm:s5@s21], $0x1380, s19, $0x8   }
0x1d: {  	_ =	swait.ge [sflag:s22], $0x1380  }
0x1e: {  	s2 =	simm.s32 @p0 $0x13980;
	[sflag:s22] =	ssyncset.done $0x0  }
0x1f: {  	s0 =	simm.s32 @p0 $0x0;
	s4 =	rddreg [dreg:$0x6];
	[sflag:s22] =	ssyncadd.s32 $0xFFFFEC80  }
0x20: {  	[tilespmem:s2], [sflag:$0x4] =	stream.linear.gather @p0 [hbm4b:s4+s0], $0x5000, $0x38;
	[tilespmem:$0x1C980] =	vst v63  }
0x21: {  	s0 =	simm.s32 @p0 $0x4  }
0x22: {  	_ =	swait.ge @p0 [sflag:s0], $0x5000  }
0x23: {  	s7 =	simm.s32 @!p0 $0x10;
	s8 =	simm.s32 @!p0 $0x4;
	[sflag:s0] =	ssyncset.done @p0 $0x0  }
0x24: {  	s2 =	simm.s32 @!p0 $0x1;
	s4 =	simm.s32 @!p0 $0x8;
	[sflag:s0] =	ssyncadd.s32 @p0 $0xFFFFB000  }
0x25: {  	[spmem:s23@s4], [sflag:s6] =	dma.strided @!p0 [hbm:s9@s7], $0x80, s2, $0x8   }
0x26: {  	_ =	swait.ge @!p0 [sflag:s8], $0x80  }
0x27: {  	[sflag:s8] =	ssyncset.done @!p0 $0x0;
	s0 =	rddreg [dreg:$0x7]  }
0x28: {  	[sflag:s8] =	ssyncadd.s32 @!p0 $0xFFFFFF80;
	s0 =	sshrl.u32 @!p0 s0, $0x3  }
0x29: {  	[spmem:s0@s4], [sflag:s6] =	dma.strided @!p0 [hbm:s9@s7], $0x80, s2, $0x8   }
0x2a: {  	_ =	swait.ge @!p0 [sflag:s8], $0x80  }
0x2b: {  	s2 =	simm.s32 @!p0 $0x0;
	[sflag:s8] =	ssyncset.done @!p0 $0x0  }
0x2c: {  	s4 =	simm.s32 @!p0 $0x13980;
	s7 =	rddreg [dreg:$0x8];
	[sflag:s8] =	ssyncadd.s32 @!p0 $0xFFFFFF80  }
0x2d: {  	[tilespmem:s4], [sflag:$0x4] =	stream.linear.gather @!p0 [hbm4b:s7+s2], $0x3200, $0x38;
	[tilespmem:$0x1C980] =	vst v63  }
0x2e: {  	_ =	swait.ge @!p0 [sflag:s8], $0x3200  }
0x2f: {  	[sflag:s8] =	ssyncset.done @!p0 $0x0  }
0x30: {  	[sflag:s8] =	ssyncadd.s32 @!p0 $0xFFFFCE00  }
0x31: {  	s13 =	simm.s32 $0x0;
	[bflag:$0x0] =	sbarrier.arrive $0xFFFF  }
0x32: {  	[tilespmem:s24], [sflag:$0x4] =	stream.linear.gather [hbm4b:s12+s13], $0x80, $0x38;
	[tilespmem:$0x1C980] =	vst v63  }
0x33: {  	_ =	swait.ge [sflag:s22], $0x80  }
0x34: {  	[sflag:s22] =	ssyncset.done $0x0  }
0x35: {  	s14 =	rddreg [dreg:$0x9];
	[sflag:s22] =	ssyncadd.s32 $0xFFFFFF80  }
0x36: {  	[tilespmem:s25], [sflag:$0x4] =	stream.linear.gather [hbm4b:s14+s13], $0x80, $0x38;
	[tilespmem:$0x1C980] =	vst v63  }
0x37: {  	s2 =	simm.s32 @!p0 $0x64;
	_ =	swait.ge [sflag:s22], $0x80  }
0x38: {  	s2 =	simm.s32 @p0 $0xA0;
	[sflag:s22] =	ssyncset.done $0x0  }
0x39: {  	s15 =	sshll.u32 s2, $0x4;
	[sflag:s22] =	ssyncadd.s32 $0xFFFFFF80  }
0x3a: {  	[tilespmem:s28], [sflag:$0x1] =	stream.indirect.gather [spmem:s1], $0x40, s24, s26, $0xb8;
	[tilespmem:$0x1C980] =	vst v63  }
0x3b: {  	s10 =	simm.s32 $0x13A00;
	s4 =	sand.u32 $0xFE0, s15;
	_ =	swait.ge [sflag:s19], $0x2000  }
0x3c: {  	s7 =	simm.s32 $0x0;
	s4 =	sadd.s32 $0xFFFFFFE0, s4;
	[sflag:s19] =	ssyncset.done $0x0  }
0x3d: {  	[dreg:$0x4] =	wrdreg s4;
	s4 =	simm.s32 $0x3;
	[sflag:s19] =	ssyncadd.s32 $0xFFFFE000  }
.LBB2_2:
0x3e: {  	[tilespmem:s29], [sflag:$0x1] =	stream.indirect.gather [spmem:s1], $0x40, s25, s26, $0xb8;
	[tilespmem:$0x1C980] =	vst v63  }
0x3f: {  	s14 =	sadd.s32 $0xFFFFFFFF, s4  }
0x40: {  	s13 =	sadd.s32 $0xFFFFFF80, s10;
	p1 =	sge.u32 s14, s2  }
0x41: {  	[spmem:s3] =	stream.indirect.scatter.add.f32 [tilespmem:s28], [sflag:$0x3], $0x40, s13, s26, $0xb8;
	[tilespmem:$0x1C980] =	vst v63  }
0x42: {  	s8 =	smov.u32 s10;
	s10 =	simm.s32 @p1 $0x1  }
0x43: {  	_ =	swait.ge @p1 [sflag:s10], $0x2000  }
0x44: {  	[sflag:s10] =	ssyncset.done @p1 $0x0  }
0x45: {  	[sflag:s10] =	ssyncadd.s32 @p1 $0xFFFFE000;
	s10 =	simm.s32 @p1 $0x3  }
0x46: {  	_ =	swait.ge @p1 [sflag:s10], $0x2000  }
0x47: {  	[sflag:s10] =	ssyncset.done @p1 $0x0  }
0x48: {  	s11 =	simm.s32 @p1 $0x1A980;
	[sflag:s10] =	ssyncadd.s32 @p1 $0xFFFFE000;
	s10 =	simm.s32 @p1 $0x80  }
0x49: {  	[spmem:s3] =	stream.indirect.scatter.add.f32 @p1 [tilespmem:s11], [sflag:$0x4], $0x40, s8, s10, $0xb8;
	[tilespmem:$0x1C980] =	vst v63  }
0x4a: {  	s10 =	sadd.s32 @!p1 s7, s17  }
0x4b: {  	s13 =	simm.s32 @!p1 $0x13880;
	s11 =	simm.s32 @!p1 $0x0;
	s10 =	sadd.s32 @!p1 $0x20, s10  }
0x4c: {  	[tilespmem:s13], [sflag:$0x2] =	stream.linear.gather @!p1 [hbm4b:s10+s11], $0x80, $0x38;
	[tilespmem:$0x1C980] =	vst v63  }
0x4d: {  	s10 =	simm.s32 @!p1 $0x1  }
0x4e: {  	_ =	swait.ge @!p1 [sflag:s10], $0x2000  }
0x4f: {  	[sflag:s10] =	ssyncset.done @!p1 $0x0  }
0x50: {  	s11 =	simm.s32 @!p1 $0x2;
	[sflag:s10] =	ssyncadd.s32 @!p1 $0xFFFFE000  }
0x51: {  	_ =	swait.ge @!p1 [sflag:s11], $0x80  }
0x52: {  	[sflag:s11] =	ssyncset.done @!p1 $0x0  }
0x53: {  	[sflag:s11] =	ssyncadd.s32 @!p1 $0xFFFFFF80;
	s11 =	simm.s32 @!p1 $0x3  }
0x54: {  	_ =	swait.ge @!p1 [sflag:s11], $0x2000  }
0x55: {  	s14 =	simm.s32 @!p1 $0x80;
	[sflag:s11] =	ssyncset.done @!p1 $0x0  }
0x56: {  	s15 =	simm.s32 @!p1 $0x18980;
	p2 =	sge.u32 @!p1 s4, s2;
	[sflag:s11] =	ssyncadd.s32 @!p1 $0xFFFFE000  }
0x57: {  	[tilespmem:s15], [sflag:$0x1] =	stream.indirect.gather @!p1 [spmem:s1], $0x40, s13, s14, $0xb8;
	[tilespmem:$0x1C980] =	vst v63  }
0x58: {  	p2 =	por p2, p1;
	s13 =	simm.s32 @!p1 $0x1A980  }
0x59: {  	[spmem:s3] =	stream.indirect.scatter.add.f32 @!p1 [tilespmem:s13], [sflag:$0x3], $0x40, s8, s14, $0xb8;
	[tilespmem:$0x1C980] =	vst v63  }
0x5a: {  	s13 =	sadd.s32 @!p2 s7, s17  }
0x5b: {  	s15 =	simm.s32 @!p2 $0x13900;
	s14 =	simm.s32 @!p2 $0x0;
	s13 =	sadd.s32 @!p2 $0x30, s13  }
0x5c: {  	[tilespmem:s15], [sflag:$0x2] =	stream.linear.gather @!p2 [hbm4b:s13+s14], $0x80, $0x38;
	[tilespmem:$0x1C980] =	vst v63  }
0x5d: {  	s13 =	simm.s32 @!p2 $0x2  }
0x5e: {  	_ =	swait.ge @!p2 [sflag:s13], $0x80  }
0x5f: {  	[sflag:s13] =	ssyncset.done @!p2 $0x0  }
0x60: {  	[sflag:s13] =	ssyncadd.s32 @!p2 $0xFFFFFF80  }
0x61: {  	_ =	swait.ge @!p1 [sflag:s10], $0x2000  }
0x62: {  	[sflag:s10] =	ssyncset.done @!p1 $0x0  }
0x63: {  	s11 =	simm.s32 @p1 $0x4;
	[sflag:s10] =	ssyncadd.s32 @!p1 $0xFFFFE000  }
0x64: {  	_ =	swait.ge [sflag:s11], $0x2000  }
0x65: {  	s7 =	sadd.s32 $0x20, s7;
	s15 =	rddreg [dreg:$0x4]  }
0x66: {  	p1 =	sne.s32 s15, s7  }
.Ltmp0:
0x67: {  	_ = 	snop;
	(pc) =	sbr.rel @p1 .LBB2_2-.Ltmp0, $3  }
0x68: {  	_ =	sdelay $0x1  }
0x69: {  	[sflag:s11] =	ssyncset.done $0x0  }
0x6a: {  	s4 =	sadd.s32 $0x2, s4;
	s10 =	sadd.s32 $0x100, s8;
	[sflag:s11] =	ssyncadd.s32 $0xFFFFE000  }
0x6b: {  	[tilespmem:s29], [sflag:$0x1] =	stream.indirect.gather [spmem:s1], $0x40, s25, s26, $0xb8;
	[tilespmem:$0x1C980] =	vst v63  }
0x6c: {  	s14 =	sadd.s32 $0xFFFFFFFF, s4  }
0x6d: {  	s8 =	sadd.s32 $0x80, s8;
	p1 =	slt.u32 s14, s2  }
0x6e: {  	[spmem:s3] =	stream.indirect.scatter.add.f32 [tilespmem:s28], [sflag:$0x3], $0x40, s8, s26, $0xb8;
	[tilespmem:$0x1C980] =	vst v63  }
0x6f: {  	s8 =	sadd.s32 @p1 s7, s17  }
0x70: {  	s11 =	simm.s32 @p1 $0x0;
	s13 =	simm.s32 @p1 $0x13880;
	s8 =	sadd.s32 @p1 $0x20, s8  }
0x71: {  	[tilespmem:s13], [sflag:$0x2] =	stream.linear.gather @p1 [hbm4b:s8+s11], $0x80, $0x38;
	[tilespmem:$0x1C980] =	vst v63  }
0x72: {  	s8 =	simm.s32 @p1 $0x1  }
0x73: {  	_ =	swait.ge @p1 [sflag:s8], $0x2000  }
0x74: {  	[sflag:s8] =	ssyncset.done @p1 $0x0  }
0x75: {  	s11 =	simm.s32 @p1 $0x2;
	[sflag:s8] =	ssyncadd.s32 @p1 $0xFFFFE000  }
0x76: {  	_ =	swait.ge @p1 [sflag:s11], $0x80  }
0x77: {  	[sflag:s11] =	ssyncset.done @p1 $0x0  }
0x78: {  	[sflag:s11] =	ssyncadd.s32 @p1 $0xFFFFFF80;
	s11 =	simm.s32 @p1 $0x3  }
0x79: {  	_ =	swait.ge @p1 [sflag:s11], $0x2000  }
0x7a: {  	s14 =	simm.s32 @p1 $0x18980;
	p2 =	sge.u32 @p1 s4, s2;
	[sflag:s11] =	ssyncset.done @p1 $0x0  }
0x7b: {  	p2 =	por p2, !p1;
	[sflag:s11] =	ssyncadd.s32 @p1 $0xFFFFE000;
	s11 =	simm.s32 @p1 $0x80  }
0x7c: {  	[tilespmem:s14], [sflag:$0x1] =	stream.indirect.gather @p1 [spmem:s1], $0x40, s13, s11, $0xb8;
	[tilespmem:$0x1C980] =	vst v63  }
0x7d: {  	s2 =	sadd.s32 @!p2 s7, s17;
	s13 =	simm.s32 @p1 $0x1A980  }
0x7e: {  	[spmem:s3] =	stream.indirect.scatter.add.f32 @p1 [tilespmem:s13], [sflag:$0x3], $0x40, s10, s11, $0xb8;
	[tilespmem:$0x1C980] =	vst v63  }
0x7f: {  	s4 =	simm.s32 @!p2 $0x0;
	s7 =	simm.s32 @!p2 $0x13900;
	s2 =	sadd.s32 @!p2 $0x30, s2  }
0x80: {  	[tilespmem:s7], [sflag:$0x2] =	stream.linear.gather @!p2 [hbm4b:s2+s4], $0x80, $0x38;
	[tilespmem:$0x1C980] =	vst v63  }
0x81: {  	s2 =	simm.s32 @!p2 $0x2  }
0x82: {  	_ =	swait.ge @!p2 [sflag:s2], $0x80  }
0x83: {  	[sflag:s2] =	ssyncset.done @!p2 $0x0  }
0x84: {  	[sflag:s2] =	ssyncadd.s32 @!p2 $0xFFFFFF80  }
0x85: {  	_ =	swait.ge @p1 [sflag:s8], $0x2000  }
0x86: {  	[sflag:s8] =	ssyncset.done @p1 $0x0  }
0x87: {  	s2 =	simm.s32 @!p1 $0x1;
	[sflag:s8] =	ssyncadd.s32 @p1 $0xFFFFE000  }
0x88: {  	_ =	swait.ge @!p1 [sflag:s2], $0x2000  }
0x89: {  	[sflag:s2] =	ssyncset.done @!p1 $0x0  }
0x8a: {  	[sflag:s2] =	ssyncadd.s32 @!p1 $0xFFFFE000;
	s2 =	simm.s32 @!p1 $0x3  }
0x8b: {  	_ =	swait.ge @!p1 [sflag:s2], $0x2000  }
0x8c: {  	[sflag:s2] =	ssyncset.done @!p1 $0x0  }
0x8d: {  	s4 =	simm.s32 @!p1 $0x1A980;
	[sflag:s2] =	ssyncadd.s32 @!p1 $0xFFFFE000;
	s2 =	simm.s32 @!p1 $0x80  }
0x8e: {  	[spmem:s3] =	stream.indirect.scatter.add.f32 @!p1 [tilespmem:s4], [sflag:$0x4], $0x40, s10, s2, $0xb8;
	[tilespmem:$0x1C980] =	vst v63  }
0x8f: {  	s2 =	simm.s32 @!p1 $0x4  }
0x90: {  	s2 =	simm.s32 @p1 $0x3  }
0x91: {  	_ =	swait.ge [sflag:s2], $0x2000  }
0x92: {  	[sflag:s2] =	ssyncset.done $0x0  }
0x93: {  	[sflag:s2] =	ssyncadd.s32 $0xFFFFE000  }
0x94: {  	[bflag:$0x0] =	sbarrier.arrive $0xFFFF  }
0x95: {  	s15 =	rddreg [dreg:$0xa]  }
0x96: {  	[hbm:s15@s21], [sflag:s6] =	dma.strided [spmem:s31@s20], $0x1380, s19, $0x8   }
0x97: {  	s30 =	sadd.s32 $0x1, s30;
	s7 =	simm.s32 @!p0 $0x8;
	_ =	swait.ge [sflag:s22], $0x1380  }
0x98: {  	s4 =	simm.s32 @!p0 $0x10;
	p1 =	sne.s32 s30, s16;
	[sflag:s22] =	ssyncset.done $0x0  }
0x99: {  	s2 =	simm.s32 @!p0 $0x1;
	s8 =	rddreg [dreg:$0xb];
	[sflag:s22] =	ssyncadd.s32 $0xFFFFEC80  }
0x9a: {  	[hbm:s8@s4], [sflag:s6] =	dma.strided @!p0 [spmem:s0@s7], $0x80, s2, $0x8   }
.Ltmp1:
0x9b: {  	_ = 	snop;
	(pc) =	sbr.rel @p1 .LBB2_1-.Ltmp1, $4  }
0x9c: {  	s0 =	simm.s32 @!p0 $0x4  }
0x9d: {  	_ =	swait.ge @!p0 [sflag:s0], $0x80  }
0x9e: {  	[sflag:s0] =	ssyncset.done @!p0 $0x0  }
0x9f: {  	[sflag:s0] =	ssyncadd.s32 @!p0 $0xFFFFFF80  }
0xa0: {  	_ =	sfence.sel $0x180000  }
0xa1: {  	[bflag:$0x0] =	sbarrier.arrive $0xFFFF  }
0xa2: {  	_ =	strace $0x9000004A  }
0xa3: {  	s0 =	stileid.u32;
	[bflag:$0x2] =	sbarrier.arrive $0xFFFF  }
0xa4: {  	p0 =	sne.s32 s0, $0x0;
	s0 =	rddreg [dreg:$0x3]  }
0xa5: {  	s0 =	sadd.s32 @!p0 $0x100000, s0  }
0xa6: {  	[sflag:s0] =	ssyncadd.tile.s32 @!p0 $0x1;
	_ =	shalt  }
.Lfunc_end2:
_tile_overlayer_lowered:
.L_overlay_start_2:
0xa7: {  	(tag) =	ssettag $0x2  }
0xa8: {  	s0 =	rddreg [dreg:$0x0];
	s2 =	stileid.u32  }
0xa9: {  	s1 =	rddreg [dreg:$0x1];
	p0 =	sne.s32 s2, $0x0  }
0xaa: {  	s3 =	rddreg [dreg:$0x2];
	[bflag:$0x3] =	sbarrier.arrive $0xFFFF;
	s2 =	simm.s32 @!p0 $0x1C04  }
0xab: {  	[timem:s3], [sflag:s2] =	dma.local @!p0 [hbm:s0], s1  }
0xac: {  	s0 =	simm.s32 @!p0 $0x4  }
0xad: {  	_ =	swait.ge @!p0 [sflag:s0], s1  }
0xae: {  	s1 =	ssub.s32 @!p0 $0x0, s1;
	[sflag:s0] =	ssyncset.done @!p0 $0x0  }
0xaf: {  	[sflag:s0] =	ssyncadd.s32 @!p0 s1  }
0xb0: {  	[bflag:$0x3] =	sbarrier.arrive $0xFFFF  }
0xb1: {  	_ =	shalt  }

// kernel: kernel.14.cloned.1.call-start
scs
__scs_entry_jumppad:
0x0: {  	(pc) =	sbr.rel $0x88, $3  }
0x1: {  	(tag) =	ssettag $0x0;
	lr =	simm.s32 $0x1  }
0x2: {  	[smem:$0x3F9B] =	sst lr;
	_ =	strace $0xD0000000  }
0x3: {  	_ = 	snop  }
0x4: {  	_ = 	snop  }
0x5: {  	_ = 	snop  }
0x6: {  	_ = 	snop  }
0x7: {  	_ = 	snop  }
__scs_overlays_trampoline_lowered:
0x8: {  	[smem:$0x3FAA] =	sst s0  }
0x9: {  	[smem:$0x3FAB] =	sst s1  }
0xa: {  	[smem:$0x3FAC] =	sst s2  }
0xb: {  	[smem:$0x3FAD] =	sst s3  }
0xc: {  	[smem:$0x3FAE] =	sst s4  }
0xd: {  	[smem:$0x3FAF] =	sst s5  }
0xe: {  	[smem:$0x3FB0] =	sst s6  }
0xf: {  	[smem:$0x3FB1] =	sst s7  }
0x10: {  	[smem:$0x3FB2] =	sst s8  }
0x11: {  	[smem:$0x3FB3] =	sst s9;
	s0 =	simm.s32 @!p0 $0x0  }
0x12: {  	s1 =	sld [smem:$0x3F99];
	s0 =	simm.s32 @p0 $0x1  }
0x13: {  	[smem:$0x3FB4] =	sst s0;
	s0 =	simm.s32 @!p1 $0x0  }
0x14: {  	s2 =	sld [smem:$0x3F98];
	s0 =	simm.s32 @p1 $0x1  }
0x15: {  	[smem:$0x3FB5] =	sst s0;
	s0 =	simm.s32 @!p2 $0x0  }
0x16: {  	s3 =	sld [smem:$0x3FDB];
	s0 =	simm.s32 @p2 $0x1  }
0x17: {  	s4 =	simm.s32 $0x1BF5;
	[smem:$0x3FB7] =	sst s0  }
0x18: {  	s0 =	sld [smem:$0x3F9A];
	_ =	swait.ge [sflag:s4], $0x0  }
0x19: {  	s7 =	sld [smem:$0x3F9B]  }
0x1a: {  	s8 =	sadd.s32 $0xFFFFE003, lr  }
0x1b: {  	s9 =	sadd.s32 $0xFFFFFEF7, lr;
	s5 =	simm.s32 $0xFFFFFFFF;
	p2 =	slt.u32 s8, $0xFFFFF086  }
0x1c: {  	p1 =	slt.u32 s9, $0xF7A;
	s5 =	simm.s32 @!p2 $0x0  }
0x1d: {  	s5 =	simm.s32 @p1 $0x1;
	p0 =	seq.s32 s7, s2  }
0x1e: {  	s7 =	smul.u32 @!p0 $0xF7A, s2;
	p2 =	seq.s32 @!p0 s5, $0x0  }
0x1f: {  	s9 =	smul.u32 $0xF7A, s1;
	s8 =	simm.s32 @!p0 $0x1BF5;
	p2 =	por !p2, p0  }
0x20: {  	[sflag:s8] =	ssyncset.s32 @!p0 $0xFFFFF086;
	s6 =	sadd.s32 @!p0 s3, s7;
	s7 =	simm.s32 @!p0 $0x108  }
0x21: {  	s3 =	sadd.s32 s3, s9;
	s6 =	sadd.s32 @!p0 $0x88, s6;
	s7 =	simm.s32 @p2 $0x1082  }
0x22: {  	[simem:s7], [sflag:s8] =	dma.local @!p0 [hbm:s6], $0xF7A  }
0x23: {  	s9 =	sor.u32 $0xD0000000, s2;
	s6 =	simm.s32 $0x108;
	_ =	swait.ge @!p0 [sflag:s8], $0x0  }
0x24: {  	s3 =	sadd.s32 $0x88, s3;
	s6 =	simm.s32 @!p1 $0x1082;
	[sflag:s4] =	ssyncset.s32 $0xFFFFF086  }
0x25: {  	[simem:s6], [sflag:s4] =	dma.local [hbm:s3], $0xF7A  }
0x26: {  	[smem:$0x3F9B] =	sst s1;
	(tag) =	ssettag s2;
	_ =	strace s9  }
0x27: {  	s1 =	sld [smem:$0x3FAB]  }
0x28: {  	s2 =	sld [smem:$0x3FAC]  }
0x29: {  	s4 =	sld [smem:$0x3FAE]  }
0x2a: {  	p0 =	seq.s32 s5, $0x0;
	s5 =	sld [smem:$0x3FAF]  }
0x2b: {  	s6 =	sld [smem:$0x3FB0]  }
0x2c: {  	s7 =	sld [smem:$0x3FB1]  }
0x2d: {  	s3 =	simm.s32 $0x108;
	s8 =	sld [smem:$0x3FB2]  }
0x2e: {  	s3 =	simm.s32 @!p0 $0x1082;
	s9 =	sld [smem:$0x3FB3]  }
0x2f: {  	lr =	sadd.s32 s0, s3;
	s0 =	sld [smem:$0x3FAA]  }
0x30: {  	s3 =	sld [smem:$0x3FAD]  }
0x31: {  	[smem:$0x3FB6] =	sst s10  }
0x32: {  	s10 =	sld [smem:$0x3FB4];
	_ =	sdelay $0x3  }
0x33: {  	p0 =	seq.s32 s10, $0x1;
	s10 =	sld [smem:$0x3FB6];
	_ =	sdelay $0x3  }
0x34: {  	[smem:$0x3FB6] =	sst s10  }
0x35: {  	s10 =	sld [smem:$0x3FB5];
	_ =	sdelay $0x3  }
0x36: {  	p1 =	seq.s32 s10, $0x1;
	s10 =	sld [smem:$0x3FB6];
	_ =	sdelay $0x3  }
0x37: {  	[smem:$0x3FB6] =	sst s10  }
0x38: {  	s10 =	sld [smem:$0x3FB7]  }
0x39: {  	_ = 	snop;
	(pc) =	sbr.ind lr, $3  }
0x3a: {  	_ = 	snop  }
0x3b: {  	_ = 	snop  }
0x3c: {  	p2 =	seq.s32 s10, $0x1;
	s10 =	sld [smem:$0x3FB6]  }
0x3d: {  	_ =	shalt  }
0x3e: {  	_ =	shalt  }
0x3f: {  	_ =	shalt  }
0x40: {  	_ =	shalt  }
0x41: {  	_ =	shalt  }
0x42: {  	_ =	shalt  }
0x43: {  	_ =	shalt  }
0x44: {  	_ =	shalt  }
0x45: {  	_ =	shalt  }
0x46: {  	_ =	shalt  }
0x47: {  	_ =	shalt  }
0x48: {  	_ =	shalt  }
0x49: {  	_ =	shalt  }
0x4a: {  	_ =	shalt  }
0x4b: {  	_ =	shalt  }
0x4c: {  	_ =	shalt  }
0x4d: {  	_ =	shalt  }
0x4e: {  	_ =	shalt  }
0x4f: {  	_ =	shalt  }
0x50: {  	_ =	shalt  }
0x51: {  	_ =	shalt  }
0x52: {  	_ =	shalt  }
0x53: {  	_ =	shalt  }
0x54: {  	_ =	shalt  }
0x55: {  	_ =	shalt  }
0x56: {  	_ =	shalt  }
0x57: {  	_ =	shalt  }
0x58: {  	_ =	shalt  }
0x59: {  	_ =	shalt  }
0x5a: {  	_ =	shalt  }
0x5b: {  	_ =	shalt  }
0x5c: {  	_ =	shalt  }
0x5d: {  	_ =	shalt  }
0x5e: {  	_ =	shalt  }
0x5f: {  	_ =	shalt  }
0x60: {  	_ =	shalt  }
0x61: {  	_ =	shalt  }
0x62: {  	_ =	shalt  }
0x63: {  	_ =	shalt  }
0x64: {  	_ =	shalt  }
0x65: {  	_ =	shalt  }
0x66: {  	_ =	shalt  }
0x67: {  	_ =	shalt  }
0x68: {  	_ =	shalt  }
0x69: {  	_ =	shalt  }
0x6a: {  	_ =	shalt  }
0x6b: {  	_ =	shalt  }
0x6c: {  	_ =	shalt  }
0x6d: {  	_ =	shalt  }
0x6e: {  	_ =	shalt  }
0x6f: {  	_ =	shalt  }
0x70: {  	_ =	shalt  }
0x71: {  	_ =	shalt  }
0x72: {  	_ =	shalt  }
0x73: {  	_ =	shalt  }
0x74: {  	_ =	shalt  }
0x75: {  	_ =	shalt  }
0x76: {  	_ =	shalt  }
0x77: {  	_ =	shalt  }
0x78: {  	_ =	shalt  }
0x79: {  	_ =	shalt  }
0x7a: {  	_ =	shalt  }
0x7b: {  	_ =	shalt  }
0x7c: {  	_ =	shalt  }
0x7d: {  	_ =	shalt  }
0x7e: {  	_ =	shalt  }
0x7f: {  	_ =	shalt  }
0x80: {  	_ =	shalt  }
0x81: {  	_ =	shalt  }
0x82: {  	_ =	shalt  }
0x83: {  	_ =	shalt  }
0x84: {  	_ =	shalt  }
0x85: {  	_ =	shalt  }
0x86: {  	_ =	shalt  }
0x87: {  	_ =	shalt  }
.Lfunc_end0:
.L_simem_size_0:
called_computation.2_lowered:
.L_overlay_start_0:
0x88: {  	s2 =	sld [smem:$0x3FD9]  }
0x89: {  	s3 =	sld [smem:$0x3FFE];
	_ =	sdelay $0x1  }
0x8a: {  	s1 =	srdreg.scid  }
0x8b: {  	s0 =	sand.u32 $0x1, s1  }
0x8c: {  	s17 =	sshll.u32 s0, $0xA;
	s2 =	sadd.s32 s3, s2  }
0x8d: {  	s2 =	sadd.s32 s2, s17  }
0x8e: {  	[smem:$0x3FC2] =	sst s2  }
0x8f: {  	_ = 	snop  }
0x90: {  	s2 =	sld [smem:$0x3FD0];
	(tm) =	ssettm $0x1  }
0x91: {  	s18 =	sld [smem:$0x3FFB];
	_ =	sdelay $0x3  }
0x92: {  	_ =	strace s18  }
0x93: {  	s3 =	sld [smem:$0x3FFC];
	_ =	sdelay $0x3  }
0x94: {  	_ =	strace s3  }
0x95: {  	s3 =	sld [smem:$0x3FFD];
	_ =	sdelay $0x3  }
0x96: {  	_ =	strace s3  }
0x97: {  	_ =	strace $0x8FFFFFFF  }
0x98: {  	s19 =	sld [smem:$0x3FDB];
	_ =	sdelay $0x1  }
0x99: {  	s4 =	simm.s32 $_scs_section_size  }
0x9a: {  	s5 =	simm.s32 $_size__tile_overlayer_lowered;
	s6 =	simm.s32 $_tile_overlayer_lowered  }
0x9b: {  	s22 =	simm.s32 $0x1BFF;
	s21 =	sshll.u32 s6, $0x1;
	s3 =	sadd.s32 s4, s19  }
0x9c: {  	s7 =	simm.s32 $0x0;
	s20 =	sshll.u32 s5, $0x1;
	s5 =	sadd.s32 s21, s3  }
0x9d: {  	[timem:s7], [sflag:s22] =	dma.local [hbm:s5], s20  }
0x9e: {  	_ =	swait.ge [sflag:s22], s20  }
0x9f: {  	s4 =	ssub.s32 $0x0, s20;
	[sflag:s22] =	ssyncset.done $0x0  }
0xa0: {  	[sflag:s22] =	ssyncadd.s32 s4;
	_ =	sdelay $0x1  }
0xa1: {  	s23 =	simm.s32 $0x1B8B  }
0xa2: {  	_ =	swait.ge [sflag:s23], $0x1  }
0xa3: {  	[sflag:s23] =	ssyncset.done $0x0  }
0xa4: {  	s25 =	simm.s32 $0x1B8E;
	s24 =	sld [smem:$0x3FFE];
	[sflag:s23] =	ssyncadd.s32 $0xFFFFFFFF  }
0xa5: {  	s26 =	simm.s32 $execute0_lowered;
	[smem:$0x3FD2] =	sst s25  }
0xa6: {  	s5 =	sshll.u32 s26, $0x1;
	_ =	strace $0x8000004C;
	[dreg:$0x1] =	wrdreg $0xFFFFFFFF  }
0xa7: {  	s28 =	simm.s32 $_size_execute0_lowered;
	s3 =	sadd.s32 s3, s5;
	[dreg:$0x0] =	wrdreg $0x0  }
0xa8: {  	s5 =	sshll.u32 s28, $0x1;
	[dreg:$0x2] =	wrdreg s3  }
0xa9: {  	[dreg:$0x3] =	wrdreg s5  }
0xaa: {  	[dreg:$0x4] =	wrdreg $0xC0  }
0xab: {  	_ =	task [dreg:s7], $0x5FFFF  }
0xac: {  	[dreg:$0x1] =	wrdreg $0xFFFFFFFF  }
0xad: {  	[dreg:$0x0] =	wrdreg $0x60  }
0xae: {  	[dreg:$0x2] =	wrdreg s2  }
0xaf: {  	[dreg:$0x3] =	wrdreg s24  }
0xb0: {  	[dreg:$0x4] =	wrdreg $0x0  }
0xb1: {  	[dreg:$0x5] =	wrdreg $0x4E200  }
0xb2: {  	[dreg:$0x6] =	wrdreg $0x9  }
0xb3: {  	_ =	task.clear_ibuf [dreg:s7], $0x7FFFF;
	_ =	strace $0x9000004C  }
0xb4: {  	s29 =	simm.s32 $0x9;
	_ =	strace $0x8000004E  }
0xb5: {  	_ =	swait.ge [sflag:s29], $0x1  }
0xb6: {  	[sflag:s29] =	ssyncadd.s32 $0xFFFFFFFF  }
0xb7: {  	_ =	strace $0x9000004E  }
0xb8: {  	_ =	sfence  }
0xb9: {  	s30 =	sld [smem:$0x0];
	_ =	sdelay $0x2  }
0xba: {  	s31 =	sshll.u32 s1, $0xD;
	s1 =	sshrl.u32 s1, $0x2  }
0xbb: {  	s3 =	sand.u32 $0x4000, s31;
	s1 =	sadd.s32 s1, s30  }
0xbc: {  	s0 =	sor.u32 s3, s0;
	s1 =	sshll.u32 s1, $0x11  }
0xbd: {  	s0 =	sor.u32 s1, s0  }
0xbe: {  	s0 =	sadd.s32 $0x8F2B, s0  }
0xbf: {  	[sflag:s0] =	ssyncadd.remote.s32 $0x1  }
0xc0: {  	_ =	sfence.sel $0xFFFF  }
0xc1: {  	[dreg:$0x0] =	wrdreg $0xFFFFFFFF;
	(pc) =	sbr.abs _section_cstart, $3  }
0xc2: {  	[dreg:$0x1] =	wrdreg $0xFFFFFFFF  }
0xc3: {  	_ =	task.clear_ibuf [dreg:s7], $0x2FFFF;
	_ =	strace $0x9FFFFFFF  }
0xc4: {  	(tm) =	ssettm $0x7FFFFFFF  }
0xc5: {  	_ =	shalt  }
tec
execute0_lowered:
.L_overlay_start_1:
0x0: {  	(tag) =	ssettag $0x1  }
0x1: {  	s0 =	rddreg [dreg:$0x0]  }
0x2: {  	s2 =	rddreg [dreg:$0x1]  }
0x3: {  	s1 =	rddreg [dreg:$0x2]  }
0x4: {  	s3 =	rddreg [dreg:$0x3]  }
0x5: {  	s4 =	simm.s32 $0x0;
	s13 =	stileid.u32;
	s5 =	srdreg.scid  }
0x6: {  	s19 =	simm.s32 $0x1;
	s28 =	simm.s32 $0xFD40;
	s20 =	smul.u32 $0xA00, s13  }
0x7: {  	s29 =	simm.s32 $0x0;
	[smem:$0x7FF] =	sst s4;
	s21 =	smul.u32 $0x9C00, s13  }
0x8: {  	s7 =	sadd.s32 $0x1400, s2;
	s8 =	sand.u32 $0x1, s5;
	s22 =	smul.u32 $0x4E00, s13  }
0x9: {  	s15 =	sadd.s32 $0x15000, s2;
	s23 =	sshll.u32 s13, $0x6;
	s24 =	smul.u32 $0x5000, s13  }
0xa: {  	s26 =	sadd.s32 $0x4E000, s3;
	p0 =	sne.s32 s13, $0xF;
	_ =	strace $0x8000004D  }
0xb: {  	s6 =	ssub.s32 $0x2, s8;
	s10 =	sshll.u32 s8, $0x5;
	s8 =	sshll.u32 s8, $0x2  }
0xc: {  	[dreg:$0x8] =	wrdreg s26;
	s26 =	simm.s32 $0xED40;
	s9 =	sadd.s32 s20, s2  }
0xd: {  	s11 =	sshrl.u32 s6, $0x1;
	s5 =	sor.u32 s10, s21;
	s18 =	sadd.s32 s22, s1  }
0xe: {  	s10 =	sadd.s32 s22, s3;
	s22 =	sadd.s32 $0x4E000, s1;
	s25 =	sshrl.u32 s24, $0x3  }
0xf: {  	s2 =	sadd.s32 $0x14800, s2;
	s31 =	sadd.s32 s8, s15;
	s17 =	sadd.s32 s20, s7  }
0x10: {  	s20 =	simm.s32 $0x4;
	s21 =	simm.s32 $0x8;
	s24 =	simm.s32 $0x9CC0  }
0x11: {  	s16 =	ssub.s32 s6, s11;
	s14 =	sshrl.u32 s5, $0x3;
	[dreg:$0x6] =	wrdreg s10  }
0x12: {  	s6 =	sor.u32 $0x1C04, s23;
	s9 =	sadd.s32 $0xB200, s9;
	[dreg:$0x9] =	wrdreg s2  }
0x13: {  	s12 =	sadd.s32 s7, s25;
	s18 =	sshrl.u32 s18, $0x3;
	s22 =	sshrl.u32 @!p0 s22, $0x3  }
0x14: {  	s23 =	simm.s32 $0x9C40;
	s25 =	simm.s32 $0x80;
	s5 =	sadd.s32 s0, s14  }
0x15: {  	[dreg:$0x7] =	wrdreg s9;
	s0 =	sadd.s32 s8, s0;
	s30 =	sadd.s32 s15, s14  }
0x16: {  	s9 =	sadd.s32 $0x13800, s0;
	s0 =	sadd.s32 $0x10, s12;
	[dreg:$0xb] =	wrdreg s30  }
0x17: {  	s15 =	sadd.s32 $0x13800, s31;
	s16 =	smax.u32 s16, $0x1;
	[dreg:$0xa] =	wrdreg s0  }
.LBB2_1:
0x18: {  	[spmem:s18@s20], [sflag:s6] =	dma.strided [hbm:s5@s21], $0x9C0, s19, $0x4   }
0x19: {  	_ =	swait.ge [sflag:s20], $0x9C0  }
0x1a: {  	[sflag:s20] =	ssyncset.done $0x0;
	s0 =	rddreg [dreg:$0x6]  }
0x1b: {  	[sflag:s20] =	ssyncadd.s32 $0xFFFFF640;
	s30 =	sshrl.u32 s0, $0x3  }
0x1c: {  	[spmem:s30@s20], [sflag:s6] =	dma.strided [hbm:s5@s21], $0x9C0, s19, $0x4   }
0x1d: {  	_ =	swait.ge [sflag:s20], $0x9C0  }
0x1e: {  	s2 =	simm.s32 @p0 $0x9D40;
	[sflag:s20] =	ssyncset.done $0x0  }
0x1f: {  	s0 =	simm.s32 @p0 $0x0;
	s4 =	rddreg [dreg:$0x7];
	[sflag:s20] =	ssyncadd.s32 $0xFFFFF640  }
0x20: {  	[tilespmem:s2], [sflag:$0x4] =	stream.linear.gather @p0 [hbm4b:s4+s0], $0x5000, $0x38;
	[tilespmem:$0x10D40] =	vst v63  }
0x21: {  	s0 =	simm.s32 @p0 $0x4  }
0x22: {  	_ =	swait.ge @p0 [sflag:s0], $0x5000  }
0x23: {  	s2 =	simm.s32 @!p0 $0x4;
	[sflag:s0] =	ssyncset.done @p0 $0x0  }
0x24: {  	s4 =	simm.s32 @!p0 $0x8;
	[sflag:s0] =	ssyncadd.s32 @p0 $0xFFFFB000;
	s0 =	simm.s32 @!p0 $0x1  }
0x25: {  	[spmem:s22@s2], [sflag:s6] =	dma.strided @!p0 [hbm:s9@s4], $0x40, s0, $0x4   }
0x26: {  	_ =	swait.ge @!p0 [sflag:s2], $0x40  }
0x27: {  	[sflag:s2] =	ssyncset.done @!p0 $0x0;
	s7 =	rddreg [dreg:$0x8]  }
0x28: {  	[sflag:s2] =	ssyncadd.s32 @!p0 $0xFFFFFFC0;
	s31 =	sshrl.u32 @!p0 s7, $0x3  }
0x29: {  	[spmem:s31@s2], [sflag:s6] =	dma.strided @!p0 [hbm:s9@s4], $0x40, s0, $0x4   }
0x2a: {  	_ =	swait.ge @!p0 [sflag:s2], $0x40  }
0x2b: {  	s0 =	simm.s32 @!p0 $0x0;
	[sflag:s2] =	ssyncset.done @!p0 $0x0  }
0x2c: {  	s4 =	simm.s32 @!p0 $0x9D40;
	s7 =	rddreg [dreg:$0x9];
	[sflag:s2] =	ssyncadd.s32 @!p0 $0xFFFFFFC0  }
0x2d: {  	[tilespmem:s4], [sflag:$0x4] =	stream.linear.gather @!p0 [hbm4b:s7+s0], $0x3200, $0x38;
	[tilespmem:$0x10D40] =	vst v63  }
0x2e: {  	_ =	swait.ge @!p0 [sflag:s2], $0x3200  }
0x2f: {  	[sflag:s2] =	ssyncset.done @!p0 $0x0  }
0x30: {  	[sflag:s2] =	ssyncadd.s32 @!p0 $0xFFFFCE00  }
0x31: {  	s11 =	simm.s32 $0x0;
	[bflag:$0x0] =	sbarrier.arrive $0xFFFF  }
0x32: {  	[tilespmem:s23], [sflag:$0x4] =	stream.linear.gather [hbm4b:s12+s11], $0x80, $0x38;
	[tilespmem:$0x10D40] =	vst v63  }
0x33: {  	_ =	swait.ge [sflag:s20], $0x80  }
0x34: {  	[sflag:s20] =	ssyncset.done $0x0  }
0x35: {  	s13 =	rddreg [dreg:$0xa];
	[sflag:s20] =	ssyncadd.s32 $0xFFFFFF80  }
0x36: {  	[tilespmem:s24], [sflag:$0x4] =	stream.linear.gather [hbm4b:s13+s11], $0x80, $0x38;
	[tilespmem:$0x10D40] =	vst v63  }
0x37: {  	s0 =	simm.s32 @!p0 $0x64;
	_ =	swait.ge [sflag:s20], $0x80  }
0x38: {  	s0 =	simm.s32 @p0 $0xA0;
	[sflag:s20] =	ssyncset.done $0x0  }
0x39: {  	s14 =	sshll.u32 s0, $0x4;
	[sflag:s20] =	ssyncadd.s32 $0xFFFFFF80  }
0x3a: {  	[tilespmem:s26], [sflag:$0x1] =	stream.indirect.gather [spmem:s1], $0x20, s23, s25, $0xb8;
	[tilespmem:$0x10D40] =	vst v63  }
0x3b: {  	s8 =	simm.s32 $0x9DC0;
	s2 =	sand.u32 $0xFE0, s14;
	_ =	swait.ge [sflag:s19], $0x1000  }
0x3c: {  	s4 =	simm.s32 $0x0;
	s2 =	sadd.s32 $0xFFFFFFE0, s2;
	[sflag:s19] =	ssyncset.done $0x0  }
0x3d: {  	[dreg:$0x5] =	wrdreg s2;
	s2 =	simm.s32 $0x3;
	[sflag:s19] =	ssyncadd.s32 $0xFFFFF000  }
.LBB2_2:
0x3e: {  	[tilespmem:s28], [sflag:$0x1] =	stream.indirect.gather [spmem:s1], $0x20, s24, s25, $0xb8;
	[tilespmem:$0x10D40] =	vst v63  }
0x3f: {  	s13 =	sadd.s32 $0xFFFFFFFF, s2  }
0x40: {  	s11 =	sadd.s32 $0xFFFFFF80, s8;
	p1 =	sge.u32 s13, s0  }
0x41: {  	[spmem:s3] =	stream.indirect.scatter.add.f32 [tilespmem:s26], [sflag:$0x3], $0x20, s11, s25, $0xb8;
	[tilespmem:$0x10D40] =	vst v63  }
0x42: {  	s7 =	smov.u32 s8;
	s8 =	simm.s32 @p1 $0x1  }
0x43: {  	_ =	swait.ge @p1 [sflag:s8], $0x1000  }
0x44: {  	[sflag:s8] =	ssyncset.done @p1 $0x0  }
0x45: {  	[sflag:s8] =	ssyncadd.s32 @p1 $0xFFFFF000;
	s8 =	simm.s32 @p1 $0x3  }
0x46: {  	_ =	swait.ge @p1 [sflag:s8], $0x1000  }
0x47: {  	[sflag:s8] =	ssyncset.done @p1 $0x0  }
0x48: {  	s10 =	simm.s32 @p1 $0xFD40;
	[sflag:s8] =	ssyncadd.s32 @p1 $0xFFFFF000;
	s8 =	simm.s32 @p1 $0x80  }
0x49: {  	[spmem:s3] =	stream.indirect.scatter.add.f32 @p1 [tilespmem:s10], [sflag:$0x4], $0x20, s7, s8, $0xb8;
	[tilespmem:$0x10D40] =	vst v63  }
0x4a: {  	s8 =	sadd.s32 @!p1 s4, s17  }
0x4b: {  	s11 =	simm.s32 @!p1 $0x9C40;
	s10 =	simm.s32 @!p1 $0x0;
	s8 =	sadd.s32 @!p1 $0x20, s8  }
0x4c: {  	[tilespmem:s11], [sflag:$0x2] =	stream.linear.gather @!p1 [hbm4b:s8+s10], $0x80, $0x38;
	[tilespmem:$0x10D40] =	vst v63  }
0x4d: {  	s8 =	simm.s32 @!p1 $0x1  }
0x4e: {  	_ =	swait.ge @!p1 [sflag:s8], $0x1000  }
0x4f: {  	[sflag:s8] =	ssyncset.done @!p1 $0x0  }
0x50: {  	s10 =	simm.s32 @!p1 $0x2;
	[sflag:s8] =	ssyncadd.s32 @!p1 $0xFFFFF000  }
0x51: {  	_ =	swait.ge @!p1 [sflag:s10], $0x80  }
0x52: {  	[sflag:s10] =	ssyncset.done @!p1 $0x0  }
0x53: {  	[sflag:s10] =	ssyncadd.s32 @!p1 $0xFFFFFF80;
	s10 =	simm.s32 @!p1 $0x3  }
0x54: {  	_ =	swait.ge @!p1 [sflag:s10], $0x1000  }
0x55: {  	s13 =	simm.s32 @!p1 $0x80;
	[sflag:s10] =	ssyncset.done @!p1 $0x0  }
0x56: {  	s14 =	simm.s32 @!p1 $0xED40;
	p2 =	sge.u32 @!p1 s2, s0;
	[sflag:s10] =	ssyncadd.s32 @!p1 $0xFFFFF000  }
0x57: {  	[tilespmem:s14], [sflag:$0x1] =	stream.indirect.gather @!p1 [spmem:s1], $0x20, s11, s13, $0xb8;
	[tilespmem:$0x10D40] =	vst v63  }
0x58: {  	p2 =	por p2, p1;
	s11 =	simm.s32 @!p1 $0xFD40  }
0x59: {  	[spmem:s3] =	stream.indirect.scatter.add.f32 @!p1 [tilespmem:s11], [sflag:$0x3], $0x20, s7, s13, $0xb8;
	[tilespmem:$0x10D40] =	vst v63  }
0x5a: {  	s11 =	sadd.s32 @!p2 s4, s17  }
0x5b: {  	s14 =	simm.s32 @!p2 $0x9CC0;
	s13 =	simm.s32 @!p2 $0x0;
	s11 =	sadd.s32 @!p2 $0x30, s11  }
0x5c: {  	[tilespmem:s14], [sflag:$0x2] =	stream.linear.gather @!p2 [hbm4b:s11+s13], $0x80, $0x38;
	[tilespmem:$0x10D40] =	vst v63  }
0x5d: {  	s11 =	simm.s32 @!p2 $0x2  }
0x5e: {  	_ =	swait.ge @!p2 [sflag:s11], $0x80  }
0x5f: {  	[sflag:s11] =	ssyncset.done @!p2 $0x0  }
0x60: {  	[sflag:s11] =	ssyncadd.s32 @!p2 $0xFFFFFF80  }
0x61: {  	_ =	swait.ge @!p1 [sflag:s8], $0x1000  }
0x62: {  	[sflag:s8] =	ssyncset.done @!p1 $0x0  }
0x63: {  	s10 =	simm.s32 @p1 $0x4;
	[sflag:s8] =	ssyncadd.s32 @!p1 $0xFFFFF000  }
0x64: {  	_ =	swait.ge [sflag:s10], $0x1000  }
0x65: {  	s4 =	sadd.s32 $0x20, s4;
	s14 =	rddreg [dreg:$0x5]  }
0x66: {  	p1 =	sne.s32 s14, s4  }
.Ltmp0:
0x67: {  	_ = 	snop;
	(pc) =	sbr.rel @p1 .LBB2_2-.Ltmp0, $3  }
0x68: {  	_ =	sdelay $0x1  }
0x69: {  	[sflag:s10] =	ssyncset.done $0x0  }
0x6a: {  	s2 =	sadd.s32 $0x2, s2;
	s8 =	sadd.s32 $0x100, s7;
	[sflag:s10] =	ssyncadd.s32 $0xFFFFF000  }
0x6b: {  	[tilespmem:s28], [sflag:$0x1] =	stream.indirect.gather [spmem:s1], $0x20, s24, s25, $0xb8;
	[tilespmem:$0x10D40] =	vst v63  }
0x6c: {  	s13 =	sadd.s32 $0xFFFFFFFF, s2  }
0x6d: {  	s7 =	sadd.s32 $0x80, s7;
	p1 =	slt.u32 s13, s0  }
0x6e: {  	[spmem:s3] =	stream.indirect.scatter.add.f32 [tilespmem:s26], [sflag:$0x3], $0x20, s7, s25, $0xb8;
	[tilespmem:$0x10D40] =	vst v63  }
0x6f: {  	s7 =	sadd.s32 @p1 s4, s17  }
0x70: {  	s10 =	simm.s32 @p1 $0x0;
	s11 =	simm.s32 @p1 $0x9C40;
	s7 =	sadd.s32 @p1 $0x20, s7  }
0x71: {  	[tilespmem:s11], [sflag:$0x2] =	stream.linear.gather @p1 [hbm4b:s7+s10], $0x80, $0x38;
	[tilespmem:$0x10D40] =	vst v63  }
0x72: {  	s7 =	simm.s32 @p1 $0x1  }
0x73: {  	_ =	swait.ge @p1 [sflag:s7], $0x1000  }
0x74: {  	[sflag:s7] =	ssyncset.done @p1 $0x0  }
0x75: {  	s10 =	simm.s32 @p1 $0x2;
	[sflag:s7] =	ssyncadd.s32 @p1 $0xFFFFF000  }
0x76: {  	_ =	swait.ge @p1 [sflag:s10], $0x80  }
0x77: {  	[sflag:s10] =	ssyncset.done @p1 $0x0  }
0x78: {  	[sflag:s10] =	ssyncadd.s32 @p1 $0xFFFFFF80;
	s10 =	simm.s32 @p1 $0x3  }
0x79: {  	_ =	swait.ge @p1 [sflag:s10], $0x1000  }
0x7a: {  	s13 =	simm.s32 @p1 $0xED40;
	p2 =	sge.u32 @p1 s2, s0;
	[sflag:s10] =	ssyncset.done @p1 $0x0  }
0x7b: {  	p2 =	por p2, !p1;
	[sflag:s10] =	ssyncadd.s32 @p1 $0xFFFFF000;
	s10 =	simm.s32 @p1 $0x80  }
0x7c: {  	[tilespmem:s13], [sflag:$0x1] =	stream.indirect.gather @p1 [spmem:s1], $0x20, s11, s10, $0xb8;
	[tilespmem:$0x10D40] =	vst v63  }
0x7d: {  	s0 =	sadd.s32 @!p2 s4, s17;
	s11 =	simm.s32 @p1 $0xFD40  }
0x7e: {  	[spmem:s3] =	stream.indirect.scatter.add.f32 @p1 [tilespmem:s11], [sflag:$0x3], $0x20, s8, s10, $0xb8;
	[tilespmem:$0x10D40] =	vst v63  }
0x7f: {  	s2 =	simm.s32 @!p2 $0x0;
	s4 =	simm.s32 @!p2 $0x9CC0;
	s0 =	sadd.s32 @!p2 $0x30, s0  }
0x80: {  	[tilespmem:s4], [sflag:$0x2] =	stream.linear.gather @!p2 [hbm4b:s0+s2], $0x80, $0x38;
	[tilespmem:$0x10D40] =	vst v63  }
0x81: {  	s0 =	simm.s32 @!p2 $0x2  }
0x82: {  	_ =	swait.ge @!p2 [sflag:s0], $0x80  }
0x83: {  	[sflag:s0] =	ssyncset.done @!p2 $0x0  }
0x84: {  	[sflag:s0] =	ssyncadd.s32 @!p2 $0xFFFFFF80  }
0x85: {  	_ =	swait.ge @p1 [sflag:s7], $0x1000  }
0x86: {  	[sflag:s7] =	ssyncset.done @p1 $0x0  }
0x87: {  	s0 =	simm.s32 @!p1 $0x1;
	[sflag:s7] =	ssyncadd.s32 @p1 $0xFFFFF000  }
0x88: {  	_ =	swait.ge @!p1 [sflag:s0], $0x1000  }
0x89: {  	[sflag:s0] =	ssyncset.done @!p1 $0x0  }
0x8a: {  	[sflag:s0] =	ssyncadd.s32 @!p1 $0xFFFFF000;
	s0 =	simm.s32 @!p1 $0x3  }
0x8b: {  	_ =	swait.ge @!p1 [sflag:s0], $0x1000  }
0x8c: {  	[sflag:s0] =	ssyncset.done @!p1 $0x0  }
0x8d: {  	s2 =	simm.s32 @!p1 $0xFD40;
	[sflag:s0] =	ssyncadd.s32 @!p1 $0xFFFFF000;
	s0 =	simm.s32 @!p1 $0x80  }
0x8e: {  	[spmem:s3] =	stream.indirect.scatter.add.f32 @!p1 [tilespmem:s2], [sflag:$0x4], $0x20, s8, s0, $0xb8;
	[tilespmem:$0x10D40] =	vst v63  }
0x8f: {  	s0 =	simm.s32 @!p1 $0x4  }
0x90: {  	s0 =	simm.s32 @p1 $0x3  }
0x91: {  	_ =	swait.ge [sflag:s0], $0x1000  }
0x92: {  	[sflag:s0] =	ssyncset.done $0x0  }
0x93: {  	[sflag:s0] =	ssyncadd.s32 $0xFFFFF000  }
0x94: {  	[bflag:$0x0] =	sbarrier.arrive $0xFFFF  }
0x95: {  	s14 =	rddreg [dreg:$0xb]  }
0x96: {  	[hbm:s14@s21], [sflag:s6] =	dma.strided [spmem:s30@s20], $0x9C0, s19, $0x4   }
0x97: {  	s29 =	sadd.s32 $0x1, s29;
	s4 =	simm.s32 @!p0 $0x4;
	_ =	swait.ge [sflag:s20], $0x9C0  }
0x98: {  	s2 =	simm.s32 @!p0 $0x8;
	p1 =	sne.s32 s29, s16;
	[sflag:s20] =	ssyncset.done $0x0  }
.Ltmp1:
0x99: {  	s0 =	simm.s32 @!p0 $0x1;
	[sflag:s20] =	ssyncadd.s32 $0xFFFFF640;
	(pc) =	sbr.rel @p1 .LBB2_1-.Ltmp1, $4  }
0x9a: {  	[hbm:s15@s2], [sflag:s6] =	dma.strided @!p0 [spmem:s31@s4], $0x40, s0, $0x4   }
0x9b: {  	_ =	swait.ge @!p0 [sflag:s4], $0x40  }
0x9c: {  	[sflag:s4] =	ssyncset.done @!p0 $0x0  }
0x9d: {  	[sflag:s4] =	ssyncadd.s32 @!p0 $0xFFFFFFC0  }
0x9e: {  	_ =	sfence.sel $0x180000  }
0x9f: {  	[bflag:$0x0] =	sbarrier.arrive $0xFFFF  }
0xa0: {  	_ =	strace $0x9000004D  }
0xa1: {  	s0 =	stileid.u32;
	[bflag:$0x2] =	sbarrier.arrive $0xFFFF  }
0xa2: {  	p0 =	sne.s32 s0, $0x0;
	s0 =	rddreg [dreg:$0x4]  }
0xa3: {  	s0 =	sadd.s32 @!p0 $0x100000, s0  }
0xa4: {  	[sflag:s0] =	ssyncadd.tile.s32 @!p0 $0x1;
	_ =	shalt  }
.Lfunc_end2:
_tile_overlayer_lowered:
.L_overlay_start_2:
0xa5: {  	(tag) =	ssettag $0x2  }
0xa6: {  	s0 =	rddreg [dreg:$0x0];
	s2 =	stileid.u32  }
0xa7: {  	s1 =	rddreg [dreg:$0x1];
	p0 =	sne.s32 s2, $0x0  }
0xa8: {  	s3 =	rddreg [dreg:$0x2];
	[bflag:$0x3] =	sbarrier.arrive $0xFFFF;
	s2 =	simm.s32 @!p0 $0x1C04  }
0xa9: {  	[timem:s3], [sflag:s2] =	dma.local @!p0 [hbm:s0], s1  }
0xaa: {  	s0 =	simm.s32 @!p0 $0x4  }
0xab: {  	_ =	swait.ge @!p0 [sflag:s0], s1  }
0xac: {  	s1 =	ssub.s32 @!p0 $0x0, s1;
	[sflag:s0] =	ssyncset.done @!p0 $0x0  }
0xad: {  	[sflag:s0] =	ssyncadd.s32 @!p0 s1  }
0xae: {  	[bflag:$0x3] =	sbarrier.arrive $0xFFFF  }
0xaf: {  	_ =	shalt  }

// kernel: kernel.8.cloned.1.call-start
scs
__scs_entry_jumppad:
0x0: {  	(pc) =	sbr.rel $0x88, $3  }
0x1: {  	(tag) =	ssettag $0x0;
	lr =	simm.s32 $0x1  }
0x2: {  	[smem:$0x3F9B] =	sst lr;
	_ =	strace $0xD0000000  }
0x3: {  	_ = 	snop  }
0x4: {  	_ = 	snop  }
0x5: {  	_ = 	snop  }
0x6: {  	_ = 	snop  }
0x7: {  	_ = 	snop  }
__scs_overlays_trampoline_lowered:
0x8: {  	[smem:$0x3FAA] =	sst s0  }
0x9: {  	[smem:$0x3FAB] =	sst s1  }
0xa: {  	[smem:$0x3FAC] =	sst s2  }
0xb: {  	[smem:$0x3FAD] =	sst s3  }
0xc: {  	[smem:$0x3FAE] =	sst s4  }
0xd: {  	[smem:$0x3FAF] =	sst s5  }
0xe: {  	[smem:$0x3FB0] =	sst s6  }
0xf: {  	[smem:$0x3FB1] =	sst s7  }
0x10: {  	[smem:$0x3FB2] =	sst s8  }
0x11: {  	[smem:$0x3FB3] =	sst s9;
	s0 =	simm.s32 @!p0 $0x0  }
0x12: {  	s1 =	sld [smem:$0x3F99];
	s0 =	simm.s32 @p0 $0x1  }
0x13: {  	[smem:$0x3FB4] =	sst s0;
	s0 =	simm.s32 @!p1 $0x0  }
0x14: {  	s2 =	sld [smem:$0x3F98];
	s0 =	simm.s32 @p1 $0x1  }
0x15: {  	[smem:$0x3FB5] =	sst s0;
	s0 =	simm.s32 @!p2 $0x0  }
0x16: {  	s3 =	sld [smem:$0x3FDB];
	s0 =	simm.s32 @p2 $0x1  }
0x17: {  	s4 =	simm.s32 $0x1BF5;
	[smem:$0x3FB7] =	sst s0  }
0x18: {  	s0 =	sld [smem:$0x3F9A];
	_ =	swait.ge [sflag:s4], $0x0  }
0x19: {  	s7 =	sld [smem:$0x3F9B]  }
0x1a: {  	s8 =	sadd.s32 $0xFFFFE003, lr  }
0x1b: {  	s9 =	sadd.s32 $0xFFFFFEF7, lr;
	s5 =	simm.s32 $0xFFFFFFFF;
	p2 =	slt.u32 s8, $0xFFFFF086  }
0x1c: {  	p1 =	slt.u32 s9, $0xF7A;
	s5 =	simm.s32 @!p2 $0x0  }
0x1d: {  	s5 =	simm.s32 @p1 $0x1;
	p0 =	seq.s32 s7, s2  }
0x1e: {  	s7 =	smul.u32 @!p0 $0xF7A, s2;
	p2 =	seq.s32 @!p0 s5, $0x0  }
0x1f: {  	s9 =	smul.u32 $0xF7A, s1;
	s8 =	simm.s32 @!p0 $0x1BF5;
	p2 =	por !p2, p0  }
0x20: {  	[sflag:s8] =	ssyncset.s32 @!p0 $0xFFFFF086;
	s6 =	sadd.s32 @!p0 s3, s7;
	s7 =	simm.s32 @!p0 $0x108  }
0x21: {  	s3 =	sadd.s32 s3, s9;
	s6 =	sadd.s32 @!p0 $0x88, s6;
	s7 =	simm.s32 @p2 $0x1082  }
0x22: {  	[simem:s7], [sflag:s8] =	dma.local @!p0 [hbm:s6], $0xF7A  }
0x23: {  	s9 =	sor.u32 $0xD0000000, s2;
	s6 =	simm.s32 $0x108;
	_ =	swait.ge @!p0 [sflag:s8], $0x0  }
0x24: {  	s3 =	sadd.s32 $0x88, s3;
	s6 =	simm.s32 @!p1 $0x1082;
	[sflag:s4] =	ssyncset.s32 $0xFFFFF086  }
0x25: {  	[simem:s6], [sflag:s4] =	dma.local [hbm:s3], $0xF7A  }
0x26: {  	[smem:$0x3F9B] =	sst s1;
	(tag) =	ssettag s2;
	_ =	strace s9  }
0x27: {  	s1 =	sld [smem:$0x3FAB]  }
0x28: {  	s2 =	sld [smem:$0x3FAC]  }
0x29: {  	s4 =	sld [smem:$0x3FAE]  }
0x2a: {  	p0 =	seq.s32 s5, $0x0;
	s5 =	sld [smem:$0x3FAF]  }
0x2b: {  	s6 =	sld [smem:$0x3FB0]  }
0x2c: {  	s7 =	sld [smem:$0x3FB1]  }
0x2d: {  	s3 =	simm.s32 $0x108;
	s8 =	sld [smem:$0x3FB2]  }
0x2e: {  	s3 =	simm.s32 @!p0 $0x1082;
	s9 =	sld [smem:$0x3FB3]  }
0x2f: {  	lr =	sadd.s32 s0, s3;
	s0 =	sld [smem:$0x3FAA]  }
0x30: {  	s3 =	sld [smem:$0x3FAD]  }
0x31: {  	[smem:$0x3FB6] =	sst s10  }
0x32: {  	s10 =	sld [smem:$0x3FB4];
	_ =	sdelay $0x3  }
0x33: {  	p0 =	seq.s32 s10, $0x1;
	s10 =	sld [smem:$0x3FB6];
	_ =	sdelay $0x3  }
0x34: {  	[smem:$0x3FB6] =	sst s10  }
0x35: {  	s10 =	sld [smem:$0x3FB5];
	_ =	sdelay $0x3  }
0x36: {  	p1 =	seq.s32 s10, $0x1;
	s10 =	sld [smem:$0x3FB6];
	_ =	sdelay $0x3  }
0x37: {  	[smem:$0x3FB6] =	sst s10  }
0x38: {  	s10 =	sld [smem:$0x3FB7]  }
0x39: {  	_ = 	snop;
	(pc) =	sbr.ind lr, $3  }
0x3a: {  	_ = 	snop  }
0x3b: {  	_ = 	snop  }
0x3c: {  	p2 =	seq.s32 s10, $0x1;
	s10 =	sld [smem:$0x3FB6]  }
0x3d: {  	_ =	shalt  }
0x3e: {  	_ =	shalt  }
0x3f: {  	_ =	shalt  }
0x40: {  	_ =	shalt  }
0x41: {  	_ =	shalt  }
0x42: {  	_ =	shalt  }
0x43: {  	_ =	shalt  }
0x44: {  	_ =	shalt  }
0x45: {  	_ =	shalt  }
0x46: {  	_ =	shalt  }
0x47: {  	_ =	shalt  }
0x48: {  	_ =	shalt  }
0x49: {  	_ =	shalt  }
0x4a: {  	_ =	shalt  }
0x4b: {  	_ =	shalt  }
0x4c: {  	_ =	shalt  }
0x4d: {  	_ =	shalt  }
0x4e: {  	_ =	shalt  }
0x4f: {  	_ =	shalt  }
0x50: {  	_ =	shalt  }
0x51: {  	_ =	shalt  }
0x52: {  	_ =	shalt  }
0x53: {  	_ =	shalt  }
0x54: {  	_ =	shalt  }
0x55: {  	_ =	shalt  }
0x56: {  	_ =	shalt  }
0x57: {  	_ =	shalt  }
0x58: {  	_ =	shalt  }
0x59: {  	_ =	shalt  }
0x5a: {  	_ =	shalt  }
0x5b: {  	_ =	shalt  }
0x5c: {  	_ =	shalt  }
0x5d: {  	_ =	shalt  }
0x5e: {  	_ =	shalt  }
0x5f: {  	_ =	shalt  }
0x60: {  	_ =	shalt  }
0x61: {  	_ =	shalt  }
0x62: {  	_ =	shalt  }
0x63: {  	_ =	shalt  }
0x64: {  	_ =	shalt  }
0x65: {  	_ =	shalt  }
0x66: {  	_ =	shalt  }
0x67: {  	_ =	shalt  }
0x68: {  	_ =	shalt  }
0x69: {  	_ =	shalt  }
0x6a: {  	_ =	shalt  }
0x6b: {  	_ =	shalt  }
0x6c: {  	_ =	shalt  }
0x6d: {  	_ =	shalt  }
0x6e: {  	_ =	shalt  }
0x6f: {  	_ =	shalt  }
0x70: {  	_ =	shalt  }
0x71: {  	_ =	shalt  }
0x72: {  	_ =	shalt  }
0x73: {  	_ =	shalt  }
0x74: {  	_ =	shalt  }
0x75: {  	_ =	shalt  }
0x76: {  	_ =	shalt  }
0x77: {  	_ =	shalt  }
0x78: {  	_ =	shalt  }
0x79: {  	_ =	shalt  }
0x7a: {  	_ =	shalt  }
0x7b: {  	_ =	shalt  }
0x7c: {  	_ =	shalt  }
0x7d: {  	_ =	shalt  }
0x7e: {  	_ =	shalt  }
0x7f: {  	_ =	shalt  }
0x80: {  	_ =	shalt  }
0x81: {  	_ =	shalt  }
0x82: {  	_ =	shalt  }
0x83: {  	_ =	shalt  }
0x84: {  	_ =	shalt  }
0x85: {  	_ =	shalt  }
0x86: {  	_ =	shalt  }
0x87: {  	_ =	shalt  }
.Lfunc_end0:
.L_simem_size_0:
called_computation_lowered:
.L_overlay_start_0:
0x88: {  	s2 =	sld [smem:$0x3FD9]  }
0x89: {  	s3 =	sld [smem:$0x3FFE];
	_ =	sdelay $0x1  }
0x8a: {  	s1 =	srdreg.scid  }
0x8b: {  	s0 =	sand.u32 $0x1, s1  }
0x8c: {  	s17 =	sshll.u32 s0, $0xA;
	s2 =	sadd.s32 s3, s2  }
0x8d: {  	s2 =	sadd.s32 s2, s17  }
0x8e: {  	[smem:$0x3FC2] =	sst s2  }
0x8f: {  	_ = 	snop  }
0x90: {  	s2 =	sld [smem:$0x3FD0];
	(tm) =	ssettm $0x1  }
0x91: {  	s18 =	sld [smem:$0x3FFB];
	_ =	sdelay $0x3  }
0x92: {  	_ =	strace s18  }
0x93: {  	s3 =	sld [smem:$0x3FFC];
	_ =	sdelay $0x3  }
0x94: {  	_ =	strace s3  }
0x95: {  	s3 =	sld [smem:$0x3FFD];
	_ =	sdelay $0x3  }
0x96: {  	_ =	strace s3  }
0x97: {  	_ =	strace $0x8FFFFFFF  }
0x98: {  	s19 =	sld [smem:$0x3FDB];
	_ =	sdelay $0x1  }
0x99: {  	s4 =	simm.s32 $_scs_section_size  }
0x9a: {  	s5 =	simm.s32 $_size__tile_overlayer_lowered;
	s6 =	simm.s32 $_tile_overlayer_lowered  }
0x9b: {  	s22 =	simm.s32 $0x1BFF;
	s21 =	sshll.u32 s6, $0x1;
	s3 =	sadd.s32 s4, s19  }
0x9c: {  	s7 =	simm.s32 $0x0;
	s20 =	sshll.u32 s5, $0x1;
	s5 =	sadd.s32 s21, s3  }
0x9d: {  	[timem:s7], [sflag:s22] =	dma.local [hbm:s5], s20  }
0x9e: {  	_ =	swait.ge [sflag:s22], s20  }
0x9f: {  	s4 =	ssub.s32 $0x0, s20;
	[sflag:s22] =	ssyncset.done $0x0  }
0xa0: {  	[sflag:s22] =	ssyncadd.s32 s4;
	_ =	sdelay $0x1  }
0xa1: {  	s23 =	simm.s32 $0x1B8B  }
0xa2: {  	_ =	swait.ge [sflag:s23], $0x1  }
0xa3: {  	[sflag:s23] =	ssyncset.done $0x0  }
0xa4: {  	s25 =	simm.s32 $0x1B8E;
	s24 =	sld [smem:$0x3FFE];
	[sflag:s23] =	ssyncadd.s32 $0xFFFFFFFF  }
0xa5: {  	s26 =	simm.s32 $execute0_lowered;
	[smem:$0x3FD2] =	sst s25  }
0xa6: {  	s5 =	sshll.u32 s26, $0x1;
	_ =	strace $0x80000046;
	[dreg:$0x1] =	wrdreg $0xFFFFFFFF  }
0xa7: {  	s28 =	simm.s32 $_size_execute0_lowered;
	s3 =	sadd.s32 s3, s5;
	[dreg:$0x0] =	wrdreg $0x0  }
0xa8: {  	s5 =	sshll.u32 s28, $0x1;
	[dreg:$0x2] =	wrdreg s3  }
0xa9: {  	[dreg:$0x3] =	wrdreg s5  }
0xaa: {  	[dreg:$0x4] =	wrdreg $0xC0  }
0xab: {  	_ =	task [dreg:s7], $0x5FFFF  }
0xac: {  	[dreg:$0x1] =	wrdreg $0xFFFFFFFF  }
0xad: {  	[dreg:$0x0] =	wrdreg $0x60  }
0xae: {  	[dreg:$0x2] =	wrdreg s24  }
0xaf: {  	[dreg:$0x3] =	wrdreg s2  }
0xb0: {  	[dreg:$0x4] =	wrdreg $0x0  }
0xb1: {  	[dreg:$0x5] =	wrdreg $0x9  }
0xb2: {  	_ =	task.clear_ibuf [dreg:s7], $0x6FFFF;
	_ =	strace $0x90000046  }
0xb3: {  	s29 =	simm.s32 $0x9;
	_ =	strace $0x80000048  }
0xb4: {  	_ =	swait.ge [sflag:s29], $0x1  }
0xb5: {  	[sflag:s29] =	ssyncadd.s32 $0xFFFFFFFF  }
0xb6: {  	_ =	strace $0x90000048  }
0xb7: {  	_ =	sfence  }
0xb8: {  	s30 =	sld [smem:$0x0];
	_ =	sdelay $0x2  }
0xb9: {  	s31 =	sshll.u32 s1, $0xD;
	s1 =	sshrl.u32 s1, $0x2  }
0xba: {  	s3 =	sand.u32 $0x4000, s31;
	s1 =	sadd.s32 s1, s30  }
0xbb: {  	s0 =	sor.u32 s3, s0;
	s1 =	sshll.u32 s1, $0x11  }
0xbc: {  	s0 =	sor.u32 s1, s0  }
0xbd: {  	s0 =	sadd.s32 $0x8F2B, s0  }
0xbe: {  	[sflag:s0] =	ssyncadd.remote.s32 $0x1  }
0xbf: {  	_ =	sfence.sel $0xFFFF  }
0xc0: {  	[dreg:$0x0] =	wrdreg $0xFFFFFFFF;
	(pc) =	sbr.abs _section_cstart, $3  }
0xc1: {  	[dreg:$0x1] =	wrdreg $0xFFFFFFFF  }
0xc2: {  	_ =	task.clear_ibuf [dreg:s7], $0x2FFFF;
	_ =	strace $0x9FFFFFFF  }
0xc3: {  	(tm) =	ssettm $0x7FFFFFFF  }
tec
execute0_lowered:
.L_overlay_start_1:
0x0: {  	(tag) =	ssettag $0x1  }
0x1: {  	s6 =	rddreg [dreg:$0x0]  }
0x2: {  	s0 =	srdreg.scid;
	s14 =	rddreg [dreg:$0x1]  }
0x3: {  	s2 =	rddreg [dreg:$0x2];
	s1 =	stileid.u32;
	s3 =	simm.s32 $0x0  }
0x4: {  	s18 =	simm.s32 $0x1;
	s19 =	simm.s32 $0x80;
	s20 =	simm.s32 $0x4F10  }
0x5: {  	s10 =	sand.u32 $0x1, s0;
	s0 =	rddreg [dreg:$0x3];
	s31 =	smul.u32 $0x9C00, s1  }
0x6: {  	[smem:$0x7FF] =	sst s3;
	s13 =	smul.u32 $0x4E0, s1;
	p1 =	sne.s32 s1, $0xF  }
0x7: {  	s4 =	sshll.u32 s10, $0x4;
	s7 =	ssub.s32 $0x2, s10;
	s12 =	smul.u32 $0x27100, s10  }
0x8: {  	s15 =	smul.u32 $0x4E20, s10;
	s4 =	sor.u32 s1, s4;
	s8 =	sshrl.u32 s7, $0x1  }
0x9: {  	_ =	strace $0x80000047;
	s5 =	smul.u32 $0x500, s4;
	s16 =	ssub.s32 s7, s8  }
0xa: {  	p0 =	seq.s32 s4, $0x1F;
	s4 =	simm.s32 $0x14;
	s7 =	sshrl.u32 s31, $0x2  }
0xb: {  	s17 =	sshrl.u32 s12, $0x3;
	s15 =	sadd.s32 s13, s15;
	s13 =	sadd.s32 $0x27000, s2  }
0xc: {  	s4 =	simm.s32 @!p0 $0x50;
	s7 =	sadd.s32 s7, s2;
	s17 =	sadd.s32 s14, s17  }
0xd: {  	s14 =	sadd.s32 s14, s15;
	s16 =	smax.u32 s16, $0x1;
	s5 =	sadd.s32 s5, s6  }
0xe: {  	s6 =	sadd.s32 $0x14D00, s6;
	s8 =	sadd.s32 $0x680, s7;
	s9 =	sadd.s32 $0xD00, s7  }
0xf: {  	s10 =	sadd.s32 $0x1380, s7;
	s11 =	sadd.s32 $0x1A00, s7;
	s12 =	sadd.s32 $0x2080, s7  }
0x10: {  	v0 =	vimm.f32 $1.000000000e+00;
	v1 =	vimm.f32 $0.0e+00;
	s15 =	sadd.s32 $0x4E00, s17;
	s17 =	simm.s32 $0x5710;
	s5 =	sadd.s32 $0xB200, s5  }
.LBB2_1:
0x11: {  	s21 =	simm.s32 @p0 $0x0;
	s22 =	simm.s32 @p0 $0x2710  }
0x12: {  	[tilespmem:s22], [sflag:$0x1] =	stream.linear.gather @p0 [hbm4b:s6+s21], $0xA00, $0x38;
	[tilespmem:$0x5D90] =	vst v63  }
0x13: {  	s21 =	simm.s32 @p0 $0x1  }
0x14: {  	_ =	swait.ge @p0 [sflag:s21], $0xA00  }
0x15: {  	[sflag:s21] =	ssyncset.done @p0 $0x0  }
0x16: {  	s22 =	simm.s32 @!p0 $0x2710;
	[sflag:s21] =	ssyncadd.s32 @p0 $0xFFFFF600;
	s21 =	simm.s32 @!p0 $0x0  }
0x17: {  	[tilespmem:s22], [sflag:$0x1] =	stream.linear.gather @!p0 [hbm4b:s5+s21], $0x2800, $0x38;
	[tilespmem:$0x5D90] =	vst v63  }
0x18: {  	s21 =	simm.s32 @!p0 $0x1  }
0x19: {  	_ =	swait.ge @!p0 [sflag:s21], $0x2800  }
0x1a: {  	[sflag:s21] =	ssyncset.done @!p0 $0x0  }
0x1b: {  	[sflag:s21] =	ssyncadd.s32 @!p0 $0xFFFFD800;
	s21 =	simm.s32 $0x0  }
.LBB2_2:
0x1c: {  	p2 =	sne.s32 s21, $0x1FC0  }
.Ltmp0:
0x1d: {  	_ = 	snop;
	(pc) =	sbr.rel @p2 .LBB2_2-.Ltmp0, $3  }
0x1e: {  	_ =	sdelay $0x1  }
0x1f: {  	s22 =	sshra.s32 s21, $0x2  }
0x20: {  	s21 =	sadd.s32 $0x40, s21;
	[tilespmem:s22+$0x4F10] =	vst v0  }
0x21: {  	s21 =	simm.s32 $0x40;
	s22 =	simm.s32 $0x0  }
.LBB2_4:
0x22: {  	p2 =	sne.s32 s21, $0x19C0;
	[tilespmem:s22+$0x5710] =	vst v1;
	s22 =	smov.u32 s21;
	s21 =	sadd.s32 $0x40, s21  }
.Ltmp1:
0x23: {  	(pc) =	sbr.rel @p2 .LBB2_4-.Ltmp1, $2  }
0x24: {  	_ =	sdelay $0x2  }
0x25: {  	s22 =	sshra.s32 s22, $0x2  }
0x26: {  	[tilespmem:s22+$0x5710] =	vst v1  }
0x27: {  	[spmem:s7] =	stream.linear.scatter [tilespmem:s17], [sflag:$0x1], $0x680, $0x38;
	[tilespmem:$0x5D90] =	vst v63  }
0x28: {  	_ =	swait.ge [sflag:s18], $0x680  }
0x29: {  	[sflag:s18] =	ssyncset.done $0x0  }
0x2a: {  	[sflag:s18] =	ssyncadd.s32 $0xFFFFF980  }
0x2b: {  	[spmem:s8] =	stream.linear.scatter [tilespmem:s17], [sflag:$0x1], $0x680, $0x38;
	[tilespmem:$0x5D90] =	vst v63  }
0x2c: {  	_ =	swait.ge [sflag:s18], $0x680  }
0x2d: {  	[sflag:s18] =	ssyncset.done $0x0  }
0x2e: {  	[sflag:s18] =	ssyncadd.s32 $0xFFFFF980  }
0x2f: {  	[spmem:s9] =	stream.linear.scatter [tilespmem:s17], [sflag:$0x1], $0x680, $0x38;
	[tilespmem:$0x5D90] =	vst v63  }
0x30: {  	_ =	swait.ge [sflag:s18], $0x680  }
0x31: {  	[sflag:s18] =	ssyncset.done $0x0  }
0x32: {  	[sflag:s18] =	ssyncadd.s32 $0xFFFFF980  }
0x33: {  	[spmem:s10] =	stream.linear.scatter [tilespmem:s17], [sflag:$0x1], $0x680, $0x38;
	[tilespmem:$0x5D90] =	vst v63  }
0x34: {  	_ =	swait.ge [sflag:s18], $0x680  }
0x35: {  	[sflag:s18] =	ssyncset.done $0x0  }
0x36: {  	[sflag:s18] =	ssyncadd.s32 $0xFFFFF980  }
0x37: {  	[spmem:s11] =	stream.linear.scatter [tilespmem:s17], [sflag:$0x1], $0x680, $0x38;
	[tilespmem:$0x5D90] =	vst v63  }
0x38: {  	_ =	swait.ge [sflag:s18], $0x680  }
0x39: {  	[sflag:s18] =	ssyncset.done $0x0  }
0x3a: {  	[sflag:s18] =	ssyncadd.s32 $0xFFFFF980  }
0x3b: {  	[spmem:s12] =	stream.linear.scatter [tilespmem:s17], [sflag:$0x1], $0x680, $0x38;
	[tilespmem:$0x5D90] =	vst v63  }
0x3c: {  	_ =	swait.ge [sflag:s18], $0x680  }
0x3d: {  	[sflag:s18] =	ssyncset.done $0x0  }
0x3e: {  	s21 =	simm.s32 @!p1 $0x5710;
	[sflag:s18] =	ssyncadd.s32 $0xFFFFF980  }
0x3f: {  	[spmem:s13] =	stream.linear.scatter @!p1 [tilespmem:s21], [sflag:$0x1], $0x100, $0x38;
	[tilespmem:$0x5D90] =	vst v63  }
0x40: {  	s21 =	simm.s32 @!p1 $0x1  }
0x41: {  	_ =	swait.ge @!p1 [sflag:s21], $0x100  }
0x42: {  	p2 =	sne.s32 s4, $0x1;
	[sflag:s21] =	ssyncset.done @!p1 $0x0  }
.Ltmp2:
0x43: {  	[sflag:s21] =	ssyncadd.s32 @!p1 $0xFFFFFF00;
	(pc) =	sbr.rel @!p2 .LBB2_7-.Ltmp2, $4  }
0x44: {  	s22 =	simm.s32 $0x2710;
	[bflag:$0x0] =	sbarrier.arrive $0xFFFF  }
0x45: {  	[spmem:s2] =	stream.indirect.scatter.add.f32 [tilespmem:s20], [sflag:$0x1], $0x10, s22, s19, $0xb8;
	[tilespmem:$0x5D90] =	vst v63  }
0x46: {  	_ =	swait.ge [sflag:s18], $0x800  }
0x47: {  	s23 =	sadd.s32 $0xFFFFFFFF, s4;
	[sflag:s18] =	ssyncset.done $0x0  }
.LBB2_6:
0x48: {  	p2 =	sne.s32 s23, $0x1;
	[sflag:s18] =	ssyncadd.s32 $0xFFFFF800;
	s22 =	sadd.s32 $0x80, s22  }
.Ltmp3:
0x49: {  	s23 =	sadd.s32 $0xFFFFFFFF, s23;
	(pc) =	sbr.rel @p2 .LBB2_6-.Ltmp3, $4  }
0x4a: {  	_ = 	snop  }
0x4b: {  	[spmem:s2] =	stream.indirect.scatter.add.f32 [tilespmem:s20], [sflag:$0x1], $0x10, s22, s19, $0xb8;
	[tilespmem:$0x5D90] =	vst v63  }
0x4c: {  	_ =	swait.ge [sflag:s18], $0x800  }
0x4d: {  	[sflag:s18] =	ssyncset.done $0x0  }
.LBB2_7:
0x4e: {  	[sflag:s18] =	ssyncadd.s32 $0xFFFFF800;
	s22 =	sshll.u32 s1, $0x6  }
0x4f: {  	s23 =	sshrl.u32 s7, $0x3;
	[bflag:$0x0] =	sbarrier.arrive $0xFFFF;
	s22 =	sor.u32 $0x1C01, s22  }
0x50: {  	[hbm:s14], [sflag:s22] =	dma.local [spmem:s23], $0x4E0  }
0x51: {  	s3 =	sadd.s32 $0x1, s3;
	_ =	swait.ge [sflag:s18], $0x4E0  }
0x52: {  	p2 =	sne.s32 s3, s16;
	[sflag:s18] =	ssyncset.done $0x0  }
.Ltmp4:
0x53: {  	s23 =	sshrl.u32 @!p1 s13, $0x3;
	[sflag:s18] =	ssyncadd.s32 $0xFFFFFB20;
	(pc) =	sbr.rel @p2 .LBB2_1-.Ltmp4, $4  }
0x54: {  	[hbm:s15], [sflag:s22] =	dma.local @!p1 [spmem:s23], $0x20  }
0x55: {  	_ =	swait.ge @!p1 [sflag:s21], $0x20  }
0x56: {  	[sflag:s21] =	ssyncset.done @!p1 $0x0  }
0x57: {  	[sflag:s21] =	ssyncadd.s32 @!p1 $0xFFFFFFE0  }
0x58: {  	_ =	sfence.sel $0x180000  }
0x59: {  	[bflag:$0x0] =	sbarrier.arrive $0xFFFF  }
0x5a: {  	p0 =	sne.s32 s1, $0x0;
	_ =	strace $0x90000047  }
0x5b: {  	s0 =	sadd.s32 @!p0 $0x100000, s0;
	[bflag:$0x2] =	sbarrier.arrive $0xFFFF  }
0x5c: {  	[sflag:s0] =	ssyncadd.tile.s32 @!p0 $0x1;
	_ =	shalt  }
.Lfunc_end2:
_tile_overlayer_lowered:
.L_overlay_start_2:
0x5d: {  	(tag) =	ssettag $0x2  }
0x5e: {  	s0 =	rddreg [dreg:$0x0];
	s2 =	stileid.u32  }
0x5f: {  	s1 =	rddreg [dreg:$0x1];
	p0 =	sne.s32 s2, $0x0  }
0x60: {  	s3 =	rddreg [dreg:$0x2];
	[bflag:$0x3] =	sbarrier.arrive $0xFFFF;
	s2 =	simm.s32 @!p0 $0x1C01  }
0x61: {  	[timem:s3], [sflag:s2] =	dma.local @!p0 [hbm:s0], s1  }
0x62: {  	s0 =	simm.s32 @!p0 $0x1  }
0x63: {  	_ =	swait.ge @!p0 [sflag:s0], s1  }
0x64: {  	s1 =	ssub.s32 @!p0 $0x0, s1;
	[sflag:s0] =	ssyncset.done @!p0 $0x0  }
0x65: {  	[sflag:s0] =	ssyncadd.s32 @!p0 s1  }
0x66: {  	[bflag:$0x3] =	sbarrier.arrive $0xFFFF  }
0x67: {  	_ =	shalt  }

</sc_bundles>
